<compile_context>
chip_gen: v7x
topology: tpu7x:2x2x1
jax: 0.10.2.dev20260603
libtpu: 0.0.44.dev20260713+nightly
codegen_flags: <defaults>
</compile_context>

<pallas_src>
import functools

import jax
import jax.numpy as jnp
from jax import lax
from jax.experimental import pallas as pl
from jax.experimental.pallas import tpu as pltpu
from jax.experimental.pallas import tpu_sc as plsc

VOCAB = 1000000
EMBED_DIM = 16
BATCH = 16384
HIST = 200

_PACK = 128 // EMBED_DIM
_ROWS = VOCAB // _PACK
_BLK = 5000
_GRID = _ROWS // _BLK

_NC = 2
_NS = 16
_NW = _NC * _NS
_RB = 16
_NB = BATCH // _RB
_BPW = _NB // _NW
_IDX_ROWS = HIST * _RB // 128


def _score_body(m_ref, s_ref, b_ref, o_ref):
    o_ref[...] = (
        jnp.dot(m_ref[...], s_ref[...], preferred_element_type=jnp.float32)
        + b_ref[0, 0]
    )


_score = pl.pallas_call(
    _score_body,
    grid=(_GRID,),
    in_specs=[
        pl.BlockSpec((_BLK, 128), lambda i: (i, 0)),
        pl.BlockSpec((128, _PACK), lambda i: (0, 0)),
        pl.BlockSpec(memory_space=pltpu.SMEM),
    ],
    out_specs=pl.BlockSpec((_BLK, _PACK), lambda i: (i, 0)),
    out_shape=jax.ShapeDtypeStruct((_ROWS, _PACK), jnp.float32),
)


_CHUNK = _IDX_ROWS * 128
_NBUF = 2
_J = HIST // 16
_TAIL = HIST - _J * 16


def _pool_body(
    xr_hbm, s_hbm, out_hbm, i0, i1, g0, g1, s_sh, out_v, si0, si1, sg0, sg1
):
    idx = [i0, i1]
    g = [g0, g1]
    semi = [si0, si1]
    semg = [sg0, sg1]
    sid = lax.axis_index("s")
    wid = sid * _NC + lax.axis_index("c")
    base = wid * _BPW

    @pl.when(sid == 0)
    def _():
        pltpu.sync_copy(s_hbm, s_sh)

    plsc.subcore_barrier()

    def fire_idx(blk, k):
        pltpu.async_copy(xr_hbm.at[base + blk], idx[k], semi[k])

    def wait_idx(k):
        pltpu.make_async_copy(xr_hbm.at[0], idx[k], semi[k]).wait()

    def fire_g(blk, k):
        for i in range(_IDX_ROWS):
            pltpu.async_copy(
                s_sh.at[idx[k].at[i]],
                g[k].at[pl.ds(i * 128, 128)],
                semg[k],
            )

    def wait_g(k):
        pltpu.make_async_copy(
            s_hbm.at[pl.ds(0, _CHUNK)], g[k].at[pl.ds(0, _CHUNK)], semg[k]
        ).wait()

    fire_idx(0, 0)
    fire_idx(1, 1)
    wait_idx(0)
    fire_g(0, 0)

    def body(it, carry):
        for k in range(2):
            blk = it * 2 + k
            nk = (k + 1) % 2

            @pl.when(blk + 1 < _BPW)
            def _():
                wait_idx(nk)
                fire_g(blk + 1, nk)

            wait_g(k)
            acc = jnp.zeros((16,), jnp.float32)
            for i in range(_IDX_ROWS):
                for c in range(_PACK):
                    acc = acc + g[k][pl.ds(i * 128 + c * 16, 16)]
            m = acc * (1.0 / HIST)
            y = 1.0 / (1.0 + jnp.exp(-m))
            y = (y * 100.0 + 0.5).astype(jnp.int32).astype(jnp.float32) / 100.0
            out_v[pl.ds(blk * _RB, _RB)] = y

            @pl.when(blk + 2 < _BPW)
            def _():
                fire_idx(blk + 2, k)

        return carry

    lax.fori_loop(0, _BPW // 2, body, 0)
    pltpu.sync_copy(out_v, out_hbm.at[pl.ds(base * _RB, _BPW * _RB)])


@functools.cache
def _pool():
    return pl.kernel(
        _pool_body,
        out_type=jax.ShapeDtypeStruct((BATCH,), jnp.float32),
        mesh=plsc.VectorSubcoreMesh(
            core_axis_name="c", subcore_axis_name="s",
            num_cores=_NC, num_subcores=_NS,
        ),
        scratch_types=[
            pltpu.VMEM((_IDX_ROWS, 128), jnp.int32),
            pltpu.VMEM((_IDX_ROWS, 128), jnp.int32),
            pltpu.VMEM((_CHUNK,), jnp.float32),
            pltpu.VMEM((_CHUNK,), jnp.float32),
            pltpu.VMEM_SHARED((VOCAB,), jnp.float32),
            pltpu.VMEM((_BPW * _RB,), jnp.float32),
            pltpu.SemaphoreType.DMA,
            pltpu.SemaphoreType.DMA,
            pltpu.SemaphoreType.DMA,
            pltpu.SemaphoreType.DMA,
        ],
    )


def kernel(x, table, W, b):
    sel = jnp.repeat(jnp.eye(_PACK, dtype=jnp.float32), EMBED_DIM, axis=0)
    sel = sel * jnp.tile(W.reshape(EMBED_DIM), _PACK)[:, None]
    scores = _score(table.reshape(_ROWS, 128), sel, b.reshape(1, 1))
    xr = (
        x.astype(jnp.int32)
        .reshape(_NB, _RB, HIST)
        .transpose(0, 2, 1)
        .reshape(_NB, _IDX_ROWS, 128)
    )
    y = _pool()(xr, scores.reshape(VOCAB))
    return y.reshape(BATCH, 1)

# --- scband reference (transcript-rebuilt; emitter-appended) ---
"""Pipeline reference for scband-solution-84456236908831 (READ-ONLY COPY).

The authoritative reference and input builder live on the scoring server;
editing this copy changes nothing except your own understanding.
"""

import jax, jax.numpy as jnp
import numpy as np

VOCAB = 1000000
EMBED_DIM = 16
BATCH = 16384
HIST = 200

def setup_inputs(seed: int = 0) -> dict:
    key = jax.random.key(seed)
    k1, k2, k3, k4 = jax.random.split(key, 4)
    x = jax.random.randint(k1, (BATCH, HIST), 0, VOCAB, dtype=jnp.int64 if jax.config.read('jax_enable_x64') else jnp.int32)
    table = jax.random.normal(k2, (VOCAB, EMBED_DIM), dtype=jnp.float32)
    W = jax.random.normal(k3, (1, EMBED_DIM), dtype=jnp.float32) * (1.0 / np.sqrt(EMBED_DIM))
    b = jax.random.normal(k4, (1,), dtype=jnp.float32) * 0.01
    return {"x": x, "table": table, "W": W, "b": b}

def reference(x, table, W, b):
    # embedding lookup: [B, L] -> [B, L, D]
    emb = jnp.take(table, x, axis=0)
    # mean over sequence dim
    h = jnp.mean(emb, axis=1)
    # linear 16 -> 1
    y = h @ W.T + b
    y = jax.nn.sigmoid(y)
    y = jnp.round(y * 100.0) / 100.0
    return y

if __name__ == "__main__":
    import jax
    _d = setup_inputs()
    print(jax.jit(kernel)(*tuple(_d.values())))

</pallas_src>

<mosaic_0001>
#map = affine_map<(d0, d1) -> (0, 0, 0)>
#map1 = affine_map<(d0, d1) -> (0)>
module attributes {stable_mosaic.version = 14 : i64} {
  func.func @_pool_body(%arg0: i32, %arg1: i32, %arg2: memref<1024x25x128xi32, #tpu.memory_space<hbm>>, %arg3: memref<1000000xf32, #tpu.memory_space<hbm>>, %arg4: memref<16384xf32, #tpu.memory_space<hbm>>, %arg5: memref<25x128xi32, #tpu.memory_space<vmem>>, %arg6: memref<25x128xi32, #tpu.memory_space<vmem>>, %arg7: memref<3200xf32, #tpu.memory_space<vmem>>, %arg8: memref<3200xf32, #tpu.memory_space<vmem>>, %arg9: memref<1000000xf32, #tpu.memory_space<vmem_shared>>, %arg10: memref<512xf32, #tpu.memory_space<vmem>>, %arg11: memref<!tpu.dma_semaphore, #tpu.memory_space<semaphore_mem>>, %arg12: memref<!tpu.dma_semaphore, #tpu.memory_space<semaphore_mem>>, %arg13: memref<!tpu.dma_semaphore, #tpu.memory_space<semaphore_mem>>, %arg14: memref<!tpu.dma_semaphore, #tpu.memory_space<semaphore_mem>>) attributes {dimension_semantics = [#tpu.dimension_semantics<core_parallel>, #tpu.dimension_semantics<subcore_parallel>], iteration_bounds = array<i64: 2, 16>, scalar_prefetch = 0 : i64, scratch_operands = 10 : i64, tpu.core_type = #tpu.core_type<sc_vector_subcore>, window_params = [{transform_indices = #map}, {transform_indices = #map1}, {transform_indices = #map1}]} {
    %mul3A = arith.constant 2 : i32
    %mul3A_0 = arith.muli %arg1, %mul3A : i32
    %add3A = arith.addi %mul3A_0, %arg0 : i32
    %mul3A_1 = arith.constant 32 : i32
    %mul3A_2 = arith.muli %add3A, %mul3A_1 : i32
    %eq3A = arith.constant 0 : i32
    %eq3A_3 = arith.cmpi eq, %arg1, %eq3A : i32
    %convert_element_type3A = arith.extui %eq3A_3 : i1 to i32
    %cond3A = arith.constant 0 : i32
    %cond3A_4 = arith.cmpi ne, %convert_element_type3A, %cond3A : i32
    scf.if %cond3A_4 {
      "tpu.region"() ({
        %run_scoped3A = tpu.sem_alloc : memref<!tpu.dma_semaphore, #tpu.memory_space<semaphore_mem>>
        tpu.enqueue_dma source(%arg3 : memref<1000000xf32, #tpu.memory_space<hbm>>) target(%arg9 : memref<1000000xf32, #tpu.memory_space<vmem_shared>>) target_semaphore(%run_scoped3A : memref<!tpu.dma_semaphore, #tpu.memory_space<semaphore_mem>>)
        tpu.wait_dma2 semaphore(%run_scoped3A : memref<!tpu.dma_semaphore, #tpu.memory_space<semaphore_mem>>) src(%arg3 : memref<1000000xf32, #tpu.memory_space<hbm>>) dst(%arg9 : memref<1000000xf32, #tpu.memory_space<vmem_shared>>)
        tpu.yield
      }) : () -> ()
    } else {
    }
    %barrier3A = arith.constant 0 : index
    tpu.barrier barrier_id(%barrier3A)
    %add3A_5 = arith.constant 0 : i32
    %add3A_6 = arith.addi %mul3A_2, %add3A_5 : i32
    %dma_start3A = arith.constant 0 : i32
    %dma_start3A_7 = arith.constant 0 : i32
    %dma_start3A_8 = tpu.memref_slice %arg2[%add3A_6, %dma_start3A, %dma_start3A_7] : memref<1024x25x128xi32, #tpu.memory_space<hbm>> -> memref<1x25x128xi32, #tpu.memory_space<hbm>>
    %dma_start3A_9 = tpu.memref_squeeze %dma_start3A_8 : memref<1x25x128xi32, #tpu.memory_space<hbm>> -> memref<25x128xi32, #tpu.memory_space<hbm>>
    %dma_start3A_10 = arith.constant 0 : i32
    %dma_start3A_11 = arith.constant 0 : i32
    %dma_start3A_12 = tpu.memref_slice %arg2[%add3A_6, %dma_start3A_10, %dma_start3A_11] : memref<1024x25x128xi32, #tpu.memory_space<hbm>> -> memref<1x25x128xi32, #tpu.memory_space<hbm>>
    %dma_start3A_13 = tpu.memref_squeeze %dma_start3A_12 : memref<1x25x128xi32, #tpu.memory_space<hbm>> -> memref<25x128xi32, #tpu.memory_space<hbm>>
    tpu.enqueue_dma source(%dma_start3A_13 : memref<25x128xi32, #tpu.memory_space<hbm>>) target(%arg5 : memref<25x128xi32, #tpu.memory_space<vmem>>) target_semaphore(%arg11 : memref<!tpu.dma_semaphore, #tpu.memory_space<semaphore_mem>>)
    %add3A_14 = arith.constant 1 : i32
    %add3A_15 = arith.addi %mul3A_2, %add3A_14 : i32
    %dma_start3A_16 = arith.constant 0 : i32
    %dma_start3A_17 = arith.constant 0 : i32
    %dma_start3A_18 = tpu.memref_slice %arg2[%add3A_15, %dma_start3A_16, %dma_start3A_17] : memref<1024x25x128xi32, #tpu.memory_space<hbm>> -> memref<1x25x128xi32, #tpu.memory_space<hbm>>
    %dma_start3A_19 = tpu.memref_squeeze %dma_start3A_18 : memref<1x25x128xi32, #tpu.memory_space<hbm>> -> memref<25x128xi32, #tpu.memory_space<hbm>>
    %dma_start3A_20 = arith.constant 0 : i32
    %dma_start3A_21 = arith.constant 0 : i32
    %dma_start3A_22 = tpu.memref_slice %arg2[%add3A_15, %dma_start3A_20, %dma_start3A_21] : memref<1024x25x128xi32, #tpu.memory_space<hbm>> -> memref<1x25x128xi32, #tpu.memory_space<hbm>>
    %dma_start3A_23 = tpu.memref_squeeze %dma_start3A_22 : memref<1x25x128xi32, #tpu.memory_space<hbm>> -> memref<25x128xi32, #tpu.memory_space<hbm>>
    tpu.enqueue_dma source(%dma_start3A_23 : memref<25x128xi32, #tpu.memory_space<hbm>>) target(%arg6 : memref<25x128xi32, #tpu.memory_space<vmem>>) target_semaphore(%arg12 : memref<!tpu.dma_semaphore, #tpu.memory_space<semaphore_mem>>)
    %dma_wait3A = arith.constant 0 : i32
    %dma_wait3A_24 = arith.constant 0 : i32
    %dma_wait3A_25 = arith.constant 0 : i32
    %dma_wait3A_26 = tpu.memref_slice %arg2[%dma_wait3A, %dma_wait3A_24, %dma_wait3A_25] : memref<1024x25x128xi32, #tpu.memory_space<hbm>> -> memref<1x25x128xi32, #tpu.memory_space<hbm>>
    %dma_wait3A_27 = tpu.memref_squeeze %dma_wait3A_26 : memref<1x25x128xi32, #tpu.memory_space<hbm>> -> memref<25x128xi32, #tpu.memory_space<hbm>>
    %dma_wait3A_28 = arith.constant 0 : i32
    %dma_wait3A_29 = arith.constant 0 : i32
    %dma_wait3A_30 = tpu.memref_slice %arg2[%dma_wait3A, %dma_wait3A_28, %dma_wait3A_29] : memref<1024x25x128xi32, #tpu.memory_space<hbm>> -> memref<1x25x128xi32, #tpu.memory_space<hbm>>
    %dma_wait3A_31 = tpu.memref_squeeze %dma_wait3A_30 : memref<1x25x128xi32, #tpu.memory_space<hbm>> -> memref<25x128xi32, #tpu.memory_space<hbm>>
    tpu.wait_dma2 semaphore(%arg11 : memref<!tpu.dma_semaphore, #tpu.memory_space<semaphore_mem>>) src(%dma_wait3A_31 : memref<25x128xi32, #tpu.memory_space<hbm>>) dst(%arg5 : memref<25x128xi32, #tpu.memory_space<vmem>>)
    %dma_start3A_32 = arith.constant 0 : i32
    %dma_start3A_33 = arith.constant 0 : i32
    %dma_start3A_34 = tpu.memref_slice %arg7[%dma_start3A_33] : memref<3200xf32, #tpu.memory_space<vmem>> -> memref<128xf32, #tpu.memory_space<vmem>>
    %dma_start3A_35 = arith.constant 0 : i32
    %dma_start3A_36 = tpu.memref_slice %arg5[%dma_start3A_32, %dma_start3A_35] : memref<25x128xi32, #tpu.memory_space<vmem>> -> memref<1x128xi32, #tpu.memory_space<vmem>>
    %dma_start3A_37 = tpu.memref_squeeze %dma_start3A_36 : memref<1x128xi32, #tpu.memory_space<vmem>> -> memref<128xi32, #tpu.memory_space<vmem>>
    %dma_start3A_38 = arith.constant 0 : i32
    %dma_start3A_39 = tpu.memref_slice %arg9[%dma_start3A_38] : memref<1000000xf32, #tpu.memory_space<vmem_shared>> -> memref<1000000xf32, #tpu.memory_space<vmem_shared>>
    tpu.enqueue_indirect_dma source(%dma_start3A_39 : memref<1000000xf32, #tpu.memory_space<vmem_shared>>) target(%dma_start3A_34 : memref<128xf32, #tpu.memory_space<vmem>>) offsets(%dma_start3A_37 : memref<128xi32, #tpu.memory_space<vmem>>) semaphore(%arg13 : memref<!tpu.dma_semaphore, #tpu.memory_space<semaphore_mem>>)
    %dma_start3A_40 = arith.constant 1 : i32
    %dma_start3A_41 = arith.constant 128 : i32
    %dma_start3A_42 = tpu.memref_slice %arg7[%dma_start3A_41] : memref<3200xf32, #tpu.memory_space<vmem>> -> memref<128xf32, #tpu.memory_space<vmem>>
    %dma_start3A_43 = arith.constant 0 : i32
    %dma_start3A_44 = tpu.memref_slice %arg5[%dma_start3A_40, %dma_start3A_43] : memref<25x128xi32, #tpu.memory_space<vmem>> -> memref<1x128xi32, #tpu.memory_space<vmem>>
    %dma_start3A_45 = tpu.memref_squeeze %dma_start3A_44 : memref<1x128xi32, #tpu.memory_space<vmem>> -> memref<128xi32, #tpu.memory_space<vmem>>
    %dma_start3A_46 = arith.constant 0 : i32
    %dma_start3A_47 = tpu.memref_slice %arg9[%dma_start3A_46] : memref<1000000xf32, #tpu.memory_space<vmem_shared>> -> memref<1000000xf32, #tpu.memory_space<vmem_shared>>
    tpu.enqueue_indirect_dma source(%dma_start3A_47 : memref<1000000xf32, #tpu.memory_space<vmem_shared>>) target(%dma_start3A_42 : memref<128xf32, #tpu.memory_space<vmem>>) offsets(%dma_start3A_45 : memref<128xi32, #tpu.memory_space<vmem>>) semaphore(%arg13 : memref<!tpu.dma_semaphore, #tpu.memory_space<semaphore_mem>>)
    %dma_start3A_48 = arith.constant 2 : i32
    %dma_start3A_49 = arith.constant 256 : i32
    %dma_start3A_50 = tpu.memref_slice %arg7[%dma_start3A_49] : memref<3200xf32, #tpu.memory_space<vmem>> -> memref<128xf32, #tpu.memory_space<vmem>>
    %dma_start3A_51 = arith.constant 0 : i32
    %dma_start3A_52 = tpu.memref_slice %arg5[%dma_start3A_48, %dma_start3A_51] : memref<25x128xi32, #tpu.memory_space<vmem>> -> memref<1x128xi32, #tpu.memory_space<vmem>>
    %dma_start3A_53 = tpu.memref_squeeze %dma_start3A_52 : memref<1x128xi32, #tpu.memory_space<vmem>> -> memref<128xi32, #tpu.memory_space<vmem>>
    %dma_start3A_54 = arith.constant 0 : i32
    %dma_start3A_55 = tpu.memref_slice %arg9[%dma_start3A_54] : memref<1000000xf32, #tpu.memory_space<vmem_shared>> -> memref<1000000xf32, #tpu.memory_space<vmem_shared>>
    tpu.enqueue_indirect_dma source(%dma_start3A_55 : memref<1000000xf32, #tpu.memory_space<vmem_shared>>) target(%dma_start3A_50 : memref<128xf32, #tpu.memory_space<vmem>>) offsets(%dma_start3A_53 : memref<128xi32, #tpu.memory_space<vmem>>) semaphore(%arg13 : memref<!tpu.dma_semaphore, #tpu.memory_space<semaphore_mem>>)
    %dma_start3A_56 = arith.constant 3 : i32
    %dma_start3A_57 = arith.constant 384 : i32
    %dma_start3A_58 = tpu.memref_slice %arg7[%dma_start3A_57] : memref<3200xf32, #tpu.memory_space<vmem>> -> memref<128xf32, #tpu.memory_space<vmem>>
    %dma_start3A_59 = arith.constant 0 : i32
    %dma_start3A_60 = tpu.memref_slice %arg5[%dma_start3A_56, %dma_start3A_59] : memref<25x128xi32, #tpu.memory_space<vmem>> -> memref<1x128xi32, #tpu.memory_space<vmem>>
    %dma_start3A_61 = tpu.memref_squeeze %dma_start3A_60 : memref<1x128xi32, #tpu.memory_space<vmem>> -> memref<128xi32, #tpu.memory_space<vmem>>
    %dma_start3A_62 = arith.constant 0 : i32
    %dma_start3A_63 = tpu.memref_slice %arg9[%dma_start3A_62] : memref<1000000xf32, #tpu.memory_space<vmem_shared>> -> memref<1000000xf32, #tpu.memory_space<vmem_shared>>
    tpu.enqueue_indirect_dma source(%dma_start3A_63 : memref<1000000xf32, #tpu.memory_space<vmem_shared>>) target(%dma_start3A_58 : memref<128xf32, #tpu.memory_space<vmem>>) offsets(%dma_start3A_61 : memref<128xi32, #tpu.memory_space<vmem>>) semaphore(%arg13 : memref<!tpu.dma_semaphore, #tpu.memory_space<semaphore_mem>>)
    %dma_start3A_64 = arith.constant 4 : i32
    %dma_start3A_65 = arith.constant 512 : i32
    %dma_start3A_66 = tpu.memref_slice %arg7[%dma_start3A_65] : memref<3200xf32, #tpu.memory_space<vmem>> -> memref<128xf32, #tpu.memory_space<vmem>>
    %dma_start3A_67 = arith.constant 0 : i32
    %dma_start3A_68 = tpu.memref_slice %arg5[%dma_start3A_64, %dma_start3A_67] : memref<25x128xi32, #tpu.memory_space<vmem>> -> memref<1x128xi32, #tpu.memory_space<vmem>>
    %dma_start3A_69 = tpu.memref_squeeze %dma_start3A_68 : memref<1x128xi32, #tpu.memory_space<vmem>> -> memref<128xi32, #tpu.memory_space<vmem>>
    %dma_start3A_70 = arith.constant 0 : i32
    %dma_start3A_71 = tpu.memref_slice %arg9[%dma_start3A_70] : memref<1000000xf32, #tpu.memory_space<vmem_shared>> -> memref<1000000xf32, #tpu.memory_space<vmem_shared>>
    tpu.enqueue_indirect_dma source(%dma_start3A_71 : memref<1000000xf32, #tpu.memory_space<vmem_shared>>) target(%dma_start3A_66 : memref<128xf32, #tpu.memory_space<vmem>>) offsets(%dma_start3A_69 : memref<128xi32, #tpu.memory_space<vmem>>) semaphore(%arg13 : memref<!tpu.dma_semaphore, #tpu.memory_space<semaphore_mem>>)
    %dma_start3A_72 = arith.constant 5 : i32
    %dma_start3A_73 = arith.constant 640 : i32
    %dma_start3A_74 = tpu.memref_slice %arg7[%dma_start3A_73] : memref<3200xf32, #tpu.memory_space<vmem>> -> memref<128xf32, #tpu.memory_space<vmem>>
    %dma_start3A_75 = arith.constant 0 : i32
    %dma_start3A_76 = tpu.memref_slice %arg5[%dma_start3A_72, %dma_start3A_75] : memref<25x128xi32, #tpu.memory_space<vmem>> -> memref<1x128xi32, #tpu.memory_space<vmem>>
    %dma_start3A_77 = tpu.memref_squeeze %dma_start3A_76 : memref<1x128xi32, #tpu.memory_space<vmem>> -> memref<128xi32, #tpu.memory_space<vmem>>
    %dma_start3A_78 = arith.constant 0 : i32
    %dma_start3A_79 = tpu.memref_slice %arg9[%dma_start3A_78] : memref<1000000xf32, #tpu.memory_space<vmem_shared>> -> memref<1000000xf32, #tpu.memory_space<vmem_shared>>
    tpu.enqueue_indirect_dma source(%dma_start3A_79 : memref<1000000xf32, #tpu.memory_space<vmem_shared>>) target(%dma_start3A_74 : memref<128xf32, #tpu.memory_space<vmem>>) offsets(%dma_start3A_77 : memref<128xi32, #tpu.memory_space<vmem>>) semaphore(%arg13 : memref<!tpu.dma_semaphore, #tpu.memory_space<semaphore_mem>>)
    %dma_start3A_80 = arith.constant 6 : i32
    %dma_start3A_81 = arith.constant 768 : i32
    %dma_start3A_82 = tpu.memref_slice %arg7[%dma_start3A_81] : memref<3200xf32, #tpu.memory_space<vmem>> -> memref<128xf32, #tpu.memory_space<vmem>>
    %dma_start3A_83 = arith.constant 0 : i32
    %dma_start3A_84 = tpu.memref_slice %arg5[%dma_start3A_80, %dma_start3A_83] : memref<25x128xi32, #tpu.memory_space<vmem>> -> memref<1x128xi32, #tpu.memory_space<vmem>>
    %dma_start3A_85 = tpu.memref_squeeze %dma_start3A_84 : memref<1x128xi32, #tpu.memory_space<vmem>> -> memref<128xi32, #tpu.memory_space<vmem>>
    %dma_start3A_86 = arith.constant 0 : i32
    %dma_start3A_87 = tpu.memref_slice %arg9[%dma_start3A_86] : memref<1000000xf32, #tpu.memory_space<vmem_shared>> -> memref<1000000xf32, #tpu.memory_space<vmem_shared>>
    tpu.enqueue_indirect_dma source(%dma_start3A_87 : memref<1000000xf32, #tpu.memory_space<vmem_shared>>) target(%dma_start3A_82 : memref<128xf32, #tpu.memory_space<vmem>>) offsets(%dma_start3A_85 : memref<128xi32, #tpu.memory_space<vmem>>) semaphore(%arg13 : memref<!tpu.dma_semaphore, #tpu.memory_space<semaphore_mem>>)
    %dma_start3A_88 = arith.constant 7 : i32
    %dma_start3A_89 = arith.constant 896 : i32
    %dma_start3A_90 = tpu.memref_slice %arg7[%dma_start3A_89] : memref<3200xf32, #tpu.memory_space<vmem>> -> memref<128xf32, #tpu.memory_space<vmem>>
    %dma_start3A_91 = arith.constant 0 : i32
    %dma_start3A_92 = tpu.memref_slice %arg5[%dma_start3A_88, %dma_start3A_91] : memref<25x128xi32, #tpu.memory_space<vmem>> -> memref<1x128xi32, #tpu.memory_space<vmem>>
    %dma_start3A_93 = tpu.memref_squeeze %dma_start3A_92 : memref<1x128xi32, #tpu.memory_space<vmem>> -> memref<128xi32, #tpu.memory_space<vmem>>
    %dma_start3A_94 = arith.constant 0 : i32
    %dma_start3A_95 = tpu.memref_slice %arg9[%dma_start3A_94] : memref<1000000xf32, #tpu.memory_space<vmem_shared>> -> memref<1000000xf32, #tpu.memory_space<vmem_shared>>
    tpu.enqueue_indirect_dma source(%dma_start3A_95 : memref<1000000xf32, #tpu.memory_space<vmem_shared>>) target(%dma_start3A_90 : memref<128xf32, #tpu.memory_space<vmem>>) offsets(%dma_start3A_93 : memref<128xi32, #tpu.memory_space<vmem>>) semaphore(%arg13 : memref<!tpu.dma_semaphore, #tpu.memory_space<semaphore_mem>>)
    %dma_start3A_96 = arith.constant 8 : i32
    %dma_start3A_97 = arith.constant 1024 : i32
    %dma_start3A_98 = tpu.memref_slice %arg7[%dma_start3A_97] : memref<3200xf32, #tpu.memory_space<vmem>> -> memref<128xf32, #tpu.memory_space<vmem>>
    %dma_start3A_99 = arith.constant 0 : i32
    %dma_start3A_100 = tpu.memref_slice %arg5[%dma_start3A_96, %dma_start3A_99] : memref<25x128xi32, #tpu.memory_space<vmem>> -> memref<1x128xi32, #tpu.memory_space<vmem>>
    %dma_start3A_101 = tpu.memref_squeeze %dma_start3A_100 : memref<1x128xi32, #tpu.memory_space<vmem>> -> memref<128xi32, #tpu.memory_space<vmem>>
    %dma_start3A_102 = arith.constant 0 : i32
    %dma_start3A_103 = tpu.memref_slice %arg9[%dma_start3A_102] : memref<1000000xf32, #tpu.memory_space<vmem_shared>> -> memref<1000000xf32, #tpu.memory_space<vmem_shared>>
    tpu.enqueue_indirect_dma source(%dma_start3A_103 : memref<1000000xf32, #tpu.memory_space<vmem_shared>>) target(%dma_start3A_98 : memref<128xf32, #tpu.memory_space<vmem>>) offsets(%dma_start3A_101 : memref<128xi32, #tpu.memory_space<vmem>>) semaphore(%arg13 : memref<!tpu.dma_semaphore, #tpu.memory_space<semaphore_mem>>)
    %dma_start3A_104 = arith.constant 9 : i32
    %dma_start3A_105 = arith.constant 1152 : i32
    %dma_start3A_106 = tpu.memref_slice %arg7[%dma_start3A_105] : memref<3200xf32, #tpu.memory_space<vmem>> -> memref<128xf32, #tpu.memory_space<vmem>>
    %dma_start3A_107 = arith.constant 0 : i32
    %dma_start3A_108 = tpu.memref_slice %arg5[%dma_start3A_104, %dma_start3A_107] : memref<25x128xi32, #tpu.memory_space<vmem>> -> memref<1x128xi32, #tpu.memory_space<vmem>>
    %dma_start3A_109 = tpu.memref_squeeze %dma_start3A_108 : memref<1x128xi32, #tpu.memory_space<vmem>> -> memref<128xi32, #tpu.memory_space<vmem>>
    %dma_start3A_110 = arith.constant 0 : i32
    %dma_start3A_111 = tpu.memref_slice %arg9[%dma_start3A_110] : memref<1000000xf32, #tpu.memory_space<vmem_shared>> -> memref<1000000xf32, #tpu.memory_space<vmem_shared>>
    tpu.enqueue_indirect_dma source(%dma_start3A_111 : memref<1000000xf32, #tpu.memory_space<vmem_shared>>) target(%dma_start3A_106 : memref<128xf32, #tpu.memory_space<vmem>>) offsets(%dma_start3A_109 : memref<128xi32, #tpu.memory_space<vmem>>) semaphore(%arg13 : memref<!tpu.dma_semaphore, #tpu.memory_space<semaphore_mem>>)
    %dma_start3A_112 = arith.constant 10 : i32
    %dma_start3A_113 = arith.constant 1280 : i32
    %dma_start3A_114 = tpu.memref_slice %arg7[%dma_start3A_113] : memref<3200xf32, #tpu.memory_space<vmem>> -> memref<128xf32, #tpu.memory_space<vmem>>
    %dma_start3A_115 = arith.constant 0 : i32
    %dma_start3A_116 = tpu.memref_slice %arg5[%dma_start3A_112, %dma_start3A_115] : memref<25x128xi32, #tpu.memory_space<vmem>> -> memref<1x128xi32, #tpu.memory_space<vmem>>
    %dma_start3A_117 = tpu.memref_squeeze %dma_start3A_116 : memref<1x128xi32, #tpu.memory_space<vmem>> -> memref<128xi32, #tpu.memory_space<vmem>>
    %dma_start3A_118 = arith.constant 0 : i32
    %dma_start3A_119 = tpu.memref_slice %arg9[%dma_start3A_118] : memref<1000000xf32, #tpu.memory_space<vmem_shared>> -> memref<1000000xf32, #tpu.memory_space<vmem_shared>>
    tpu.enqueue_indirect_dma source(%dma_start3A_119 : memref<1000000xf32, #tpu.memory_space<vmem_shared>>) target(%dma_start3A_114 : memref<128xf32, #tpu.memory_space<vmem>>) offsets(%dma_start3A_117 : memref<128xi32, #tpu.memory_space<vmem>>) semaphore(%arg13 : memref<!tpu.dma_semaphore, #tpu.memory_space<semaphore_mem>>)
    %dma_start3A_120 = arith.constant 11 : i32
    %dma_start3A_121 = arith.constant 1408 : i32
    %dma_start3A_122 = tpu.memref_slice %arg7[%dma_start3A_121] : memref<3200xf32, #tpu.memory_space<vmem>> -> memref<128xf32, #tpu.memory_space<vmem>>
    %dma_start3A_123 = arith.constant 0 : i32
    %dma_start3A_124 = tpu.memref_slice %arg5[%dma_start3A_120, %dma_start3A_123] : memref<25x128xi32, #tpu.memory_space<vmem>> -> memref<1x128xi32, #tpu.memory_space<vmem>>
    %dma_start3A_125 = tpu.memref_squeeze %dma_start3A_124 : memref<1x128xi32, #tpu.memory_space<vmem>> -> memref<128xi32, #tpu.memory_space<vmem>>
    %dma_start3A_126 = arith.constant 0 : i32
    %dma_start3A_127 = tpu.memref_slice %arg9[%dma_start3A_126] : memref<1000000xf32, #tpu.memory_space<vmem_shared>> -> memref<1000000xf32, #tpu.memory_space<vmem_shared>>
    tpu.enqueue_indirect_dma source(%dma_start3A_127 : memref<1000000xf32, #tpu.memory_space<vmem_shared>>) target(%dma_start3A_122 : memref<128xf32, #tpu.memory_space<vmem>>) offsets(%dma_start3A_125 : memref<128xi32, #tpu.memory_space<vmem>>) semaphore(%arg13 : memref<!tpu.dma_semaphore, #tpu.memory_space<semaphore_mem>>)
    %dma_start3A_128 = arith.constant 12 : i32
    %dma_start3A_129 = arith.constant 1536 : i32
    %dma_start3A_130 = tpu.memref_slice %arg7[%dma_start3A_129] : memref<3200xf32, #tpu.memory_space<vmem>> -> memref<128xf32, #tpu.memory_space<vmem>>
    %dma_start3A_131 = arith.constant 0 : i32
    %dma_start3A_132 = tpu.memref_slice %arg5[%dma_start3A_128, %dma_start3A_131] : memref<25x128xi32, #tpu.memory_space<vmem>> -> memref<1x128xi32, #tpu.memory_space<vmem>>
    %dma_start3A_133 = tpu.memref_squeeze %dma_start3A_132 : memref<1x128xi32, #tpu.memory_space<vmem>> -> memref<128xi32, #tpu.memory_space<vmem>>
    %dma_start3A_134 = arith.constant 0 : i32
    %dma_start3A_135 = tpu.memref_slice %arg9[%dma_start3A_134] : memref<1000000xf32, #tpu.memory_space<vmem_shared>> -> memref<1000000xf32, #tpu.memory_space<vmem_shared>>
    tpu.enqueue_indirect_dma source(%dma_start3A_135 : memref<1000000xf32, #tpu.memory_space<vmem_shared>>) target(%dma_start3A_130 : memref<128xf32, #tpu.memory_space<vmem>>) offsets(%dma_start3A_133 : memref<128xi32, #tpu.memory_space<vmem>>) semaphore(%arg13 : memref<!tpu.dma_semaphore, #tpu.memory_space<semaphore_mem>>)
    %dma_start3A_136 = arith.constant 13 : i32
    %dma_start3A_137 = arith.constant 1664 : i32
    %dma_start3A_138 = tpu.memref_slice %arg7[%dma_start3A_137] : memref<3200xf32, #tpu.memory_space<vmem>> -> memref<128xf32, #tpu.memory_space<vmem>>
    %dma_start3A_139 = arith.constant 0 : i32
    %dma_start3A_140 = tpu.memref_slice %arg5[%dma_start3A_136, %dma_start3A_139] : memref<25x128xi32, #tpu.memory_space<vmem>> -> memref<1x128xi32, #tpu.memory_space<vmem>>
    %dma_start3A_141 = tpu.memref_squeeze %dma_start3A_140 : memref<1x128xi32, #tpu.memory_space<vmem>> -> memref<128xi32, #tpu.memory_space<vmem>>
    %dma_start3A_142 = arith.constant 0 : i32
    %dma_start3A_143 = tpu.memref_slice %arg9[%dma_start3A_142] : memref<1000000xf32, #tpu.memory_space<vmem_shared>> -> memref<1000000xf32, #tpu.memory_space<vmem_shared>>
    tpu.enqueue_indirect_dma source(%dma_start3A_143 : memref<1000000xf32, #tpu.memory_space<vmem_shared>>) target(%dma_start3A_138 : memref<128xf32, #tpu.memory_space<vmem>>) offsets(%dma_start3A_141 : memref<128xi32, #tpu.memory_space<vmem>>) semaphore(%arg13 : memref<!tpu.dma_semaphore, #tpu.memory_space<semaphore_mem>>)
    %dma_start3A_144 = arith.constant 14 : i32
    %dma_start3A_145 = arith.constant 1792 : i32
    %dma_start3A_146 = tpu.memref_slice %arg7[%dma_start3A_145] : memref<3200xf32, #tpu.memory_space<vmem>> -> memref<128xf32, #tpu.memory_space<vmem>>
    %dma_start3A_147 = arith.constant 0 : i32
    %dma_start3A_148 = tpu.memref_slice %arg5[%dma_start3A_144, %dma_start3A_147] : memref<25x128xi32, #tpu.memory_space<vmem>> -> memref<1x128xi32, #tpu.memory_space<vmem>>
    %dma_start3A_149 = tpu.memref_squeeze %dma_start3A_148 : memref<1x128xi32, #tpu.memory_space<vmem>> -> memref<128xi32, #tpu.memory_space<vmem>>
    %dma_start3A_150 = arith.constant 0 : i32
    %dma_start3A_151 = tpu.memref_slice %arg9[%dma_start3A_150] : memref<1000000xf32, #tpu.memory_space<vmem_shared>> -> memref<1000000xf32, #tpu.memory_space<vmem_shared>>
    tpu.enqueue_indirect_dma source(%dma_start3A_151 : memref<1000000xf32, #tpu.memory_space<vmem_shared>>) target(%dma_start3A_146 : memref<128xf32, #tpu.memory_space<vmem>>) offsets(%dma_start3A_149 : memref<128xi32, #tpu.memory_space<vmem>>) semaphore(%arg13 : memref<!tpu.dma_semaphore, #tpu.memory_space<semaphore_mem>>)
    %dma_start3A_152 = arith.constant 15 : i32
    %dma_start3A_153 = arith.constant 1920 : i32
    %dma_start3A_154 = tpu.memref_slice %arg7[%dma_start3A_153] : memref<3200xf32, #tpu.memory_space<vmem>> -> memref<128xf32, #tpu.memory_space<vmem>>
    %dma_start3A_155 = arith.constant 0 : i32
    %dma_start3A_156 = tpu.memref_slice %arg5[%dma_start3A_152, %dma_start3A_155] : memref<25x128xi32, #tpu.memory_space<vmem>> -> memref<1x128xi32, #tpu.memory_space<vmem>>
    %dma_start3A_157 = tpu.memref_squeeze %dma_start3A_156 : memref<1x128xi32, #tpu.memory_space<vmem>> -> memref<128xi32, #tpu.memory_space<vmem>>
    %dma_start3A_158 = arith.constant 0 : i32
    %dma_start3A_159 = tpu.memref_slice %arg9[%dma_start3A_158] : memref<1000000xf32, #tpu.memory_space<vmem_shared>> -> memref<1000000xf32, #tpu.memory_space<vmem_shared>>
    tpu.enqueue_indirect_dma source(%dma_start3A_159 : memref<1000000xf32, #tpu.memory_space<vmem_shared>>) target(%dma_start3A_154 : memref<128xf32, #tpu.memory_space<vmem>>) offsets(%dma_start3A_157 : memref<128xi32, #tpu.memory_space<vmem>>) semaphore(%arg13 : memref<!tpu.dma_semaphore, #tpu.memory_space<semaphore_mem>>)
    %dma_start3A_160 = arith.constant 16 : i32
    %dma_start3A_161 = arith.constant 2048 : i32
    %dma_start3A_162 = tpu.memref_slice %arg7[%dma_start3A_161] : memref<3200xf32, #tpu.memory_space<vmem>> -> memref<128xf32, #tpu.memory_space<vmem>>
    %dma_start3A_163 = arith.constant 0 : i32
    %dma_start3A_164 = tpu.memref_slice %arg5[%dma_start3A_160, %dma_start3A_163] : memref<25x128xi32, #tpu.memory_space<vmem>> -> memref<1x128xi32, #tpu.memory_space<vmem>>
    %dma_start3A_165 = tpu.memref_squeeze %dma_start3A_164 : memref<1x128xi32, #tpu.memory_space<vmem>> -> memref<128xi32, #tpu.memory_space<vmem>>
    %dma_start3A_166 = arith.constant 0 : i32
    %dma_start3A_167 = tpu.memref_slice %arg9[%dma_start3A_166] : memref<1000000xf32, #tpu.memory_space<vmem_shared>> -> memref<1000000xf32, #tpu.memory_space<vmem_shared>>
    tpu.enqueue_indirect_dma source(%dma_start3A_167 : memref<1000000xf32, #tpu.memory_space<vmem_shared>>) target(%dma_start3A_162 : memref<128xf32, #tpu.memory_space<vmem>>) offsets(%dma_start3A_165 : memref<128xi32, #tpu.memory_space<vmem>>) semaphore(%arg13 : memref<!tpu.dma_semaphore, #tpu.memory_space<semaphore_mem>>)
    %dma_start3A_168 = arith.constant 17 : i32
    %dma_start3A_169 = arith.constant 2176 : i32
    %dma_start3A_170 = tpu.memref_slice %arg7[%dma_start3A_169] : memref<3200xf32, #tpu.memory_space<vmem>> -> memref<128xf32, #tpu.memory_space<vmem>>
    %dma_start3A_171 = arith.constant 0 : i32
    %dma_start3A_172 = tpu.memref_slice %arg5[%dma_start3A_168, %dma_start3A_171] : memref<25x128xi32, #tpu.memory_space<vmem>> -> memref<1x128xi32, #tpu.memory_space<vmem>>
    %dma_start3A_173 = tpu.memref_squeeze %dma_start3A_172 : memref<1x128xi32, #tpu.memory_space<vmem>> -> memref<128xi32, #tpu.memory_space<vmem>>
    %dma_start3A_174 = arith.constant 0 : i32
    %dma_start3A_175 = tpu.memref_slice %arg9[%dma_start3A_174] : memref<1000000xf32, #tpu.memory_space<vmem_shared>> -> memref<1000000xf32, #tpu.memory_space<vmem_shared>>
    tpu.enqueue_indirect_dma source(%dma_start3A_175 : memref<1000000xf32, #tpu.memory_space<vmem_shared>>) target(%dma_start3A_170 : memref<128xf32, #tpu.memory_space<vmem>>) offsets(%dma_start3A_173 : memref<128xi32, #tpu.memory_space<vmem>>) semaphore(%arg13 : memref<!tpu.dma_semaphore, #tpu.memory_space<semaphore_mem>>)
    %dma_start3A_176 = arith.constant 18 : i32
    %dma_start3A_177 = arith.constant 2304 : i32
    %dma_start3A_178 = tpu.memref_slice %arg7[%dma_start3A_177] : memref<3200xf32, #tpu.memory_space<vmem>> -> memref<128xf32, #tpu.memory_space<vmem>>
    %dma_start3A_179 = arith.constant 0 : i32
    %dma_start3A_180 = tpu.memref_slice %arg5[%dma_start3A_176, %dma_start3A_179] : memref<25x128xi32, #tpu.memory_space<vmem>> -> memref<1x128xi32, #tpu.memory_space<vmem>>
    %dma_start3A_181 = tpu.memref_squeeze %dma_start3A_180 : memref<1x128xi32, #tpu.memory_space<vmem>> -> memref<128xi32, #tpu.memory_space<vmem>>
    %dma_start3A_182 = arith.constant 0 : i32
    %dma_start3A_183 = tpu.memref_slice %arg9[%dma_start3A_182] : memref<1000000xf32, #tpu.memory_space<vmem_shared>> -> memref<1000000xf32, #tpu.memory_space<vmem_shared>>
    tpu.enqueue_indirect_dma source(%dma_start3A_183 : memref<1000000xf32, #tpu.memory_space<vmem_shared>>) target(%dma_start3A_178 : memref<128xf32, #tpu.memory_space<vmem>>) offsets(%dma_start3A_181 : memref<128xi32, #tpu.memory_space<vmem>>) semaphore(%arg13 : memref<!tpu.dma_semaphore, #tpu.memory_space<semaphore_mem>>)
    %dma_start3A_184 = arith.constant 19 : i32
    %dma_start3A_185 = arith.constant 2432 : i32
    %dma_start3A_186 = tpu.memref_slice %arg7[%dma_start3A_185] : memref<3200xf32, #tpu.memory_space<vmem>> -> memref<128xf32, #tpu.memory_space<vmem>>
    %dma_start3A_187 = arith.constant 0 : i32
    %dma_start3A_188 = tpu.memref_slice %arg5[%dma_start3A_184, %dma_start3A_187] : memref<25x128xi32, #tpu.memory_space<vmem>> -> memref<1x128xi32, #tpu.memory_space<vmem>>
    %dma_start3A_189 = tpu.memref_squeeze %dma_start3A_188 : memref<1x128xi32, #tpu.memory_space<vmem>> -> memref<128xi32, #tpu.memory_space<vmem>>
    %dma_start3A_190 = arith.constant 0 : i32
    %dma_start3A_191 = tpu.memref_slice %arg9[%dma_start3A_190] : memref<1000000xf32, #tpu.memory_space<vmem_shared>> -> memref<1000000xf32, #tpu.memory_space<vmem_shared>>
    tpu.enqueue_indirect_dma source(%dma_start3A_191 : memref<1000000xf32, #tpu.memory_space<vmem_shared>>) target(%dma_start3A_186 : memref<128xf32, #tpu.memory_space<vmem>>) offsets(%dma_start3A_189 : memref<128xi32, #tpu.memory_space<vmem>>) semaphore(%arg13 : memref<!tpu.dma_semaphore, #tpu.memory_space<semaphore_mem>>)
    %dma_start3A_192 = arith.constant 20 : i32
    %dma_start3A_193 = arith.constant 2560 : i32
    %dma_start3A_194 = tpu.memref_slice %arg7[%dma_start3A_193] : memref<3200xf32, #tpu.memory_space<vmem>> -> memref<128xf32, #tpu.memory_space<vmem>>
    %dma_start3A_195 = arith.constant 0 : i32
    %dma_start3A_196 = tpu.memref_slice %arg5[%dma_start3A_192, %dma_start3A_195] : memref<25x128xi32, #tpu.memory_space<vmem>> -> memref<1x128xi32, #tpu.memory_space<vmem>>
    %dma_start3A_197 = tpu.memref_squeeze %dma_start3A_196 : memref<1x128xi32, #tpu.memory_space<vmem>> -> memref<128xi32, #tpu.memory_space<vmem>>
    %dma_start3A_198 = arith.constant 0 : i32
    %dma_start3A_199 = tpu.memref_slice %arg9[%dma_start3A_198] : memref<1000000xf32, #tpu.memory_space<vmem_shared>> -> memref<1000000xf32, #tpu.memory_space<vmem_shared>>
    tpu.enqueue_indirect_dma source(%dma_start3A_199 : memref<1000000xf32, #tpu.memory_space<vmem_shared>>) target(%dma_start3A_194 : memref<128xf32, #tpu.memory_space<vmem>>) offsets(%dma_start3A_197 : memref<128xi32, #tpu.memory_space<vmem>>) semaphore(%arg13 : memref<!tpu.dma_semaphore, #tpu.memory_space<semaphore_mem>>)
    %dma_start3A_200 = arith.constant 21 : i32
    %dma_start3A_201 = arith.constant 2688 : i32
    %dma_start3A_202 = tpu.memref_slice %arg7[%dma_start3A_201] : memref<3200xf32, #tpu.memory_space<vmem>> -> memref<128xf32, #tpu.memory_space<vmem>>
    %dma_start3A_203 = arith.constant 0 : i32
    %dma_start3A_204 = tpu.memref_slice %arg5[%dma_start3A_200, %dma_start3A_203] : memref<25x128xi32, #tpu.memory_space<vmem>> -> memref<1x128xi32, #tpu.memory_space<vmem>>
    %dma_start3A_205 = tpu.memref_squeeze %dma_start3A_204 : memref<1x128xi32, #tpu.memory_space<vmem>> -> memref<128xi32, #tpu.memory_space<vmem>>
    %dma_start3A_206 = arith.constant 0 : i32
    %dma_start3A_207 = tpu.memref_slice %arg9[%dma_start3A_206] : memref<1000000xf32, #tpu.memory_space<vmem_shared>> -> memref<1000000xf32, #tpu.memory_space<vmem_shared>>
    tpu.enqueue_indirect_dma source(%dma_start3A_207 : memref<1000000xf32, #tpu.memory_space<vmem_shared>>) target(%dma_start3A_202 : memref<128xf32, #tpu.memory_space<vmem>>) offsets(%dma_start3A_205 : memref<128xi32, #tpu.memory_space<vmem>>) semaphore(%arg13 : memref<!tpu.dma_semaphore, #tpu.memory_space<semaphore_mem>>)
    %dma_start3A_208 = arith.constant 22 : i32
    %dma_start3A_209 = arith.constant 2816 : i32
    %dma_start3A_210 = tpu.memref_slice %arg7[%dma_start3A_209] : memref<3200xf32, #tpu.memory_space<vmem>> -> memref<128xf32, #tpu.memory_space<vmem>>
    %dma_start3A_211 = arith.constant 0 : i32
    %dma_start3A_212 = tpu.memref_slice %arg5[%dma_start3A_208, %dma_start3A_211] : memref<25x128xi32, #tpu.memory_space<vmem>> -> memref<1x128xi32, #tpu.memory_space<vmem>>
    %dma_start3A_213 = tpu.memref_squeeze %dma_start3A_212 : memref<1x128xi32, #tpu.memory_space<vmem>> -> memref<128xi32, #tpu.memory_space<vmem>>
    %dma_start3A_214 = arith.constant 0 : i32
    %dma_start3A_215 = tpu.memref_slice %arg9[%dma_start3A_214] : memref<1000000xf32, #tpu.memory_space<vmem_shared>> -> memref<1000000xf32, #tpu.memory_space<vmem_shared>>
    tpu.enqueue_indirect_dma source(%dma_start3A_215 : memref<1000000xf32, #tpu.memory_space<vmem_shared>>) target(%dma_start3A_210 : memref<128xf32, #tpu.memory_space<vmem>>) offsets(%dma_start3A_213 : memref<128xi32, #tpu.memory_space<vmem>>) semaphore(%arg13 : memref<!tpu.dma_semaphore, #tpu.memory_space<semaphore_mem>>)
    %dma_start3A_216 = arith.constant 23 : i32
    %dma_start3A_217 = arith.constant 2944 : i32
    %dma_start3A_218 = tpu.memref_slice %arg7[%dma_start3A_217] : memref<3200xf32, #tpu.memory_space<vmem>> -> memref<128xf32, #tpu.memory_space<vmem>>
    %dma_start3A_219 = arith.constant 0 : i32
    %dma_start3A_220 = tpu.memref_slice %arg5[%dma_start3A_216, %dma_start3A_219] : memref<25x128xi32, #tpu.memory_space<vmem>> -> memref<1x128xi32, #tpu.memory_space<vmem>>
    %dma_start3A_221 = tpu.memref_squeeze %dma_start3A_220 : memref<1x128xi32, #tpu.memory_space<vmem>> -> memref<128xi32, #tpu.memory_space<vmem>>
    %dma_start3A_222 = arith.constant 0 : i32
    %dma_start3A_223 = tpu.memref_slice %arg9[%dma_start3A_222] : memref<1000000xf32, #tpu.memory_space<vmem_shared>> -> memref<1000000xf32, #tpu.memory_space<vmem_shared>>
    tpu.enqueue_indirect_dma source(%dma_start3A_223 : memref<1000000xf32, #tpu.memory_space<vmem_shared>>) target(%dma_start3A_218 : memref<128xf32, #tpu.memory_space<vmem>>) offsets(%dma_start3A_221 : memref<128xi32, #tpu.memory_space<vmem>>) semaphore(%arg13 : memref<!tpu.dma_semaphore, #tpu.memory_space<semaphore_mem>>)
    %dma_start3A_224 = arith.constant 24 : i32
    %dma_start3A_225 = arith.constant 3072 : i32
    %dma_start3A_226 = tpu.memref_slice %arg7[%dma_start3A_225] : memref<3200xf32, #tpu.memory_space<vmem>> -> memref<128xf32, #tpu.memory_space<vmem>>
    %dma_start3A_227 = arith.constant 0 : i32
    %dma_start3A_228 = tpu.memref_slice %arg5[%dma_start3A_224, %dma_start3A_227] : memref<25x128xi32, #tpu.memory_space<vmem>> -> memref<1x128xi32, #tpu.memory_space<vmem>>
    %dma_start3A_229 = tpu.memref_squeeze %dma_start3A_228 : memref<1x128xi32, #tpu.memory_space<vmem>> -> memref<128xi32, #tpu.memory_space<vmem>>
    %dma_start3A_230 = arith.constant 0 : i32
    %dma_start3A_231 = tpu.memref_slice %arg9[%dma_start3A_230] : memref<1000000xf32, #tpu.memory_space<vmem_shared>> -> memref<1000000xf32, #tpu.memory_space<vmem_shared>>
    tpu.enqueue_indirect_dma source(%dma_start3A_231 : memref<1000000xf32, #tpu.memory_space<vmem_shared>>) target(%dma_start3A_226 : memref<128xf32, #tpu.memory_space<vmem>>) offsets(%dma_start3A_229 : memref<128xi32, #tpu.memory_space<vmem>>) semaphore(%arg13 : memref<!tpu.dma_semaphore, #tpu.memory_space<semaphore_mem>>)
    %scan3A = arith.constant 0 : i32
    %scan3A_232 = arith.constant 0 : i32
    %scan3A_233 = arith.constant 16 : i32
    %scan3A_234 = arith.addi %scan3A_232, %scan3A_233 : i32
    %scan3A_235 = arith.constant 1 : i32
    scf.for %scan3A_239 = %scan3A_232 to %scan3A_234 step %scan3A_235  : i32 {
      %mul3A_240 = arith.constant 2 : i32
      %mul3A_241 = arith.muli %scan3A_239, %mul3A_240 : i32
      %add3A_242 = arith.constant 0 : i32
      %add3A_243 = arith.addi %mul3A_241, %add3A_242 : i32
      %add3A_244 = arith.constant 1 : i32
      %add3A_245 = arith.addi %add3A_243, %add3A_244 : i32
      %lt3A = arith.constant 32 : i32
      %lt3A_246 = arith.cmpi slt, %add3A_245, %lt3A : i32
      %convert_element_type3A_247 = arith.extui %lt3A_246 : i1 to i32
      %cond3A_248 = arith.constant 0 : i32
      %cond3A_249 = arith.cmpi ne, %convert_element_type3A_247, %cond3A_248 : i32
      scf.if %cond3A_249 {
        %dma_wait3A_1949 = arith.constant 0 : i32
        %dma_wait3A_1950 = arith.constant 0 : i32
        %dma_wait3A_1951 = arith.constant 0 : i32
        %dma_wait3A_1952 = tpu.memref_slice %arg2[%dma_wait3A_1949, %dma_wait3A_1950, %dma_wait3A_1951] : memref<1024x25x128xi32, #tpu.memory_space<hbm>> -> memref<1x25x128xi32, #tpu.memory_space<hbm>>
        %dma_wait3A_1953 = tpu.memref_squeeze %dma_wait3A_1952 : memref<1x25x128xi32, #tpu.memory_space<hbm>> -> memref<25x128xi32, #tpu.memory_space<hbm>>
        %dma_wait3A_1954 = arith.constant 0 : i32
        %dma_wait3A_1955 = arith.constant 0 : i32
        %dma_wait3A_1956 = tpu.memref_slice %arg2[%dma_wait3A_1949, %dma_wait3A_1954, %dma_wait3A_1955] : memref<1024x25x128xi32, #tpu.memory_space<hbm>> -> memref<1x25x128xi32, #tpu.memory_space<hbm>>
        %dma_wait3A_1957 = tpu.memref_squeeze %dma_wait3A_1956 : memref<1x25x128xi32, #tpu.memory_space<hbm>> -> memref<25x128xi32, #tpu.memory_space<hbm>>
        tpu.wait_dma2 semaphore(%arg12 : memref<!tpu.dma_semaphore, #tpu.memory_space<semaphore_mem>>) src(%dma_wait3A_1957 : memref<25x128xi32, #tpu.memory_space<hbm>>) dst(%arg6 : memref<25x128xi32, #tpu.memory_space<vmem>>)
        %add3A_1958 = arith.constant 1 : i32
        %add3A_1959 = arith.addi %add3A_243, %add3A_1958 : i32
        %dma_start3A_1960 = arith.constant 0 : i32
        %dma_start3A_1961 = arith.constant 0 : i32
        %dma_start3A_1962 = tpu.memref_slice %arg8[%dma_start3A_1961] : memref<3200xf32, #tpu.memory_space<vmem>> -> memref<128xf32, #tpu.memory_space<vmem>>
        %dma_start3A_1963 = arith.constant 0 : i32
        %dma_start3A_1964 = tpu.memref_slice %arg6[%dma_start3A_1960, %dma_start3A_1963] : memref<25x128xi32, #tpu.memory_space<vmem>> -> memref<1x128xi32, #tpu.memory_space<vmem>>
        %dma_start3A_1965 = tpu.memref_squeeze %dma_start3A_1964 : memref<1x128xi32, #tpu.memory_space<vmem>> -> memref<128xi32, #tpu.memory_space<vmem>>
        %dma_start3A_1966 = arith.constant 0 : i32
        %dma_start3A_1967 = tpu.memref_slice %arg9[%dma_start3A_1966] : memref<1000000xf32, #tpu.memory_space<vmem_shared>> -> memref<1000000xf32, #tpu.memory_space<vmem_shared>>
        tpu.enqueue_indirect_dma source(%dma_start3A_1967 : memref<1000000xf32, #tpu.memory_space<vmem_shared>>) target(%dma_start3A_1962 : memref<128xf32, #tpu.memory_space<vmem>>) offsets(%dma_start3A_1965 : memref<128xi32, #tpu.memory_space<vmem>>) semaphore(%arg14 : memref<!tpu.dma_semaphore, #tpu.memory_space<semaphore_mem>>)
        %dma_start3A_1968 = arith.constant 1 : i32
        %dma_start3A_1969 = arith.constant 128 : i32
        %dma_start3A_1970 = tpu.memref_slice %arg8[%dma_start3A_1969] : memref<3200xf32, #tpu.memory_space<vmem>> -> memref<128xf32, #tpu.memory_space<vmem>>
        %dma_start3A_1971 = arith.constant 0 : i32
        %dma_start3A_1972 = tpu.memref_slice %arg6[%dma_start3A_1968, %dma_start3A_1971] : memref<25x128xi32, #tpu.memory_space<vmem>> -> memref<1x128xi32, #tpu.memory_space<vmem>>
        %dma_start3A_1973 = tpu.memref_squeeze %dma_start3A_1972 : memref<1x128xi32, #tpu.memory_space<vmem>> -> memref<128xi32, #tpu.memory_space<vmem>>
        %dma_start3A_1974 = arith.constant 0 : i32
        %dma_start3A_1975 = tpu.memref_slice %arg9[%dma_start3A_1974] : memref<1000000xf32, #tpu.memory_space<vmem_shared>> -> memref<1000000xf32, #tpu.memory_space<vmem_shared>>
        tpu.enqueue_indirect_dma source(%dma_start3A_1975 : memref<1000000xf32, #tpu.memory_space<vmem_shared>>) target(%dma_start3A_1970 : memref<128xf32, #tpu.memory_space<vmem>>) offsets(%dma_start3A_1973 : memref<128xi32, #tpu.memory_space<vmem>>) semaphore(%arg14 : memref<!tpu.dma_semaphore, #tpu.memory_space<semaphore_mem>>)
        %dma_start3A_1976 = arith.constant 2 : i32
        %dma_start3A_1977 = arith.constant 256 : i32
        %dma_start3A_1978 = tpu.memref_slice %arg8[%dma_start3A_1977] : memref<3200xf32, #tpu.memory_space<vmem>> -> memref<128xf32, #tpu.memory_space<vmem>>
        %dma_start3A_1979 = arith.constant 0 : i32
        %dma_start3A_1980 = tpu.memref_slice %arg6[%dma_start3A_1976, %dma_start3A_1979] : memref<25x128xi32, #tpu.memory_space<vmem>> -> memref<1x128xi32, #tpu.memory_space<vmem>>
        %dma_start3A_1981 = tpu.memref_squeeze %dma_start3A_1980 : memref<1x128xi32, #tpu.memory_space<vmem>> -> memref<128xi32, #tpu.memory_space<vmem>>
        %dma_start3A_1982 = arith.constant 0 : i32
        %dma_start3A_1983 = tpu.memref_slice %arg9[%dma_start3A_1982] : memref<1000000xf32, #tpu.memory_space<vmem_shared>> -> memref<1000000xf32, #tpu.memory_space<vmem_shared>>
        tpu.enqueue_indirect_dma source(%dma_start3A_1983 : memref<1000000xf32, #tpu.memory_space<vmem_shared>>) target(%dma_start3A_1978 : memref<128xf32, #tpu.memory_space<vmem>>) offsets(%dma_start3A_1981 : memref<128xi32, #tpu.memory_space<vmem>>) semaphore(%arg14 : memref<!tpu.dma_semaphore, #tpu.memory_space<semaphore_mem>>)
        %dma_start3A_1984 = arith.constant 3 : i32
        %dma_start3A_1985 = arith.constant 384 : i32
        %dma_start3A_1986 = tpu.memref_slice %arg8[%dma_start3A_1985] : memref<3200xf32, #tpu.memory_space<vmem>> -> memref<128xf32, #tpu.memory_space<vmem>>
        %dma_start3A_1987 = arith.constant 0 : i32
        %dma_start3A_1988 = tpu.memref_slice %arg6[%dma_start3A_1984, %dma_start3A_1987] : memref<25x128xi32, #tpu.memory_space<vmem>> -> memref<1x128xi32, #tpu.memory_space<vmem>>
        %dma_start3A_1989 = tpu.memref_squeeze %dma_start3A_1988 : memref<1x128xi32, #tpu.memory_space<vmem>> -> memref<128xi32, #tpu.memory_space<vmem>>
        %dma_start3A_1990 = arith.constant 0 : i32
        %dma_start3A_1991 = tpu.memref_slice %arg9[%dma_start3A_1990] : memref<1000000xf32, #tpu.memory_space<vmem_shared>> -> memref<1000000xf32, #tpu.memory_space<vmem_shared>>
        tpu.enqueue_indirect_dma source(%dma_start3A_1991 : memref<1000000xf32, #tpu.memory_space<vmem_shared>>) target(%dma_start3A_1986 : memref<128xf32, #tpu.memory_space<vmem>>) offsets(%dma_start3A_1989 : memref<128xi32, #tpu.memory_space<vmem>>) semaphore(%arg14 : memref<!tpu.dma_semaphore, #tpu.memory_space<semaphore_mem>>)
        %dma_start3A_1992 = arith.constant 4 : i32
        %dma_start3A_1993 = arith.constant 512 : i32
        %dma_start3A_1994 = tpu.memref_slice %arg8[%dma_start3A_1993] : memref<3200xf32, #tpu.memory_space<vmem>> -> memref<128xf32, #tpu.memory_space<vmem>>
        %dma_start3A_1995 = arith.constant 0 : i32
        %dma_start3A_1996 = tpu.memref_slice %arg6[%dma_start3A_1992, %dma_start3A_1995] : memref<25x128xi32, #tpu.memory_space<vmem>> -> memref<1x128xi32, #tpu.memory_space<vmem>>
        %dma_start3A_1997 = tpu.memref_squeeze %dma_start3A_1996 : memref<1x128xi32, #tpu.memory_space<vmem>> -> memref<128xi32, #tpu.memory_space<vmem>>
        %dma_start3A_1998 = arith.constant 0 : i32
        %dma_start3A_1999 = tpu.memref_slice %arg9[%dma_start3A_1998] : memref<1000000xf32, #tpu.memory_space<vmem_shared>> -> memref<1000000xf32, #tpu.memory_space<vmem_shared>>
        tpu.enqueue_indirect_dma source(%dma_start3A_1999 : memref<1000000xf32, #tpu.memory_space<vmem_shared>>) target(%dma_start3A_1994 : memref<128xf32, #tpu.memory_space<vmem>>) offsets(%dma_start3A_1997 : memref<128xi32, #tpu.memory_space<vmem>>) semaphore(%arg14 : memref<!tpu.dma_semaphore, #tpu.memory_space<semaphore_mem>>)
        %dma_start3A_2000 = arith.constant 5 : i32
        %dma_start3A_2001 = arith.constant 640 : i32
        %dma_start3A_2002 = tpu.memref_slice %arg8[%dma_start3A_2001] : memref<3200xf32, #tpu.memory_space<vmem>> -> memref<128xf32, #tpu.memory_space<vmem>>
        %dma_start3A_2003 = arith.constant 0 : i32
        %dma_start3A_2004 = tpu.memref_slice %arg6[%dma_start3A_2000, %dma_start3A_2003] : memref<25x128xi32, #tpu.memory_space<vmem>> -> memref<1x128xi32, #tpu.memory_space<vmem>>
        %dma_start3A_2005 = tpu.memref_squeeze %dma_start3A_2004 : memref<1x128xi32, #tpu.memory_space<vmem>> -> memref<128xi32, #tpu.memory_space<vmem>>
        %dma_start3A_2006 = arith.constant 0 : i32
        %dma_start3A_2007 = tpu.memref_slice %arg9[%dma_start3A_2006] : memref<1000000xf32, #tpu.memory_space<vmem_shared>> -> memref<1000000xf32, #tpu.memory_space<vmem_shared>>
        tpu.enqueue_indirect_dma source(%dma_start3A_2007 : memref<1000000xf32, #tpu.memory_space<vmem_shared>>) target(%dma_start3A_2002 : memref<128xf32, #tpu.memory_space<vmem>>) offsets(%dma_start3A_2005 : memref<128xi32, #tpu.memory_space<vmem>>) semaphore(%arg14 : memref<!tpu.dma_semaphore, #tpu.memory_space<semaphore_mem>>)
        %dma_start3A_2008 = arith.constant 6 : i32
        %dma_start3A_2009 = arith.constant 768 : i32
        %dma_start3A_2010 = tpu.memref_slice %arg8[%dma_start3A_2009] : memref<3200xf32, #tpu.memory_space<vmem>> -> memref<128xf32, #tpu.memory_space<vmem>>
        %dma_start3A_2011 = arith.constant 0 : i32
        %dma_start3A_2012 = tpu.memref_slice %arg6[%dma_start3A_2008, %dma_start3A_2011] : memref<25x128xi32, #tpu.memory_space<vmem>> -> memref<1x128xi32, #tpu.memory_space<vmem>>
        %dma_start3A_2013 = tpu.memref_squeeze %dma_start3A_2012 : memref<1x128xi32, #tpu.memory_space<vmem>> -> memref<128xi32, #tpu.memory_space<vmem>>
        %dma_start3A_2014 = arith.constant 0 : i32
        %dma_start3A_2015 = tpu.memref_slice %arg9[%dma_start3A_2014] : memref<1000000xf32, #tpu.memory_space<vmem_shared>> -> memref<1000000xf32, #tpu.memory_space<vmem_shared>>
        tpu.enqueue_indirect_dma source(%dma_start3A_2015 : memref<1000000xf32, #tpu.memory_space<vmem_shared>>) target(%dma_start3A_2010 : memref<128xf32, #tpu.memory_space<vmem>>) offsets(%dma_start3A_2013 : memref<128xi32, #tpu.memory_space<vmem>>) semaphore(%arg14 : memref<!tpu.dma_semaphore, #tpu.memory_space<semaphore_mem>>)
        %dma_start3A_2016 = arith.constant 7 : i32
        %dma_start3A_2017 = arith.constant 896 : i32
        %dma_start3A_2018 = tpu.memref_slice %arg8[%dma_start3A_2017] : memref<3200xf32, #tpu.memory_space<vmem>> -> memref<128xf32, #tpu.memory_space<vmem>>
        %dma_start3A_2019 = arith.constant 0 : i32
        %dma_start3A_2020 = tpu.memref_slice %arg6[%dma_start3A_2016, %dma_start3A_2019] : memref<25x128xi32, #tpu.memory_space<vmem>> -> memref<1x128xi32, #tpu.memory_space<vmem>>
        %dma_start3A_2021 = tpu.memref_squeeze %dma_start3A_2020 : memref<1x128xi32, #tpu.memory_space<vmem>> -> memref<128xi32, #tpu.memory_space<vmem>>
        %dma_start3A_2022 = arith.constant 0 : i32
        %dma_start3A_2023 = tpu.memref_slice %arg9[%dma_start3A_2022] : memref<1000000xf32, #tpu.memory_space<vmem_shared>> -> memref<1000000xf32, #tpu.memory_space<vmem_shared>>
        tpu.enqueue_indirect_dma source(%dma_start3A_2023 : memref<1000000xf32, #tpu.memory_space<vmem_shared>>) target(%dma_start3A_2018 : memref<128xf32, #tpu.memory_space<vmem>>) offsets(%dma_start3A_2021 : memref<128xi32, #tpu.memory_space<vmem>>) semaphore(%arg14 : memref<!tpu.dma_semaphore, #tpu.memory_space<semaphore_mem>>)
        %dma_start3A_2024 = arith.constant 8 : i32
        %dma_start3A_2025 = arith.constant 1024 : i32
        %dma_start3A_2026 = tpu.memref_slice %arg8[%dma_start3A_2025] : memref<3200xf32, #tpu.memory_space<vmem>> -> memref<128xf32, #tpu.memory_space<vmem>>
        %dma_start3A_2027 = arith.constant 0 : i32
        %dma_start3A_2028 = tpu.memref_slice %arg6[%dma_start3A_2024, %dma_start3A_2027] : memref<25x128xi32, #tpu.memory_space<vmem>> -> memref<1x128xi32, #tpu.memory_space<vmem>>
        %dma_start3A_2029 = tpu.memref_squeeze %dma_start3A_2028 : memref<1x128xi32, #tpu.memory_space<vmem>> -> memref<128xi32, #tpu.memory_space<vmem>>
        %dma_start3A_2030 = arith.constant 0 : i32
        %dma_start3A_2031 = tpu.memref_slice %arg9[%dma_start3A_2030] : memref<1000000xf32, #tpu.memory_space<vmem_shared>> -> memref<1000000xf32, #tpu.memory_space<vmem_shared>>
        tpu.enqueue_indirect_dma source(%dma_start3A_2031 : memref<1000000xf32, #tpu.memory_space<vmem_shared>>) target(%dma_start3A_2026 : memref<128xf32, #tpu.memory_space<vmem>>) offsets(%dma_start3A_2029 : memref<128xi32, #tpu.memory_space<vmem>>) semaphore(%arg14 : memref<!tpu.dma_semaphore, #tpu.memory_space<semaphore_mem>>)
        %dma_start3A_2032 = arith.constant 9 : i32
        %dma_start3A_2033 = arith.constant 1152 : i32
        %dma_start3A_2034 = tpu.memref_slice %arg8[%dma_start3A_2033] : memref<3200xf32, #tpu.memory_space<vmem>> -> memref<128xf32, #tpu.memory_space<vmem>>
        %dma_start3A_2035 = arith.constant 0 : i32
        %dma_start3A_2036 = tpu.memref_slice %arg6[%dma_start3A_2032, %dma_start3A_2035] : memref<25x128xi32, #tpu.memory_space<vmem>> -> memref<1x128xi32, #tpu.memory_space<vmem>>
        %dma_start3A_2037 = tpu.memref_squeeze %dma_start3A_2036 : memref<1x128xi32, #tpu.memory_space<vmem>> -> memref<128xi32, #tpu.memory_space<vmem>>
        %dma_start3A_2038 = arith.constant 0 : i32
        %dma_start3A_2039 = tpu.memref_slice %arg9[%dma_start3A_2038] : memref<1000000xf32, #tpu.memory_space<vmem_shared>> -> memref<1000000xf32, #tpu.memory_space<vmem_shared>>
        tpu.enqueue_indirect_dma source(%dma_start3A_2039 : memref<1000000xf32, #tpu.memory_space<vmem_shared>>) target(%dma_start3A_2034 : memref<128xf32, #tpu.memory_space<vmem>>) offsets(%dma_start3A_2037 : memref<128xi32, #tpu.memory_space<vmem>>) semaphore(%arg14 : memref<!tpu.dma_semaphore, #tpu.memory_space<semaphore_mem>>)
        %dma_start3A_2040 = arith.constant 10 : i32
        %dma_start3A_2041 = arith.constant 1280 : i32
        %dma_start3A_2042 = tpu.memref_slice %arg8[%dma_start3A_2041] : memref<3200xf32, #tpu.memory_space<vmem>> -> memref<128xf32, #tpu.memory_space<vmem>>
        %dma_start3A_2043 = arith.constant 0 : i32
        %dma_start3A_2044 = tpu.memref_slice %arg6[%dma_start3A_2040, %dma_start3A_2043] : memref<25x128xi32, #tpu.memory_space<vmem>> -> memref<1x128xi32, #tpu.memory_space<vmem>>
        %dma_start3A_2045 = tpu.memref_squeeze %dma_start3A_2044 : memref<1x128xi32, #tpu.memory_space<vmem>> -> memref<128xi32, #tpu.memory_space<vmem>>
        %dma_start3A_2046 = arith.constant 0 : i32
        %dma_start3A_2047 = tpu.memref_slice %arg9[%dma_start3A_2046] : memref<1000000xf32, #tpu.memory_space<vmem_shared>> -> memref<1000000xf32, #tpu.memory_space<vmem_shared>>
        tpu.enqueue_indirect_dma source(%dma_start3A_2047 : memref<1000000xf32, #tpu.memory_space<vmem_shared>>) target(%dma_start3A_2042 : memref<128xf32, #tpu.memory_space<vmem>>) offsets(%dma_start3A_2045 : memref<128xi32, #tpu.memory_space<vmem>>) semaphore(%arg14 : memref<!tpu.dma_semaphore, #tpu.memory_space<semaphore_mem>>)
        %dma_start3A_2048 = arith.constant 11 : i32
        %dma_start3A_2049 = arith.constant 1408 : i32
        %dma_start3A_2050 = tpu.memref_slice %arg8[%dma_start3A_2049] : memref<3200xf32, #tpu.memory_space<vmem>> -> memref<128xf32, #tpu.memory_space<vmem>>
        %dma_start3A_2051 = arith.constant 0 : i32
        %dma_start3A_2052 = tpu.memref_slice %arg6[%dma_start3A_2048, %dma_start3A_2051] : memref<25x128xi32, #tpu.memory_space<vmem>> -> memref<1x128xi32, #tpu.memory_space<vmem>>
        %dma_start3A_2053 = tpu.memref_squeeze %dma_start3A_2052 : memref<1x128xi32, #tpu.memory_space<vmem>> -> memref<128xi32, #tpu.memory_space<vmem>>
        %dma_start3A_2054 = arith.constant 0 : i32
        %dma_start3A_2055 = tpu.memref_slice %arg9[%dma_start3A_2054] : memref<1000000xf32, #tpu.memory_space<vmem_shared>> -> memref<1000000xf32, #tpu.memory_space<vmem_shared>>
        tpu.enqueue_indirect_dma source(%dma_start3A_2055 : memref<1000000xf32, #tpu.memory_space<vmem_shared>>) target(%dma_start3A_2050 : memref<128xf32, #tpu.memory_space<vmem>>) offsets(%dma_start3A_2053 : memref<128xi32, #tpu.memory_space<vmem>>) semaphore(%arg14 : memref<!tpu.dma_semaphore, #tpu.memory_space<semaphore_mem>>)
        %dma_start3A_2056 = arith.constant 12 : i32
        %dma_start3A_2057 = arith.constant 1536 : i32
        %dma_start3A_2058 = tpu.memref_slice %arg8[%dma_start3A_2057] : memref<3200xf32, #tpu.memory_space<vmem>> -> memref<128xf32, #tpu.memory_space<vmem>>
        %dma_start3A_2059 = arith.constant 0 : i32
        %dma_start3A_2060 = tpu.memref_slice %arg6[%dma_start3A_2056, %dma_start3A_2059] : memref<25x128xi32, #tpu.memory_space<vmem>> -> memref<1x128xi32, #tpu.memory_space<vmem>>
        %dma_start3A_2061 = tpu.memref_squeeze %dma_start3A_2060 : memref<1x128xi32, #tpu.memory_space<vmem>> -> memref<128xi32, #tpu.memory_space<vmem>>
        %dma_start3A_2062 = arith.constant 0 : i32
        %dma_start3A_2063 = tpu.memref_slice %arg9[%dma_start3A_2062] : memref<1000000xf32, #tpu.memory_space<vmem_shared>> -> memref<1000000xf32, #tpu.memory_space<vmem_shared>>
        tpu.enqueue_indirect_dma source(%dma_start3A_2063 : memref<1000000xf32, #tpu.memory_space<vmem_shared>>) target(%dma_start3A_2058 : memref<128xf32, #tpu.memory_space<vmem>>) offsets(%dma_start3A_2061 : memref<128xi32, #tpu.memory_space<vmem>>) semaphore(%arg14 : memref<!tpu.dma_semaphore, #tpu.memory_space<semaphore_mem>>)
        %dma_start3A_2064 = arith.constant 13 : i32
        %dma_start3A_2065 = arith.constant 1664 : i32
        %dma_start3A_2066 = tpu.memref_slice %arg8[%dma_start3A_2065] : memref<3200xf32, #tpu.memory_space<vmem>> -> memref<128xf32, #tpu.memory_space<vmem>>
        %dma_start3A_2067 = arith.constant 0 : i32
        %dma_start3A_2068 = tpu.memref_slice %arg6[%dma_start3A_2064, %dma_start3A_2067] : memref<25x128xi32, #tpu.memory_space<vmem>> -> memref<1x128xi32, #tpu.memory_space<vmem>>
        %dma_start3A_2069 = tpu.memref_squeeze %dma_start3A_2068 : memref<1x128xi32, #tpu.memory_space<vmem>> -> memref<128xi32, #tpu.memory_space<vmem>>
        %dma_start3A_2070 = arith.constant 0 : i32
        %dma_start3A_2071 = tpu.memref_slice %arg9[%dma_start3A_2070] : memref<1000000xf32, #tpu.memory_space<vmem_shared>> -> memref<1000000xf32, #tpu.memory_space<vmem_shared>>
        tpu.enqueue_indirect_dma source(%dma_start3A_2071 : memref<1000000xf32, #tpu.memory_space<vmem_shared>>) target(%dma_start3A_2066 : memref<128xf32, #tpu.memory_space<vmem>>) offsets(%dma_start3A_2069 : memref<128xi32, #tpu.memory_space<vmem>>) semaphore(%arg14 : memref<!tpu.dma_semaphore, #tpu.memory_space<semaphore_mem>>)
        %dma_start3A_2072 = arith.constant 14 : i32
        %dma_start3A_2073 = arith.constant 1792 : i32
        %dma_start3A_2074 = tpu.memref_slice %arg8[%dma_start3A_2073] : memref<3200xf32, #tpu.memory_space<vmem>> -> memref<128xf32, #tpu.memory_space<vmem>>
        %dma_start3A_2075 = arith.constant 0 : i32
        %dma_start3A_2076 = tpu.memref_slice %arg6[%dma_start3A_2072, %dma_start3A_2075] : memref<25x128xi32, #tpu.memory_space<vmem>> -> memref<1x128xi32, #tpu.memory_space<vmem>>
        %dma_start3A_2077 = tpu.memref_squeeze %dma_start3A_2076 : memref<1x128xi32, #tpu.memory_space<vmem>> -> memref<128xi32, #tpu.memory_space<vmem>>
        %dma_start3A_2078 = arith.constant 0 : i32
        %dma_start3A_2079 = tpu.memref_slice %arg9[%dma_start3A_2078] : memref<1000000xf32, #tpu.memory_space<vmem_shared>> -> memref<1000000xf32, #tpu.memory_space<vmem_shared>>
        tpu.enqueue_indirect_dma source(%dma_start3A_2079 : memref<1000000xf32, #tpu.memory_space<vmem_shared>>) target(%dma_start3A_2074 : memref<128xf32, #tpu.memory_space<vmem>>) offsets(%dma_start3A_2077 : memref<128xi32, #tpu.memory_space<vmem>>) semaphore(%arg14 : memref<!tpu.dma_semaphore, #tpu.memory_space<semaphore_mem>>)
        %dma_start3A_2080 = arith.constant 15 : i32
        %dma_start3A_2081 = arith.constant 1920 : i32
        %dma_start3A_2082 = tpu.memref_slice %arg8[%dma_start3A_2081] : memref<3200xf32, #tpu.memory_space<vmem>> -> memref<128xf32, #tpu.memory_space<vmem>>
        %dma_start3A_2083 = arith.constant 0 : i32
        %dma_start3A_2084 = tpu.memref_slice %arg6[%dma_start3A_2080, %dma_start3A_2083] : memref<25x128xi32, #tpu.memory_space<vmem>> -> memref<1x128xi32, #tpu.memory_space<vmem>>
        %dma_start3A_2085 = tpu.memref_squeeze %dma_start3A_2084 : memref<1x128xi32, #tpu.memory_space<vmem>> -> memref<128xi32, #tpu.memory_space<vmem>>
        %dma_start3A_2086 = arith.constant 0 : i32
        %dma_start3A_2087 = tpu.memref_slice %arg9[%dma_start3A_2086] : memref<1000000xf32, #tpu.memory_space<vmem_shared>> -> memref<1000000xf32, #tpu.memory_space<vmem_shared>>
        tpu.enqueue_indirect_dma source(%dma_start3A_2087 : memref<1000000xf32, #tpu.memory_space<vmem_shared>>) target(%dma_start3A_2082 : memref<128xf32, #tpu.memory_space<vmem>>) offsets(%dma_start3A_2085 : memref<128xi32, #tpu.memory_space<vmem>>) semaphore(%arg14 : memref<!tpu.dma_semaphore, #tpu.memory_space<semaphore_mem>>)
        %dma_start3A_2088 = arith.constant 16 : i32
        %dma_start3A_2089 = arith.constant 2048 : i32
        %dma_start3A_2090 = tpu.memref_slice %arg8[%dma_start3A_2089] : memref<3200xf32, #tpu.memory_space<vmem>> -> memref<128xf32, #tpu.memory_space<vmem>>
        %dma_start3A_2091 = arith.constant 0 : i32
        %dma_start3A_2092 = tpu.memref_slice %arg6[%dma_start3A_2088, %dma_start3A_2091] : memref<25x128xi32, #tpu.memory_space<vmem>> -> memref<1x128xi32, #tpu.memory_space<vmem>>
        %dma_start3A_2093 = tpu.memref_squeeze %dma_start3A_2092 : memref<1x128xi32, #tpu.memory_space<vmem>> -> memref<128xi32, #tpu.memory_space<vmem>>
        %dma_start3A_2094 = arith.constant 0 : i32
        %dma_start3A_2095 = tpu.memref_slice %arg9[%dma_start3A_2094] : memref<1000000xf32, #tpu.memory_space<vmem_shared>> -> memref<1000000xf32, #tpu.memory_space<vmem_shared>>
        tpu.enqueue_indirect_dma source(%dma_start3A_2095 : memref<1000000xf32, #tpu.memory_space<vmem_shared>>) target(%dma_start3A_2090 : memref<128xf32, #tpu.memory_space<vmem>>) offsets(%dma_start3A_2093 : memref<128xi32, #tpu.memory_space<vmem>>) semaphore(%arg14 : memref<!tpu.dma_semaphore, #tpu.memory_space<semaphore_mem>>)
        %dma_start3A_2096 = arith.constant 17 : i32
        %dma_start3A_2097 = arith.constant 2176 : i32
        %dma_start3A_2098 = tpu.memref_slice %arg8[%dma_start3A_2097] : memref<3200xf32, #tpu.memory_space<vmem>> -> memref<128xf32, #tpu.memory_space<vmem>>
        %dma_start3A_2099 = arith.constant 0 : i32
        %dma_start3A_2100 = tpu.memref_slice %arg6[%dma_start3A_2096, %dma_start3A_2099] : memref<25x128xi32, #tpu.memory_space<vmem>> -> memref<1x128xi32, #tpu.memory_space<vmem>>
        %dma_start3A_2101 = tpu.memref_squeeze %dma_start3A_2100 : memref<1x128xi32, #tpu.memory_space<vmem>> -> memref<128xi32, #tpu.memory_space<vmem>>
        %dma_start3A_2102 = arith.constant 0 : i32
        %dma_start3A_2103 = tpu.memref_slice %arg9[%dma_start3A_2102] : memref<1000000xf32, #tpu.memory_space<vmem_shared>> -> memref<1000000xf32, #tpu.memory_space<vmem_shared>>
        tpu.enqueue_indirect_dma source(%dma_start3A_2103 : memref<1000000xf32, #tpu.memory_space<vmem_shared>>) target(%dma_start3A_2098 : memref<128xf32, #tpu.memory_space<vmem>>) offsets(%dma_start3A_2101 : memref<128xi32, #tpu.memory_space<vmem>>) semaphore(%arg14 : memref<!tpu.dma_semaphore, #tpu.memory_space<semaphore_mem>>)
        %dma_start3A_2104 = arith.constant 18 : i32
        %dma_start3A_2105 = arith.constant 2304 : i32
        %dma_start3A_2106 = tpu.memref_slice %arg8[%dma_start3A_2105] : memref<3200xf32, #tpu.memory_space<vmem>> -> memref<128xf32, #tpu.memory_space<vmem>>
        %dma_start3A_2107 = arith.constant 0 : i32
        %dma_start3A_2108 = tpu.memref_slice %arg6[%dma_start3A_2104, %dma_start3A_2107] : memref<25x128xi32, #tpu.memory_space<vmem>> -> memref<1x128xi32, #tpu.memory_space<vmem>>
        %dma_start3A_2109 = tpu.memref_squeeze %dma_start3A_2108 : memref<1x128xi32, #tpu.memory_space<vmem>> -> memref<128xi32, #tpu.memory_space<vmem>>
        %dma_start3A_2110 = arith.constant 0 : i32
        %dma_start3A_2111 = tpu.memref_slice %arg9[%dma_start3A_2110] : memref<1000000xf32, #tpu.memory_space<vmem_shared>> -> memref<1000000xf32, #tpu.memory_space<vmem_shared>>
        tpu.enqueue_indirect_dma source(%dma_start3A_2111 : memref<1000000xf32, #tpu.memory_space<vmem_shared>>) target(%dma_start3A_2106 : memref<128xf32, #tpu.memory_space<vmem>>) offsets(%dma_start3A_2109 : memref<128xi32, #tpu.memory_space<vmem>>) semaphore(%arg14 : memref<!tpu.dma_semaphore, #tpu.memory_space<semaphore_mem>>)
        %dma_start3A_2112 = arith.constant 19 : i32
        %dma_start3A_2113 = arith.constant 2432 : i32
        %dma_start3A_2114 = tpu.memref_slice %arg8[%dma_start3A_2113] : memref<3200xf32, #tpu.memory_space<vmem>> -> memref<128xf32, #tpu.memory_space<vmem>>
        %dma_start3A_2115 = arith.constant 0 : i32
        %dma_start3A_2116 = tpu.memref_slice %arg6[%dma_start3A_2112, %dma_start3A_2115] : memref<25x128xi32, #tpu.memory_space<vmem>> -> memref<1x128xi32, #tpu.memory_space<vmem>>
        %dma_start3A_2117 = tpu.memref_squeeze %dma_start3A_2116 : memref<1x128xi32, #tpu.memory_space<vmem>> -> memref<128xi32, #tpu.memory_space<vmem>>
        %dma_start3A_2118 = arith.constant 0 : i32
        %dma_start3A_2119 = tpu.memref_slice %arg9[%dma_start3A_2118] : memref<1000000xf32, #tpu.memory_space<vmem_shared>> -> memref<1000000xf32, #tpu.memory_space<vmem_shared>>
        tpu.enqueue_indirect_dma source(%dma_start3A_2119 : memref<1000000xf32, #tpu.memory_space<vmem_shared>>) target(%dma_start3A_2114 : memref<128xf32, #tpu.memory_space<vmem>>) offsets(%dma_start3A_2117 : memref<128xi32, #tpu.memory_space<vmem>>) semaphore(%arg14 : memref<!tpu.dma_semaphore, #tpu.memory_space<semaphore_mem>>)
        %dma_start3A_2120 = arith.constant 20 : i32
        %dma_start3A_2121 = arith.constant 2560 : i32
        %dma_start3A_2122 = tpu.memref_slice %arg8[%dma_start3A_2121] : memref<3200xf32, #tpu.memory_space<vmem>> -> memref<128xf32, #tpu.memory_space<vmem>>
        %dma_start3A_2123 = arith.constant 0 : i32
        %dma_start3A_2124 = tpu.memref_slice %arg6[%dma_start3A_2120, %dma_start3A_2123] : memref<25x128xi32, #tpu.memory_space<vmem>> -> memref<1x128xi32, #tpu.memory_space<vmem>>
        %dma_start3A_2125 = tpu.memref_squeeze %dma_start3A_2124 : memref<1x128xi32, #tpu.memory_space<vmem>> -> memref<128xi32, #tpu.memory_space<vmem>>
        %dma_start3A_2126 = arith.constant 0 : i32
        %dma_start3A_2127 = tpu.memref_slice %arg9[%dma_start3A_2126] : memref<1000000xf32, #tpu.memory_space<vmem_shared>> -> memref<1000000xf32, #tpu.memory_space<vmem_shared>>
        tpu.enqueue_indirect_dma source(%dma_start3A_2127 : memref<1000000xf32, #tpu.memory_space<vmem_shared>>) target(%dma_start3A_2122 : memref<128xf32, #tpu.memory_space<vmem>>) offsets(%dma_start3A_2125 : memref<128xi32, #tpu.memory_space<vmem>>) semaphore(%arg14 : memref<!tpu.dma_semaphore, #tpu.memory_space<semaphore_mem>>)
        %dma_start3A_2128 = arith.constant 21 : i32
        %dma_start3A_2129 = arith.constant 2688 : i32
        %dma_start3A_2130 = tpu.memref_slice %arg8[%dma_start3A_2129] : memref<3200xf32, #tpu.memory_space<vmem>> -> memref<128xf32, #tpu.memory_space<vmem>>
        %dma_start3A_2131 = arith.constant 0 : i32
        %dma_start3A_2132 = tpu.memref_slice %arg6[%dma_start3A_2128, %dma_start3A_2131] : memref<25x128xi32, #tpu.memory_space<vmem>> -> memref<1x128xi32, #tpu.memory_space<vmem>>
        %dma_start3A_2133 = tpu.memref_squeeze %dma_start3A_2132 : memref<1x128xi32, #tpu.memory_space<vmem>> -> memref<128xi32, #tpu.memory_space<vmem>>
        %dma_start3A_2134 = arith.constant 0 : i32
        %dma_start3A_2135 = tpu.memref_slice %arg9[%dma_start3A_2134] : memref<1000000xf32, #tpu.memory_space<vmem_shared>> -> memref<1000000xf32, #tpu.memory_space<vmem_shared>>
        tpu.enqueue_indirect_dma source(%dma_start3A_2135 : memref<1000000xf32, #tpu.memory_space<vmem_shared>>) target(%dma_start3A_2130 : memref<128xf32, #tpu.memory_space<vmem>>) offsets(%dma_start3A_2133 : memref<128xi32, #tpu.memory_space<vmem>>) semaphore(%arg14 : memref<!tpu.dma_semaphore, #tpu.memory_space<semaphore_mem>>)
        %dma_start3A_2136 = arith.constant 22 : i32
        %dma_start3A_2137 = arith.constant 2816 : i32
        %dma_start3A_2138 = tpu.memref_slice %arg8[%dma_start3A_2137] : memref<3200xf32, #tpu.memory_space<vmem>> -> memref<128xf32, #tpu.memory_space<vmem>>
        %dma_start3A_2139 = arith.constant 0 : i32
        %dma_start3A_2140 = tpu.memref_slice %arg6[%dma_start3A_2136, %dma_start3A_2139] : memref<25x128xi32, #tpu.memory_space<vmem>> -> memref<1x128xi32, #tpu.memory_space<vmem>>
        %dma_start3A_2141 = tpu.memref_squeeze %dma_start3A_2140 : memref<1x128xi32, #tpu.memory_space<vmem>> -> memref<128xi32, #tpu.memory_space<vmem>>
        %dma_start3A_2142 = arith.constant 0 : i32
        %dma_start3A_2143 = tpu.memref_slice %arg9[%dma_start3A_2142] : memref<1000000xf32, #tpu.memory_space<vmem_shared>> -> memref<1000000xf32, #tpu.memory_space<vmem_shared>>
        tpu.enqueue_indirect_dma source(%dma_start3A_2143 : memref<1000000xf32, #tpu.memory_space<vmem_shared>>) target(%dma_start3A_2138 : memref<128xf32, #tpu.memory_space<vmem>>) offsets(%dma_start3A_2141 : memref<128xi32, #tpu.memory_space<vmem>>) semaphore(%arg14 : memref<!tpu.dma_semaphore, #tpu.memory_space<semaphore_mem>>)
        %dma_start3A_2144 = arith.constant 23 : i32
        %dma_start3A_2145 = arith.constant 2944 : i32
        %dma_start3A_2146 = tpu.memref_slice %arg8[%dma_start3A_2145] : memref<3200xf32, #tpu.memory_space<vmem>> -> memref<128xf32, #tpu.memory_space<vmem>>
        %dma_start3A_2147 = arith.constant 0 : i32
        %dma_start3A_2148 = tpu.memref_slice %arg6[%dma_start3A_2144, %dma_start3A_2147] : memref<25x128xi32, #tpu.memory_space<vmem>> -> memref<1x128xi32, #tpu.memory_space<vmem>>
        %dma_start3A_2149 = tpu.memref_squeeze %dma_start3A_2148 : memref<1x128xi32, #tpu.memory_space<vmem>> -> memref<128xi32, #tpu.memory_space<vmem>>
        %dma_start3A_2150 = arith.constant 0 : i32
        %dma_start3A_2151 = tpu.memref_slice %arg9[%dma_start3A_2150] : memref<1000000xf32, #tpu.memory_space<vmem_shared>> -> memref<1000000xf32, #tpu.memory_space<vmem_shared>>
        tpu.enqueue_indirect_dma source(%dma_start3A_2151 : memref<1000000xf32, #tpu.memory_space<vmem_shared>>) target(%dma_start3A_2146 : memref<128xf32, #tpu.memory_space<vmem>>) offsets(%dma_start3A_2149 : memref<128xi32, #tpu.memory_space<vmem>>) semaphore(%arg14 : memref<!tpu.dma_semaphore, #tpu.memory_space<semaphore_mem>>)
        %dma_start3A_2152 = arith.constant 24 : i32
        %dma_start3A_2153 = arith.constant 3072 : i32
        %dma_start3A_2154 = tpu.memref_slice %arg8[%dma_start3A_2153] : memref<3200xf32, #tpu.memory_space<vmem>> -> memref<128xf32, #tpu.memory_space<vmem>>
        %dma_start3A_2155 = arith.constant 0 : i32
        %dma_start3A_2156 = tpu.memref_slice %arg6[%dma_start3A_2152, %dma_start3A_2155] : memref<25x128xi32, #tpu.memory_space<vmem>> -> memref<1x128xi32, #tpu.memory_space<vmem>>
        %dma_start3A_2157 = tpu.memref_squeeze %dma_start3A_2156 : memref<1x128xi32, #tpu.memory_space<vmem>> -> memref<128xi32, #tpu.memory_space<vmem>>
        %dma_start3A_2158 = arith.constant 0 : i32
        %dma_start3A_2159 = tpu.memref_slice %arg9[%dma_start3A_2158] : memref<1000000xf32, #tpu.memory_space<vmem_shared>> -> memref<1000000xf32, #tpu.memory_space<vmem_shared>>
        tpu.enqueue_indirect_dma source(%dma_start3A_2159 : memref<1000000xf32, #tpu.memory_space<vmem_shared>>) target(%dma_start3A_2154 : memref<128xf32, #tpu.memory_space<vmem>>) offsets(%dma_start3A_2157 : memref<128xi32, #tpu.memory_space<vmem>>) semaphore(%arg14 : memref<!tpu.dma_semaphore, #tpu.memory_space<semaphore_mem>>)
      } else {
      }
      %dma_wait3A_250 = arith.constant 0 : i32
      %dma_wait3A_251 = tpu.memref_slice %arg7[%dma_wait3A_250] : memref<3200xf32, #tpu.memory_space<vmem>> -> memref<3200xf32, #tpu.memory_space<vmem>>
      %dma_wait3A_252 = arith.constant 0 : i32
      %dma_wait3A_253 = tpu.memref_slice %arg3[%dma_wait3A_252] : memref<1000000xf32, #tpu.memory_space<hbm>> -> memref<3200xf32, #tpu.memory_space<hbm>>
      %dma_wait3A_254 = arith.constant 0 : i32
      %dma_wait3A_255 = tpu.memref_slice %arg7[%dma_wait3A_254] : memref<3200xf32, #tpu.memory_space<vmem>> -> memref<3200xf32, #tpu.memory_space<vmem>>
      %dma_wait3A_256 = arith.constant 0 : i32
      %dma_wait3A_257 = tpu.memref_slice %arg3[%dma_wait3A_256] : memref<1000000xf32, #tpu.memory_space<hbm>> -> memref<3200xf32, #tpu.memory_space<hbm>>
      tpu.wait_dma2 semaphore(%arg13 : memref<!tpu.dma_semaphore, #tpu.memory_space<semaphore_mem>>) src(%dma_wait3A_257 : memref<3200xf32, #tpu.memory_space<hbm>>) dst(%dma_wait3A_255 : memref<3200xf32, #tpu.memory_space<vmem>>)
      %broadcast_in_dim3A = arith.constant 0.000000e+00 : f32
      %broadcast_in_dim3A_258 = vector.broadcast %broadcast_in_dim3A : f32 to vector<16xf32>
      %get3A = arith.constant 0 : index
      %get3A_259 = tpu.vector_load %arg7[%get3A] {strides = array<i32>} : memref<3200xf32, #tpu.memory_space<vmem>>, vector<16xf32>,
      %get3A_260 = vector.shape_cast %get3A_259 : vector<16xf32> to vector<16xf32>
      %add3A_261 = arith.addf %broadcast_in_dim3A_258, %get3A_260 : vector<16xf32>
      %get3A_262 = arith.constant 16 : index
      %get3A_263 = tpu.vector_load %arg7[%get3A_262] {strides = array<i32>} : memref<3200xf32, #tpu.memory_space<vmem>>, vector<16xf32>,
      %get3A_264 = vector.shape_cast %get3A_263 : vector<16xf32> to vector<16xf32>
      %add3A_265 = arith.addf %add3A_261, %get3A_264 : vector<16xf32>
      %get3A_266 = arith.constant 32 : index
      %get3A_267 = tpu.vector_load %arg7[%get3A_266] {strides = array<i32>} : memref<3200xf32, #tpu.memory_space<vmem>>, vector<16xf32>,
      %get3A_268 = vector.shape_cast %get3A_267 : vector<16xf32> to vector<16xf32>
      %add3A_269 = arith.addf %add3A_265, %get3A_268 : vector<16xf32>
      %get3A_270 = arith.constant 48 : index
      %get3A_271 = tpu.vector_load %arg7[%get3A_270] {strides = array<i32>} : memref<3200xf32, #tpu.memory_space<vmem>>, vector<16xf32>,
      %get3A_272 = vector.shape_cast %get3A_271 : vector<16xf32> to vector<16xf32>
      %add3A_273 = arith.addf %add3A_269, %get3A_272 : vector<16xf32>
      %get3A_274 = arith.constant 64 : index
      %get3A_275 = tpu.vector_load %arg7[%get3A_274] {strides = array<i32>} : memref<3200xf32, #tpu.memory_space<vmem>>, vector<16xf32>,
      %get3A_276 = vector.shape_cast %get3A_275 : vector<16xf32> to vector<16xf32>
      %add3A_277 = arith.addf %add3A_273, %get3A_276 : vector<16xf32>
      %get3A_278 = arith.constant 80 : index
      %get3A_279 = tpu.vector_load %arg7[%get3A_278] {strides = array<i32>} : memref<3200xf32, #tpu.memory_space<vmem>>, vector<16xf32>,
      %get3A_280 = vector.shape_cast %get3A_279 : vector<16xf32> to vector<16xf32>
      %add3A_281 = arith.addf %add3A_277, %get3A_280 : vector<16xf32>
      %get3A_282 = arith.constant 96 : index
      %get3A_283 = tpu.vector_load %arg7[%get3A_282] {strides = array<i32>} : memref<3200xf32, #tpu.memory_space<vmem>>, vector<16xf32>,
      %get3A_284 = vector.shape_cast %get3A_283 : vector<16xf32> to vector<16xf32>
      %add3A_285 = arith.addf %add3A_281, %get3A_284 : vector<16xf32>
      %get3A_286 = arith.constant 112 : index
      %get3A_287 = tpu.vector_load %arg7[%get3A_286] {strides = array<i32>} : memref<3200xf32, #tpu.memory_space<vmem>>, vector<16xf32>,
      %get3A_288 = vector.shape_cast %get3A_287 : vector<16xf32> to vector<16xf32>
      %add3A_289 = arith.addf %add3A_285, %get3A_288 : vector<16xf32>
      %get3A_290 = arith.constant 128 : index
      %get3A_291 = tpu.vector_load %arg7[%get3A_290] {strides = array<i32>} : memref<3200xf32, #tpu.memory_space<vmem>>, vector<16xf32>,
      %get3A_292 = vector.shape_cast %get3A_291 : vector<16xf32> to vector<16xf32>
      %add3A_293 = arith.addf %add3A_289, %get3A_292 : vector<16xf32>
      %get3A_294 = arith.constant 144 : index
      %get3A_295 = tpu.vector_load %arg7[%get3A_294] {strides = array<i32>} : memref<3200xf32, #tpu.memory_space<vmem>>, vector<16xf32>,
      %get3A_296 = vector.shape_cast %get3A_295 : vector<16xf32> to vector<16xf32>
      %add3A_297 = arith.addf %add3A_293, %get3A_296 : vector<16xf32>
      %get3A_298 = arith.constant 160 : index
      %get3A_299 = tpu.vector_load %arg7[%get3A_298] {strides = array<i32>} : memref<3200xf32, #tpu.memory_space<vmem>>, vector<16xf32>,
      %get3A_300 = vector.shape_cast %get3A_299 : vector<16xf32> to vector<16xf32>
      %add3A_301 = arith.addf %add3A_297, %get3A_300 : vector<16xf32>
      %get3A_302 = arith.constant 176 : index
      %get3A_303 = tpu.vector_load %arg7[%get3A_302] {strides = array<i32>} : memref<3200xf32, #tpu.memory_space<vmem>>, vector<16xf32>,
      %get3A_304 = vector.shape_cast %get3A_303 : vector<16xf32> to vector<16xf32>
      %add3A_305 = arith.addf %add3A_301, %get3A_304 : vector<16xf32>
      %get3A_306 = arith.constant 192 : index
      %get3A_307 = tpu.vector_load %arg7[%get3A_306] {strides = array<i32>} : memref<3200xf32, #tpu.memory_space<vmem>>, vector<16xf32>,
      %get3A_308 = vector.shape_cast %get3A_307 : vector<16xf32> to vector<16xf32>
      %add3A_309 = arith.addf %add3A_305, %get3A_308 : vector<16xf32>
      %get3A_310 = arith.constant 208 : index
      %get3A_311 = tpu.vector_load %arg7[%get3A_310] {strides = array<i32>} : memref<3200xf32, #tpu.memory_space<vmem>>, vector<16xf32>,
      %get3A_312 = vector.shape_cast %get3A_311 : vector<16xf32> to vector<16xf32>
      %add3A_313 = arith.addf %add3A_309, %get3A_312 : vector<16xf32>
      %get3A_314 = arith.constant 224 : index
      %get3A_315 = tpu.vector_load %arg7[%get3A_314] {strides = array<i32>} : memref<3200xf32, #tpu.memory_space<vmem>>, vector<16xf32>,
      %get3A_316 = vector.shape_cast %get3A_315 : vector<16xf32> to vector<16xf32>
      %add3A_317 = arith.addf %add3A_313, %get3A_316 : vector<16xf32>
      %get3A_318 = arith.constant 240 : index
      %get3A_319 = tpu.vector_load %arg7[%get3A_318] {strides = array<i32>} : memref<3200xf32, #tpu.memory_space<vmem>>, vector<16xf32>,
      %get3A_320 = vector.shape_cast %get3A_319 : vector<16xf32> to vector<16xf32>
      %add3A_321 = arith.addf %add3A_317, %get3A_320 : vector<16xf32>
      %get3A_322 = arith.constant 256 : index
      %get3A_323 = tpu.vector_load %arg7[%get3A_322] {strides = array<i32>} : memref<3200xf32, #tpu.memory_space<vmem>>, vector<16xf32>,
      %get3A_324 = vector.shape_cast %get3A_323 : vector<16xf32> to vector<16xf32>
      %add3A_325 = arith.addf %add3A_321, %get3A_324 : vector<16xf32>
      %get3A_326 = arith.constant 272 : index
      %get3A_327 = tpu.vector_load %arg7[%get3A_326] {strides = array<i32>} : memref<3200xf32, #tpu.memory_space<vmem>>, vector<16xf32>,
      %get3A_328 = vector.shape_cast %get3A_327 : vector<16xf32> to vector<16xf32>
      %add3A_329 = arith.addf %add3A_325, %get3A_328 : vector<16xf32>
      %get3A_330 = arith.constant 288 : index
      %get3A_331 = tpu.vector_load %arg7[%get3A_330] {strides = array<i32>} : memref<3200xf32, #tpu.memory_space<vmem>>, vector<16xf32>,
      %get3A_332 = vector.shape_cast %get3A_331 : vector<16xf32> to vector<16xf32>
      %add3A_333 = arith.addf %add3A_329, %get3A_332 : vector<16xf32>
      %get3A_334 = arith.constant 304 : index
      %get3A_335 = tpu.vector_load %arg7[%get3A_334] {strides = array<i32>} : memref<3200xf32, #tpu.memory_space<vmem>>, vector<16xf32>,
      %get3A_336 = vector.shape_cast %get3A_335 : vector<16xf32> to vector<16xf32>
      %add3A_337 = arith.addf %add3A_333, %get3A_336 : vector<16xf32>
      %get3A_338 = arith.constant 320 : index
      %get3A_339 = tpu.vector_load %arg7[%get3A_338] {strides = array<i32>} : memref<3200xf32, #tpu.memory_space<vmem>>, vector<16xf32>,
      %get3A_340 = vector.shape_cast %get3A_339 : vector<16xf32> to vector<16xf32>
      %add3A_341 = arith.addf %add3A_337, %get3A_340 : vector<16xf32>
      %get3A_342 = arith.constant 336 : index
      %get3A_343 = tpu.vector_load %arg7[%get3A_342] {strides = array<i32>} : memref<3200xf32, #tpu.memory_space<vmem>>, vector<16xf32>,
      %get3A_344 = vector.shape_cast %get3A_343 : vector<16xf32> to vector<16xf32>
      %add3A_345 = arith.addf %add3A_341, %get3A_344 : vector<16xf32>
      %get3A_346 = arith.constant 352 : index
      %get3A_347 = tpu.vector_load %arg7[%get3A_346] {strides = array<i32>} : memref<3200xf32, #tpu.memory_space<vmem>>, vector<16xf32>,
      %get3A_348 = vector.shape_cast %get3A_347 : vector<16xf32> to vector<16xf32>
      %add3A_349 = arith.addf %add3A_345, %get3A_348 : vector<16xf32>
      %get3A_350 = arith.constant 368 : index
      %get3A_351 = tpu.vector_load %arg7[%get3A_350] {strides = array<i32>} : memref<3200xf32, #tpu.memory_space<vmem>>, vector<16xf32>,
      %get3A_352 = vector.shape_cast %get3A_351 : vector<16xf32> to vector<16xf32>
      %add3A_353 = arith.addf %add3A_349, %get3A_352 : vector<16xf32>
      %get3A_354 = arith.constant 384 : index
      %get3A_355 = tpu.vector_load %arg7[%get3A_354] {strides = array<i32>} : memref<3200xf32, #tpu.memory_space<vmem>>, vector<16xf32>,
      %get3A_356 = vector.shape_cast %get3A_355 : vector<16xf32> to vector<16xf32>
      %add3A_357 = arith.addf %add3A_353, %get3A_356 : vector<16xf32>
      %get3A_358 = arith.constant 400 : index
      %get3A_359 = tpu.vector_load %arg7[%get3A_358] {strides = array<i32>} : memref<3200xf32, #tpu.memory_space<vmem>>, vector<16xf32>,
      %get3A_360 = vector.shape_cast %get3A_359 : vector<16xf32> to vector<16xf32>
      %add3A_361 = arith.addf %add3A_357, %get3A_360 : vector<16xf32>
      %get3A_362 = arith.constant 416 : index
      %get3A_363 = tpu.vector_load %arg7[%get3A_362] {strides = array<i32>} : memref<3200xf32, #tpu.memory_space<vmem>>, vector<16xf32>,
      %get3A_364 = vector.shape_cast %get3A_363 : vector<16xf32> to vector<16xf32>
      %add3A_365 = arith.addf %add3A_361, %get3A_364 : vector<16xf32>
      %get3A_366 = arith.constant 432 : index
      %get3A_367 = tpu.vector_load %arg7[%get3A_366] {strides = array<i32>} : memref<3200xf32, #tpu.memory_space<vmem>>, vector<16xf32>,
      %get3A_368 = vector.shape_cast %get3A_367 : vector<16xf32> to vector<16xf32>
      %add3A_369 = arith.addf %add3A_365, %get3A_368 : vector<16xf32>
      %get3A_370 = arith.constant 448 : index
      %get3A_371 = tpu.vector_load %arg7[%get3A_370] {strides = array<i32>} : memref<3200xf32, #tpu.memory_space<vmem>>, vector<16xf32>,
      %get3A_372 = vector.shape_cast %get3A_371 : vector<16xf32> to vector<16xf32>
      %add3A_373 = arith.addf %add3A_369, %get3A_372 : vector<16xf32>
      %get3A_374 = arith.constant 464 : index
      %get3A_375 = tpu.vector_load %arg7[%get3A_374] {strides = array<i32>} : memref<3200xf32, #tpu.memory_space<vmem>>, vector<16xf32>,
      %get3A_376 = vector.shape_cast %get3A_375 : vector<16xf32> to vector<16xf32>
      %add3A_377 = arith.addf %add3A_373, %get3A_376 : vector<16xf32>
      %get3A_378 = arith.constant 480 : index
      %get3A_379 = tpu.vector_load %arg7[%get3A_378] {strides = array<i32>} : memref<3200xf32, #tpu.memory_space<vmem>>, vector<16xf32>,
      %get3A_380 = vector.shape_cast %get3A_379 : vector<16xf32> to vector<16xf32>
      %add3A_381 = arith.addf %add3A_377, %get3A_380 : vector<16xf32>
      %get3A_382 = arith.constant 496 : index
      %get3A_383 = tpu.vector_load %arg7[%get3A_382] {strides = array<i32>} : memref<3200xf32, #tpu.memory_space<vmem>>, vector<16xf32>,
      %get3A_384 = vector.shape_cast %get3A_383 : vector<16xf32> to vector<16xf32>
      %add3A_385 = arith.addf %add3A_381, %get3A_384 : vector<16xf32>
      %get3A_386 = arith.constant 512 : index
      %get3A_387 = tpu.vector_load %arg7[%get3A_386] {strides = array<i32>} : memref<3200xf32, #tpu.memory_space<vmem>>, vector<16xf32>,
      %get3A_388 = vector.shape_cast %get3A_387 : vector<16xf32> to vector<16xf32>
      %add3A_389 = arith.addf %add3A_385, %get3A_388 : vector<16xf32>
      %get3A_390 = arith.constant 528 : index
      %get3A_391 = tpu.vector_load %arg7[%get3A_390] {strides = array<i32>} : memref<3200xf32, #tpu.memory_space<vmem>>, vector<16xf32>,
      %get3A_392 = vector.shape_cast %get3A_391 : vector<16xf32> to vector<16xf32>
      %add3A_393 = arith.addf %add3A_389, %get3A_392 : vector<16xf32>
      %get3A_394 = arith.constant 544 : index
      %get3A_395 = tpu.vector_load %arg7[%get3A_394] {strides = array<i32>} : memref<3200xf32, #tpu.memory_space<vmem>>, vector<16xf32>,
      %get3A_396 = vector.shape_cast %get3A_395 : vector<16xf32> to vector<16xf32>
      %add3A_397 = arith.addf %add3A_393, %get3A_396 : vector<16xf32>
      %get3A_398 = arith.constant 560 : index
      %get3A_399 = tpu.vector_load %arg7[%get3A_398] {strides = array<i32>} : memref<3200xf32, #tpu.memory_space<vmem>>, vector<16xf32>,
      %get3A_400 = vector.shape_cast %get3A_399 : vector<16xf32> to vector<16xf32>
      %add3A_401 = arith.addf %add3A_397, %get3A_400 : vector<16xf32>
      %get3A_402 = arith.constant 576 : index
      %get3A_403 = tpu.vector_load %arg7[%get3A_402] {strides = array<i32>} : memref<3200xf32, #tpu.memory_space<vmem>>, vector<16xf32>,
      %get3A_404 = vector.shape_cast %get3A_403 : vector<16xf32> to vector<16xf32>
      %add3A_405 = arith.addf %add3A_401, %get3A_404 : vector<16xf32>
      %get3A_406 = arith.constant 592 : index
      %get3A_407 = tpu.vector_load %arg7[%get3A_406] {strides = array<i32>} : memref<3200xf32, #tpu.memory_space<vmem>>, vector<16xf32>,
      %get3A_408 = vector.shape_cast %get3A_407 : vector<16xf32> to vector<16xf32>
      %add3A_409 = arith.addf %add3A_405, %get3A_408 : vector<16xf32>
      %get3A_410 = arith.constant 608 : index
      %get3A_411 = tpu.vector_load %arg7[%get3A_410] {strides = array<i32>} : memref<3200xf32, #tpu.memory_space<vmem>>, vector<16xf32>,
      %get3A_412 = vector.shape_cast %get3A_411 : vector<16xf32> to vector<16xf32>
      %add3A_413 = arith.addf %add3A_409, %get3A_412 : vector<16xf32>
      %get3A_414 = arith.constant 624 : index
      %get3A_415 = tpu.vector_load %arg7[%get3A_414] {strides = array<i32>} : memref<3200xf32, #tpu.memory_space<vmem>>, vector<16xf32>,
      %get3A_416 = vector.shape_cast %get3A_415 : vector<16xf32> to vector<16xf32>
      %add3A_417 = arith.addf %add3A_413, %get3A_416 : vector<16xf32>
      %get3A_418 = arith.constant 640 : index
      %get3A_419 = tpu.vector_load %arg7[%get3A_418] {strides = array<i32>} : memref<3200xf32, #tpu.memory_space<vmem>>, vector<16xf32>,
      %get3A_420 = vector.shape_cast %get3A_419 : vector<16xf32> to vector<16xf32>
      %add3A_421 = arith.addf %add3A_417, %get3A_420 : vector<16xf32>
      %get3A_422 = arith.constant 656 : index
      %get3A_423 = tpu.vector_load %arg7[%get3A_422] {strides = array<i32>} : memref<3200xf32, #tpu.memory_space<vmem>>, vector<16xf32>,
      %get3A_424 = vector.shape_cast %get3A_423 : vector<16xf32> to vector<16xf32>
      %add3A_425 = arith.addf %add3A_421, %get3A_424 : vector<16xf32>
      %get3A_426 = arith.constant 672 : index
      %get3A_427 = tpu.vector_load %arg7[%get3A_426] {strides = array<i32>} : memref<3200xf32, #tpu.memory_space<vmem>>, vector<16xf32>,
      %get3A_428 = vector.shape_cast %get3A_427 : vector<16xf32> to vector<16xf32>
      %add3A_429 = arith.addf %add3A_425, %get3A_428 : vector<16xf32>
      %get3A_430 = arith.constant 688 : index
      %get3A_431 = tpu.vector_load %arg7[%get3A_430] {strides = array<i32>} : memref<3200xf32, #tpu.memory_space<vmem>>, vector<16xf32>,
      %get3A_432 = vector.shape_cast %get3A_431 : vector<16xf32> to vector<16xf32>
      %add3A_433 = arith.addf %add3A_429, %get3A_432 : vector<16xf32>
      %get3A_434 = arith.constant 704 : index
      %get3A_435 = tpu.vector_load %arg7[%get3A_434] {strides = array<i32>} : memref<3200xf32, #tpu.memory_space<vmem>>, vector<16xf32>,
      %get3A_436 = vector.shape_cast %get3A_435 : vector<16xf32> to vector<16xf32>
      %add3A_437 = arith.addf %add3A_433, %get3A_436 : vector<16xf32>
      %get3A_438 = arith.constant 720 : index
      %get3A_439 = tpu.vector_load %arg7[%get3A_438] {strides = array<i32>} : memref<3200xf32, #tpu.memory_space<vmem>>, vector<16xf32>,
      %get3A_440 = vector.shape_cast %get3A_439 : vector<16xf32> to vector<16xf32>
      %add3A_441 = arith.addf %add3A_437, %get3A_440 : vector<16xf32>
      %get3A_442 = arith.constant 736 : index
      %get3A_443 = tpu.vector_load %arg7[%get3A_442] {strides = array<i32>} : memref<3200xf32, #tpu.memory_space<vmem>>, vector<16xf32>,
      %get3A_444 = vector.shape_cast %get3A_443 : vector<16xf32> to vector<16xf32>
      %add3A_445 = arith.addf %add3A_441, %get3A_444 : vector<16xf32>
      %get3A_446 = arith.constant 752 : index
      %get3A_447 = tpu.vector_load %arg7[%get3A_446] {strides = array<i32>} : memref<3200xf32, #tpu.memory_space<vmem>>, vector<16xf32>,
      %get3A_448 = vector.shape_cast %get3A_447 : vector<16xf32> to vector<16xf32>
      %add3A_449 = arith.addf %add3A_445, %get3A_448 : vector<16xf32>
      %get3A_450 = arith.constant 768 : index
      %get3A_451 = tpu.vector_load %arg7[%get3A_450] {strides = array<i32>} : memref<3200xf32, #tpu.memory_space<vmem>>, vector<16xf32>,
      %get3A_452 = vector.shape_cast %get3A_451 : vector<16xf32> to vector<16xf32>
      %add3A_453 = arith.addf %add3A_449, %get3A_452 : vector<16xf32>
      %get3A_454 = arith.constant 784 : index
      %get3A_455 = tpu.vector_load %arg7[%get3A_454] {strides = array<i32>} : memref<3200xf32, #tpu.memory_space<vmem>>, vector<16xf32>,
      %get3A_456 = vector.shape_cast %get3A_455 : vector<16xf32> to vector<16xf32>
      %add3A_457 = arith.addf %add3A_453, %get3A_456 : vector<16xf32>
      %get3A_458 = arith.constant 800 : index
      %get3A_459 = tpu.vector_load %arg7[%get3A_458] {strides = array<i32>} : memref<3200xf32, #tpu.memory_space<vmem>>, vector<16xf32>,
      %get3A_460 = vector.shape_cast %get3A_459 : vector<16xf32> to vector<16xf32>
      %add3A_461 = arith.addf %add3A_457, %get3A_460 : vector<16xf32>
      %get3A_462 = arith.constant 816 : index
      %get3A_463 = tpu.vector_load %arg7[%get3A_462] {strides = array<i32>} : memref<3200xf32, #tpu.memory_space<vmem>>, vector<16xf32>,
      %get3A_464 = vector.shape_cast %get3A_463 : vector<16xf32> to vector<16xf32>
      %add3A_465 = arith.addf %add3A_461, %get3A_464 : vector<16xf32>
      %get3A_466 = arith.constant 832 : index
      %get3A_467 = tpu.vector_load %arg7[%get3A_466] {strides = array<i32>} : memref<3200xf32, #tpu.memory_space<vmem>>, vector<16xf32>,
      %get3A_468 = vector.shape_cast %get3A_467 : vector<16xf32> to vector<16xf32>
      %add3A_469 = arith.addf %add3A_465, %get3A_468 : vector<16xf32>
      %get3A_470 = arith.constant 848 : index
      %get3A_471 = tpu.vector_load %arg7[%get3A_470] {strides = array<i32>} : memref<3200xf32, #tpu.memory_space<vmem>>, vector<16xf32>,
      %get3A_472 = vector.shape_cast %get3A_471 : vector<16xf32> to vector<16xf32>
      %add3A_473 = arith.addf %add3A_469, %get3A_472 : vector<16xf32>
      %get3A_474 = arith.constant 864 : index
      %get3A_475 = tpu.vector_load %arg7[%get3A_474] {strides = array<i32>} : memref<3200xf32, #tpu.memory_space<vmem>>, vector<16xf32>,
      %get3A_476 = vector.shape_cast %get3A_475 : vector<16xf32> to vector<16xf32>
      %add3A_477 = arith.addf %add3A_473, %get3A_476 : vector<16xf32>
      %get3A_478 = arith.constant 880 : index
      %get3A_479 = tpu.vector_load %arg7[%get3A_478] {strides = array<i32>} : memref<3200xf32, #tpu.memory_space<vmem>>, vector<16xf32>,
      %get3A_480 = vector.shape_cast %get3A_479 : vector<16xf32> to vector<16xf32>
      %add3A_481 = arith.addf %add3A_477, %get3A_480 : vector<16xf32>
      %get3A_482 = arith.constant 896 : index
      %get3A_483 = tpu.vector_load %arg7[%get3A_482] {strides = array<i32>} : memref<3200xf32, #tpu.memory_space<vmem>>, vector<16xf32>,
      %get3A_484 = vector.shape_cast %get3A_483 : vector<16xf32> to vector<16xf32>
      %add3A_485 = arith.addf %add3A_481, %get3A_484 : vector<16xf32>
      %get3A_486 = arith.constant 912 : index
      %get3A_487 = tpu.vector_load %arg7[%get3A_486] {strides = array<i32>} : memref<3200xf32, #tpu.memory_space<vmem>>, vector<16xf32>,
      %get3A_488 = vector.shape_cast %get3A_487 : vector<16xf32> to vector<16xf32>
      %add3A_489 = arith.addf %add3A_485, %get3A_488 : vector<16xf32>
      %get3A_490 = arith.constant 928 : index
      %get3A_491 = tpu.vector_load %arg7[%get3A_490] {strides = array<i32>} : memref<3200xf32, #tpu.memory_space<vmem>>, vector<16xf32>,
      %get3A_492 = vector.shape_cast %get3A_491 : vector<16xf32> to vector<16xf32>
      %add3A_493 = arith.addf %add3A_489, %get3A_492 : vector<16xf32>
      %get3A_494 = arith.constant 944 : index
      %get3A_495 = tpu.vector_load %arg7[%get3A_494] {strides = array<i32>} : memref<3200xf32, #tpu.memory_space<vmem>>, vector<16xf32>,
      %get3A_496 = vector.shape_cast %get3A_495 : vector<16xf32> to vector<16xf32>
      %add3A_497 = arith.addf %add3A_493, %get3A_496 : vector<16xf32>
      %get3A_498 = arith.constant 960 : index
      %get3A_499 = tpu.vector_load %arg7[%get3A_498] {strides = array<i32>} : memref<3200xf32, #tpu.memory_space<vmem>>, vector<16xf32>,
      %get3A_500 = vector.shape_cast %get3A_499 : vector<16xf32> to vector<16xf32>
      %add3A_501 = arith.addf %add3A_497, %get3A_500 : vector<16xf32>
      %get3A_502 = arith.constant 976 : index
      %get3A_503 = tpu.vector_load %arg7[%get3A_502] {strides = array<i32>} : memref<3200xf32, #tpu.memory_space<vmem>>, vector<16xf32>,
      %get3A_504 = vector.shape_cast %get3A_503 : vector<16xf32> to vector<16xf32>
      %add3A_505 = arith.addf %add3A_501, %get3A_504 : vector<16xf32>
      %get3A_506 = arith.constant 992 : index
      %get3A_507 = tpu.vector_load %arg7[%get3A_506] {strides = array<i32>} : memref<3200xf32, #tpu.memory_space<vmem>>, vector<16xf32>,
      %get3A_508 = vector.shape_cast %get3A_507 : vector<16xf32> to vector<16xf32>
      %add3A_509 = arith.addf %add3A_505, %get3A_508 : vector<16xf32>
      %get3A_510 = arith.constant 1008 : index
      %get3A_511 = tpu.vector_load %arg7[%get3A_510] {strides = array<i32>} : memref<3200xf32, #tpu.memory_space<vmem>>, vector<16xf32>,
      %get3A_512 = vector.shape_cast %get3A_511 : vector<16xf32> to vector<16xf32>
      %add3A_513 = arith.addf %add3A_509, %get3A_512 : vector<16xf32>
      %get3A_514 = arith.constant 1024 : index
      %get3A_515 = tpu.vector_load %arg7[%get3A_514] {strides = array<i32>} : memref<3200xf32, #tpu.memory_space<vmem>>, vector<16xf32>,
      %get3A_516 = vector.shape_cast %get3A_515 : vector<16xf32> to vector<16xf32>
      %add3A_517 = arith.addf %add3A_513, %get3A_516 : vector<16xf32>
      %get3A_518 = arith.constant 1040 : index
      %get3A_519 = tpu.vector_load %arg7[%get3A_518] {strides = array<i32>} : memref<3200xf32, #tpu.memory_space<vmem>>, vector<16xf32>,
      %get3A_520 = vector.shape_cast %get3A_519 : vector<16xf32> to vector<16xf32>
      %add3A_521 = arith.addf %add3A_517, %get3A_520 : vector<16xf32>
      %get3A_522 = arith.constant 1056 : index
      %get3A_523 = tpu.vector_load %arg7[%get3A_522] {strides = array<i32>} : memref<3200xf32, #tpu.memory_space<vmem>>, vector<16xf32>,
      %get3A_524 = vector.shape_cast %get3A_523 : vector<16xf32> to vector<16xf32>
      %add3A_525 = arith.addf %add3A_521, %get3A_524 : vector<16xf32>
      %get3A_526 = arith.constant 1072 : index
      %get3A_527 = tpu.vector_load %arg7[%get3A_526] {strides = array<i32>} : memref<3200xf32, #tpu.memory_space<vmem>>, vector<16xf32>,
      %get3A_528 = vector.shape_cast %get3A_527 : vector<16xf32> to vector<16xf32>
      %add3A_529 = arith.addf %add3A_525, %get3A_528 : vector<16xf32>
      %get3A_530 = arith.constant 1088 : index
      %get3A_531 = tpu.vector_load %arg7[%get3A_530] {strides = array<i32>} : memref<3200xf32, #tpu.memory_space<vmem>>, vector<16xf32>,
      %get3A_532 = vector.shape_cast %get3A_531 : vector<16xf32> to vector<16xf32>
      %add3A_533 = arith.addf %add3A_529, %get3A_532 : vector<16xf32>
      %get3A_534 = arith.constant 1104 : index
      %get3A_535 = tpu.vector_load %arg7[%get3A_534] {strides = array<i32>} : memref<3200xf32, #tpu.memory_space<vmem>>, vector<16xf32>,
      %get3A_536 = vector.shape_cast %get3A_535 : vector<16xf32> to vector<16xf32>
      %add3A_537 = arith.addf %add3A_533, %get3A_536 : vector<16xf32>
      %get3A_538 = arith.constant 1120 : index
      %get3A_539 = tpu.vector_load %arg7[%get3A_538] {strides = array<i32>} : memref<3200xf32, #tpu.memory_space<vmem>>, vector<16xf32>,
      %get3A_540 = vector.shape_cast %get3A_539 : vector<16xf32> to vector<16xf32>
      %add3A_541 = arith.addf %add3A_537, %get3A_540 : vector<16xf32>
      %get3A_542 = arith.constant 1136 : index
      %get3A_543 = tpu.vector_load %arg7[%get3A_542] {strides = array<i32>} : memref<3200xf32, #tpu.memory_space<vmem>>, vector<16xf32>,
      %get3A_544 = vector.shape_cast %get3A_543 : vector<16xf32> to vector<16xf32>
      %add3A_545 = arith.addf %add3A_541, %get3A_544 : vector<16xf32>
      %get3A_546 = arith.constant 1152 : index
      %get3A_547 = tpu.vector_load %arg7[%get3A_546] {strides = array<i32>} : memref<3200xf32, #tpu.memory_space<vmem>>, vector<16xf32>,
      %get3A_548 = vector.shape_cast %get3A_547 : vector<16xf32> to vector<16xf32>
      %add3A_549 = arith.addf %add3A_545, %get3A_548 : vector<16xf32>
      %get3A_550 = arith.constant 1168 : index
      %get3A_551 = tpu.vector_load %arg7[%get3A_550] {strides = array<i32>} : memref<3200xf32, #tpu.memory_space<vmem>>, vector<16xf32>,
      %get3A_552 = vector.shape_cast %get3A_551 : vector<16xf32> to vector<16xf32>
      %add3A_553 = arith.addf %add3A_549, %get3A_552 : vector<16xf32>
      %get3A_554 = arith.constant 1184 : index
      %get3A_555 = tpu.vector_load %arg7[%get3A_554] {strides = array<i32>} : memref<3200xf32, #tpu.memory_space<vmem>>, vector<16xf32>,
      %get3A_556 = vector.shape_cast %get3A_555 : vector<16xf32> to vector<16xf32>
      %add3A_557 = arith.addf %add3A_553, %get3A_556 : vector<16xf32>
      %get3A_558 = arith.constant 1200 : index
      %get3A_559 = tpu.vector_load %arg7[%get3A_558] {strides = array<i32>} : memref<3200xf32, #tpu.memory_space<vmem>>, vector<16xf32>,
      %get3A_560 = vector.shape_cast %get3A_559 : vector<16xf32> to vector<16xf32>
      %add3A_561 = arith.addf %add3A_557, %get3A_560 : vector<16xf32>
      %get3A_562 = arith.constant 1216 : index
      %get3A_563 = tpu.vector_load %arg7[%get3A_562] {strides = array<i32>} : memref<3200xf32, #tpu.memory_space<vmem>>, vector<16xf32>,
      %get3A_564 = vector.shape_cast %get3A_563 : vector<16xf32> to vector<16xf32>
      %add3A_565 = arith.addf %add3A_561, %get3A_564 : vector<16xf32>
      %get3A_566 = arith.constant 1232 : index
      %get3A_567 = tpu.vector_load %arg7[%get3A_566] {strides = array<i32>} : memref<3200xf32, #tpu.memory_space<vmem>>, vector<16xf32>,
      %get3A_568 = vector.shape_cast %get3A_567 : vector<16xf32> to vector<16xf32>
      %add3A_569 = arith.addf %add3A_565, %get3A_568 : vector<16xf32>
      %get3A_570 = arith.constant 1248 : index
      %get3A_571 = tpu.vector_load %arg7[%get3A_570] {strides = array<i32>} : memref<3200xf32, #tpu.memory_space<vmem>>, vector<16xf32>,
      %get3A_572 = vector.shape_cast %get3A_571 : vector<16xf32> to vector<16xf32>
      %add3A_573 = arith.addf %add3A_569, %get3A_572 : vector<16xf32>
      %get3A_574 = arith.constant 1264 : index
      %get3A_575 = tpu.vector_load %arg7[%get3A_574] {strides = array<i32>} : memref<3200xf32, #tpu.memory_space<vmem>>, vector<16xf32>,
      %get3A_576 = vector.shape_cast %get3A_575 : vector<16xf32> to vector<16xf32>
      %add3A_577 = arith.addf %add3A_573, %get3A_576 : vector<16xf32>
      %get3A_578 = arith.constant 1280 : index
      %get3A_579 = tpu.vector_load %arg7[%get3A_578] {strides = array<i32>} : memref<3200xf32, #tpu.memory_space<vmem>>, vector<16xf32>,
      %get3A_580 = vector.shape_cast %get3A_579 : vector<16xf32> to vector<16xf32>
      %add3A_581 = arith.addf %add3A_577, %get3A_580 : vector<16xf32>
      %get3A_582 = arith.constant 1296 : index
      %get3A_583 = tpu.vector_load %arg7[%get3A_582] {strides = array<i32>} : memref<3200xf32, #tpu.memory_space<vmem>>, vector<16xf32>,
      %get3A_584 = vector.shape_cast %get3A_583 : vector<16xf32> to vector<16xf32>
      %add3A_585 = arith.addf %add3A_581, %get3A_584 : vector<16xf32>
      %get3A_586 = arith.constant 1312 : index
      %get3A_587 = tpu.vector_load %arg7[%get3A_586] {strides = array<i32>} : memref<3200xf32, #tpu.memory_space<vmem>>, vector<16xf32>,
      %get3A_588 = vector.shape_cast %get3A_587 : vector<16xf32> to vector<16xf32>
      %add3A_589 = arith.addf %add3A_585, %get3A_588 : vector<16xf32>
      %get3A_590 = arith.constant 1328 : index
      %get3A_591 = tpu.vector_load %arg7[%get3A_590] {strides = array<i32>} : memref<3200xf32, #tpu.memory_space<vmem>>, vector<16xf32>,
      %get3A_592 = vector.shape_cast %get3A_591 : vector<16xf32> to vector<16xf32>
      %add3A_593 = arith.addf %add3A_589, %get3A_592 : vector<16xf32>
      %get3A_594 = arith.constant 1344 : index
      %get3A_595 = tpu.vector_load %arg7[%get3A_594] {strides = array<i32>} : memref<3200xf32, #tpu.memory_space<vmem>>, vector<16xf32>,
      %get3A_596 = vector.shape_cast %get3A_595 : vector<16xf32> to vector<16xf32>
      %add3A_597 = arith.addf %add3A_593, %get3A_596 : vector<16xf32>
      %get3A_598 = arith.constant 1360 : index
      %get3A_599 = tpu.vector_load %arg7[%get3A_598] {strides = array<i32>} : memref<3200xf32, #tpu.memory_space<vmem>>, vector<16xf32>,
      %get3A_600 = vector.shape_cast %get3A_599 : vector<16xf32> to vector<16xf32>
      %add3A_601 = arith.addf %add3A_597, %get3A_600 : vector<16xf32>
      %get3A_602 = arith.constant 1376 : index
      %get3A_603 = tpu.vector_load %arg7[%get3A_602] {strides = array<i32>} : memref<3200xf32, #tpu.memory_space<vmem>>, vector<16xf32>,
      %get3A_604 = vector.shape_cast %get3A_603 : vector<16xf32> to vector<16xf32>
      %add3A_605 = arith.addf %add3A_601, %get3A_604 : vector<16xf32>
      %get3A_606 = arith.constant 1392 : index
      %get3A_607 = tpu.vector_load %arg7[%get3A_606] {strides = array<i32>} : memref<3200xf32, #tpu.memory_space<vmem>>, vector<16xf32>,
      %get3A_608 = vector.shape_cast %get3A_607 : vector<16xf32> to vector<16xf32>
      %add3A_609 = arith.addf %add3A_605, %get3A_608 : vector<16xf32>
      %get3A_610 = arith.constant 1408 : index
      %get3A_611 = tpu.vector_load %arg7[%get3A_610] {strides = array<i32>} : memref<3200xf32, #tpu.memory_space<vmem>>, vector<16xf32>,
      %get3A_612 = vector.shape_cast %get3A_611 : vector<16xf32> to vector<16xf32>
      %add3A_613 = arith.addf %add3A_609, %get3A_612 : vector<16xf32>
      %get3A_614 = arith.constant 1424 : index
      %get3A_615 = tpu.vector_load %arg7[%get3A_614] {strides = array<i32>} : memref<3200xf32, #tpu.memory_space<vmem>>, vector<16xf32>,
      %get3A_616 = vector.shape_cast %get3A_615 : vector<16xf32> to vector<16xf32>
      %add3A_617 = arith.addf %add3A_613, %get3A_616 : vector<16xf32>
      %get3A_618 = arith.constant 1440 : index
      %get3A_619 = tpu.vector_load %arg7[%get3A_618] {strides = array<i32>} : memref<3200xf32, #tpu.memory_space<vmem>>, vector<16xf32>,
      %get3A_620 = vector.shape_cast %get3A_619 : vector<16xf32> to vector<16xf32>
      %add3A_621 = arith.addf %add3A_617, %get3A_620 : vector<16xf32>
      %get3A_622 = arith.constant 1456 : index
      %get3A_623 = tpu.vector_load %arg7[%get3A_622] {strides = array<i32>} : memref<3200xf32, #tpu.memory_space<vmem>>, vector<16xf32>,
      %get3A_624 = vector.shape_cast %get3A_623 : vector<16xf32> to vector<16xf32>
      %add3A_625 = arith.addf %add3A_621, %get3A_624 : vector<16xf32>
      %get3A_626 = arith.constant 1472 : index
      %get3A_627 = tpu.vector_load %arg7[%get3A_626] {strides = array<i32>} : memref<3200xf32, #tpu.memory_space<vmem>>, vector<16xf32>,
      %get3A_628 = vector.shape_cast %get3A_627 : vector<16xf32> to vector<16xf32>
      %add3A_629 = arith.addf %add3A_625, %get3A_628 : vector<16xf32>
      %get3A_630 = arith.constant 1488 : index
      %get3A_631 = tpu.vector_load %arg7[%get3A_630] {strides = array<i32>} : memref<3200xf32, #tpu.memory_space<vmem>>, vector<16xf32>,
      %get3A_632 = vector.shape_cast %get3A_631 : vector<16xf32> to vector<16xf32>
      %add3A_633 = arith.addf %add3A_629, %get3A_632 : vector<16xf32>
      %get3A_634 = arith.constant 1504 : index
      %get3A_635 = tpu.vector_load %arg7[%get3A_634] {strides = array<i32>} : memref<3200xf32, #tpu.memory_space<vmem>>, vector<16xf32>,
      %get3A_636 = vector.shape_cast %get3A_635 : vector<16xf32> to vector<16xf32>
      %add3A_637 = arith.addf %add3A_633, %get3A_636 : vector<16xf32>
      %get3A_638 = arith.constant 1520 : index
      %get3A_639 = tpu.vector_load %arg7[%get3A_638] {strides = array<i32>} : memref<3200xf32, #tpu.memory_space<vmem>>, vector<16xf32>,
      %get3A_640 = vector.shape_cast %get3A_639 : vector<16xf32> to vector<16xf32>
      %add3A_641 = arith.addf %add3A_637, %get3A_640 : vector<16xf32>
      %get3A_642 = arith.constant 1536 : index
      %get3A_643 = tpu.vector_load %arg7[%get3A_642] {strides = array<i32>} : memref<3200xf32, #tpu.memory_space<vmem>>, vector<16xf32>,
      %get3A_644 = vector.shape_cast %get3A_643 : vector<16xf32> to vector<16xf32>
      %add3A_645 = arith.addf %add3A_641, %get3A_644 : vector<16xf32>
      %get3A_646 = arith.constant 1552 : index
      %get3A_647 = tpu.vector_load %arg7[%get3A_646] {strides = array<i32>} : memref<3200xf32, #tpu.memory_space<vmem>>, vector<16xf32>,
      %get3A_648 = vector.shape_cast %get3A_647 : vector<16xf32> to vector<16xf32>
      %add3A_649 = arith.addf %add3A_645, %get3A_648 : vector<16xf32>
      %get3A_650 = arith.constant 1568 : index
      %get3A_651 = tpu.vector_load %arg7[%get3A_650] {strides = array<i32>} : memref<3200xf32, #tpu.memory_space<vmem>>, vector<16xf32>,
      %get3A_652 = vector.shape_cast %get3A_651 : vector<16xf32> to vector<16xf32>
      %add3A_653 = arith.addf %add3A_649, %get3A_652 : vector<16xf32>
      %get3A_654 = arith.constant 1584 : index
      %get3A_655 = tpu.vector_load %arg7[%get3A_654] {strides = array<i32>} : memref<3200xf32, #tpu.memory_space<vmem>>, vector<16xf32>,
      %get3A_656 = vector.shape_cast %get3A_655 : vector<16xf32> to vector<16xf32>
      %add3A_657 = arith.addf %add3A_653, %get3A_656 : vector<16xf32>
      %get3A_658 = arith.constant 1600 : index
      %get3A_659 = tpu.vector_load %arg7[%get3A_658] {strides = array<i32>} : memref<3200xf32, #tpu.memory_space<vmem>>, vector<16xf32>,
      %get3A_660 = vector.shape_cast %get3A_659 : vector<16xf32> to vector<16xf32>
      %add3A_661 = arith.addf %add3A_657, %get3A_660 : vector<16xf32>
      %get3A_662 = arith.constant 1616 : index
      %get3A_663 = tpu.vector_load %arg7[%get3A_662] {strides = array<i32>} : memref<3200xf32, #tpu.memory_space<vmem>>, vector<16xf32>,
      %get3A_664 = vector.shape_cast %get3A_663 : vector<16xf32> to vector<16xf32>
      %add3A_665 = arith.addf %add3A_661, %get3A_664 : vector<16xf32>
      %get3A_666 = arith.constant 1632 : index
      %get3A_667 = tpu.vector_load %arg7[%get3A_666] {strides = array<i32>} : memref<3200xf32, #tpu.memory_space<vmem>>, vector<16xf32>,
      %get3A_668 = vector.shape_cast %get3A_667 : vector<16xf32> to vector<16xf32>
      %add3A_669 = arith.addf %add3A_665, %get3A_668 : vector<16xf32>
      %get3A_670 = arith.constant 1648 : index
      %get3A_671 = tpu.vector_load %arg7[%get3A_670] {strides = array<i32>} : memref<3200xf32, #tpu.memory_space<vmem>>, vector<16xf32>,
      %get3A_672 = vector.shape_cast %get3A_671 : vector<16xf32> to vector<16xf32>
      %add3A_673 = arith.addf %add3A_669, %get3A_672 : vector<16xf32>
      %get3A_674 = arith.constant 1664 : index
      %get3A_675 = tpu.vector_load %arg7[%get3A_674] {strides = array<i32>} : memref<3200xf32, #tpu.memory_space<vmem>>, vector<16xf32>,
      %get3A_676 = vector.shape_cast %get3A_675 : vector<16xf32> to vector<16xf32>
      %add3A_677 = arith.addf %add3A_673, %get3A_676 : vector<16xf32>
      %get3A_678 = arith.constant 1680 : index
      %get3A_679 = tpu.vector_load %arg7[%get3A_678] {strides = array<i32>} : memref<3200xf32, #tpu.memory_space<vmem>>, vector<16xf32>,
      %get3A_680 = vector.shape_cast %get3A_679 : vector<16xf32> to vector<16xf32>
      %add3A_681 = arith.addf %add3A_677, %get3A_680 : vector<16xf32>
      %get3A_682 = arith.constant 1696 : index
      %get3A_683 = tpu.vector_load %arg7[%get3A_682] {strides = array<i32>} : memref<3200xf32, #tpu.memory_space<vmem>>, vector<16xf32>,
      %get3A_684 = vector.shape_cast %get3A_683 : vector<16xf32> to vector<16xf32>
      %add3A_685 = arith.addf %add3A_681, %get3A_684 : vector<16xf32>
      %get3A_686 = arith.constant 1712 : index
      %get3A_687 = tpu.vector_load %arg7[%get3A_686] {strides = array<i32>} : memref<3200xf32, #tpu.memory_space<vmem>>, vector<16xf32>,
      %get3A_688 = vector.shape_cast %get3A_687 : vector<16xf32> to vector<16xf32>
      %add3A_689 = arith.addf %add3A_685, %get3A_688 : vector<16xf32>
      %get3A_690 = arith.constant 1728 : index
      %get3A_691 = tpu.vector_load %arg7[%get3A_690] {strides = array<i32>} : memref<3200xf32, #tpu.memory_space<vmem>>, vector<16xf32>,
      %get3A_692 = vector.shape_cast %get3A_691 : vector<16xf32> to vector<16xf32>
      %add3A_693 = arith.addf %add3A_689, %get3A_692 : vector<16xf32>
      %get3A_694 = arith.constant 1744 : index
      %get3A_695 = tpu.vector_load %arg7[%get3A_694] {strides = array<i32>} : memref<3200xf32, #tpu.memory_space<vmem>>, vector<16xf32>,
      %get3A_696 = vector.shape_cast %get3A_695 : vector<16xf32> to vector<16xf32>
      %add3A_697 = arith.addf %add3A_693, %get3A_696 : vector<16xf32>
      %get3A_698 = arith.constant 1760 : index
      %get3A_699 = tpu.vector_load %arg7[%get3A_698] {strides = array<i32>} : memref<3200xf32, #tpu.memory_space<vmem>>, vector<16xf32>,
      %get3A_700 = vector.shape_cast %get3A_699 : vector<16xf32> to vector<16xf32>
      %add3A_701 = arith.addf %add3A_697, %get3A_700 : vector<16xf32>
      %get3A_702 = arith.constant 1776 : index
      %get3A_703 = tpu.vector_load %arg7[%get3A_702] {strides = array<i32>} : memref<3200xf32, #tpu.memory_space<vmem>>, vector<16xf32>,
      %get3A_704 = vector.shape_cast %get3A_703 : vector<16xf32> to vector<16xf32>
      %add3A_705 = arith.addf %add3A_701, %get3A_704 : vector<16xf32>
      %get3A_706 = arith.constant 1792 : index
      %get3A_707 = tpu.vector_load %arg7[%get3A_706] {strides = array<i32>} : memref<3200xf32, #tpu.memory_space<vmem>>, vector<16xf32>,
      %get3A_708 = vector.shape_cast %get3A_707 : vector<16xf32> to vector<16xf32>
      %add3A_709 = arith.addf %add3A_705, %get3A_708 : vector<16xf32>
      %get3A_710 = arith.constant 1808 : index
      %get3A_711 = tpu.vector_load %arg7[%get3A_710] {strides = array<i32>} : memref<3200xf32, #tpu.memory_space<vmem>>, vector<16xf32>,
      %get3A_712 = vector.shape_cast %get3A_711 : vector<16xf32> to vector<16xf32>
      %add3A_713 = arith.addf %add3A_709, %get3A_712 : vector<16xf32>
      %get3A_714 = arith.constant 1824 : index
      %get3A_715 = tpu.vector_load %arg7[%get3A_714] {strides = array<i32>} : memref<3200xf32, #tpu.memory_space<vmem>>, vector<16xf32>,
      %get3A_716 = vector.shape_cast %get3A_715 : vector<16xf32> to vector<16xf32>
      %add3A_717 = arith.addf %add3A_713, %get3A_716 : vector<16xf32>
      %get3A_718 = arith.constant 1840 : index
      %get3A_719 = tpu.vector_load %arg7[%get3A_718] {strides = array<i32>} : memref<3200xf32, #tpu.memory_space<vmem>>, vector<16xf32>,
      %get3A_720 = vector.shape_cast %get3A_719 : vector<16xf32> to vector<16xf32>
      %add3A_721 = arith.addf %add3A_717, %get3A_720 : vector<16xf32>
      %get3A_722 = arith.constant 1856 : index
      %get3A_723 = tpu.vector_load %arg7[%get3A_722] {strides = array<i32>} : memref<3200xf32, #tpu.memory_space<vmem>>, vector<16xf32>,
      %get3A_724 = vector.shape_cast %get3A_723 : vector<16xf32> to vector<16xf32>
      %add3A_725 = arith.addf %add3A_721, %get3A_724 : vector<16xf32>
      %get3A_726 = arith.constant 1872 : index
      %get3A_727 = tpu.vector_load %arg7[%get3A_726] {strides = array<i32>} : memref<3200xf32, #tpu.memory_space<vmem>>, vector<16xf32>,
      %get3A_728 = vector.shape_cast %get3A_727 : vector<16xf32> to vector<16xf32>
      %add3A_729 = arith.addf %add3A_725, %get3A_728 : vector<16xf32>
      %get3A_730 = arith.constant 1888 : index
      %get3A_731 = tpu.vector_load %arg7[%get3A_730] {strides = array<i32>} : memref<3200xf32, #tpu.memory_space<vmem>>, vector<16xf32>,
      %get3A_732 = vector.shape_cast %get3A_731 : vector<16xf32> to vector<16xf32>
      %add3A_733 = arith.addf %add3A_729, %get3A_732 : vector<16xf32>
      %get3A_734 = arith.constant 1904 : index
      %get3A_735 = tpu.vector_load %arg7[%get3A_734] {strides = array<i32>} : memref<3200xf32, #tpu.memory_space<vmem>>, vector<16xf32>,
      %get3A_736 = vector.shape_cast %get3A_735 : vector<16xf32> to vector<16xf32>
      %add3A_737 = arith.addf %add3A_733, %get3A_736 : vector<16xf32>
      %get3A_738 = arith.constant 1920 : index
      %get3A_739 = tpu.vector_load %arg7[%get3A_738] {strides = array<i32>} : memref<3200xf32, #tpu.memory_space<vmem>>, vector<16xf32>,
      %get3A_740 = vector.shape_cast %get3A_739 : vector<16xf32> to vector<16xf32>
      %add3A_741 = arith.addf %add3A_737, %get3A_740 : vector<16xf32>
      %get3A_742 = arith.constant 1936 : index
      %get3A_743 = tpu.vector_load %arg7[%get3A_742] {strides = array<i32>} : memref<3200xf32, #tpu.memory_space<vmem>>, vector<16xf32>,
      %get3A_744 = vector.shape_cast %get3A_743 : vector<16xf32> to vector<16xf32>
      %add3A_745 = arith.addf %add3A_741, %get3A_744 : vector<16xf32>
      %get3A_746 = arith.constant 1952 : index
      %get3A_747 = tpu.vector_load %arg7[%get3A_746] {strides = array<i32>} : memref<3200xf32, #tpu.memory_space<vmem>>, vector<16xf32>,
      %get3A_748 = vector.shape_cast %get3A_747 : vector<16xf32> to vector<16xf32>
      %add3A_749 = arith.addf %add3A_745, %get3A_748 : vector<16xf32>
      %get3A_750 = arith.constant 1968 : index
      %get3A_751 = tpu.vector_load %arg7[%get3A_750] {strides = array<i32>} : memref<3200xf32, #tpu.memory_space<vmem>>, vector<16xf32>,
      %get3A_752 = vector.shape_cast %get3A_751 : vector<16xf32> to vector<16xf32>
      %add3A_753 = arith.addf %add3A_749, %get3A_752 : vector<16xf32>
      %get3A_754 = arith.constant 1984 : index
      %get3A_755 = tpu.vector_load %arg7[%get3A_754] {strides = array<i32>} : memref<3200xf32, #tpu.memory_space<vmem>>, vector<16xf32>,
      %get3A_756 = vector.shape_cast %get3A_755 : vector<16xf32> to vector<16xf32>
      %add3A_757 = arith.addf %add3A_753, %get3A_756 : vector<16xf32>
      %get3A_758 = arith.constant 2000 : index
      %get3A_759 = tpu.vector_load %arg7[%get3A_758] {strides = array<i32>} : memref<3200xf32, #tpu.memory_space<vmem>>, vector<16xf32>,
      %get3A_760 = vector.shape_cast %get3A_759 : vector<16xf32> to vector<16xf32>
      %add3A_761 = arith.addf %add3A_757, %get3A_760 : vector<16xf32>
      %get3A_762 = arith.constant 2016 : index
      %get3A_763 = tpu.vector_load %arg7[%get3A_762] {strides = array<i32>} : memref<3200xf32, #tpu.memory_space<vmem>>, vector<16xf32>,
      %get3A_764 = vector.shape_cast %get3A_763 : vector<16xf32> to vector<16xf32>
      %add3A_765 = arith.addf %add3A_761, %get3A_764 : vector<16xf32>
      %get3A_766 = arith.constant 2032 : index
      %get3A_767 = tpu.vector_load %arg7[%get3A_766] {strides = array<i32>} : memref<3200xf32, #tpu.memory_space<vmem>>, vector<16xf32>,
      %get3A_768 = vector.shape_cast %get3A_767 : vector<16xf32> to vector<16xf32>
      %add3A_769 = arith.addf %add3A_765, %get3A_768 : vector<16xf32>
      %get3A_770 = arith.constant 2048 : index
      %get3A_771 = tpu.vector_load %arg7[%get3A_770] {strides = array<i32>} : memref<3200xf32, #tpu.memory_space<vmem>>, vector<16xf32>,
      %get3A_772 = vector.shape_cast %get3A_771 : vector<16xf32> to vector<16xf32>
      %add3A_773 = arith.addf %add3A_769, %get3A_772 : vector<16xf32>
      %get3A_774 = arith.constant 2064 : index
      %get3A_775 = tpu.vector_load %arg7[%get3A_774] {strides = array<i32>} : memref<3200xf32, #tpu.memory_space<vmem>>, vector<16xf32>,
      %get3A_776 = vector.shape_cast %get3A_775 : vector<16xf32> to vector<16xf32>
      %add3A_777 = arith.addf %add3A_773, %get3A_776 : vector<16xf32>
      %get3A_778 = arith.constant 2080 : index
      %get3A_779 = tpu.vector_load %arg7[%get3A_778] {strides = array<i32>} : memref<3200xf32, #tpu.memory_space<vmem>>, vector<16xf32>,
      %get3A_780 = vector.shape_cast %get3A_779 : vector<16xf32> to vector<16xf32>
      %add3A_781 = arith.addf %add3A_777, %get3A_780 : vector<16xf32>
      %get3A_782 = arith.constant 2096 : index
      %get3A_783 = tpu.vector_load %arg7[%get3A_782] {strides = array<i32>} : memref<3200xf32, #tpu.memory_space<vmem>>, vector<16xf32>,
      %get3A_784 = vector.shape_cast %get3A_783 : vector<16xf32> to vector<16xf32>
      %add3A_785 = arith.addf %add3A_781, %get3A_784 : vector<16xf32>
      %get3A_786 = arith.constant 2112 : index
      %get3A_787 = tpu.vector_load %arg7[%get3A_786] {strides = array<i32>} : memref<3200xf32, #tpu.memory_space<vmem>>, vector<16xf32>,
      %get3A_788 = vector.shape_cast %get3A_787 : vector<16xf32> to vector<16xf32>
      %add3A_789 = arith.addf %add3A_785, %get3A_788 : vector<16xf32>
      %get3A_790 = arith.constant 2128 : index
      %get3A_791 = tpu.vector_load %arg7[%get3A_790] {strides = array<i32>} : memref<3200xf32, #tpu.memory_space<vmem>>, vector<16xf32>,
      %get3A_792 = vector.shape_cast %get3A_791 : vector<16xf32> to vector<16xf32>
      %add3A_793 = arith.addf %add3A_789, %get3A_792 : vector<16xf32>
      %get3A_794 = arith.constant 2144 : index
      %get3A_795 = tpu.vector_load %arg7[%get3A_794] {strides = array<i32>} : memref<3200xf32, #tpu.memory_space<vmem>>, vector<16xf32>,
      %get3A_796 = vector.shape_cast %get3A_795 : vector<16xf32> to vector<16xf32>
      %add3A_797 = arith.addf %add3A_793, %get3A_796 : vector<16xf32>
      %get3A_798 = arith.constant 2160 : index
      %get3A_799 = tpu.vector_load %arg7[%get3A_798] {strides = array<i32>} : memref<3200xf32, #tpu.memory_space<vmem>>, vector<16xf32>,
      %get3A_800 = vector.shape_cast %get3A_799 : vector<16xf32> to vector<16xf32>
      %add3A_801 = arith.addf %add3A_797, %get3A_800 : vector<16xf32>
      %get3A_802 = arith.constant 2176 : index
      %get3A_803 = tpu.vector_load %arg7[%get3A_802] {strides = array<i32>} : memref<3200xf32, #tpu.memory_space<vmem>>, vector<16xf32>,
      %get3A_804 = vector.shape_cast %get3A_803 : vector<16xf32> to vector<16xf32>
      %add3A_805 = arith.addf %add3A_801, %get3A_804 : vector<16xf32>
      %get3A_806 = arith.constant 2192 : index
      %get3A_807 = tpu.vector_load %arg7[%get3A_806] {strides = array<i32>} : memref<3200xf32, #tpu.memory_space<vmem>>, vector<16xf32>,
      %get3A_808 = vector.shape_cast %get3A_807 : vector<16xf32> to vector<16xf32>
      %add3A_809 = arith.addf %add3A_805, %get3A_808 : vector<16xf32>
      %get3A_810 = arith.constant 2208 : index
      %get3A_811 = tpu.vector_load %arg7[%get3A_810] {strides = array<i32>} : memref<3200xf32, #tpu.memory_space<vmem>>, vector<16xf32>,
      %get3A_812 = vector.shape_cast %get3A_811 : vector<16xf32> to vector<16xf32>
      %add3A_813 = arith.addf %add3A_809, %get3A_812 : vector<16xf32>
      %get3A_814 = arith.constant 2224 : index
      %get3A_815 = tpu.vector_load %arg7[%get3A_814] {strides = array<i32>} : memref<3200xf32, #tpu.memory_space<vmem>>, vector<16xf32>,
      %get3A_816 = vector.shape_cast %get3A_815 : vector<16xf32> to vector<16xf32>
      %add3A_817 = arith.addf %add3A_813, %get3A_816 : vector<16xf32>
      %get3A_818 = arith.constant 2240 : index
      %get3A_819 = tpu.vector_load %arg7[%get3A_818] {strides = array<i32>} : memref<3200xf32, #tpu.memory_space<vmem>>, vector<16xf32>,
      %get3A_820 = vector.shape_cast %get3A_819 : vector<16xf32> to vector<16xf32>
      %add3A_821 = arith.addf %add3A_817, %get3A_820 : vector<16xf32>
      %get3A_822 = arith.constant 2256 : index
      %get3A_823 = tpu.vector_load %arg7[%get3A_822] {strides = array<i32>} : memref<3200xf32, #tpu.memory_space<vmem>>, vector<16xf32>,
      %get3A_824 = vector.shape_cast %get3A_823 : vector<16xf32> to vector<16xf32>
      %add3A_825 = arith.addf %add3A_821, %get3A_824 : vector<16xf32>
      %get3A_826 = arith.constant 2272 : index
      %get3A_827 = tpu.vector_load %arg7[%get3A_826] {strides = array<i32>} : memref<3200xf32, #tpu.memory_space<vmem>>, vector<16xf32>,
      %get3A_828 = vector.shape_cast %get3A_827 : vector<16xf32> to vector<16xf32>
      %add3A_829 = arith.addf %add3A_825, %get3A_828 : vector<16xf32>
      %get3A_830 = arith.constant 2288 : index
      %get3A_831 = tpu.vector_load %arg7[%get3A_830] {strides = array<i32>} : memref<3200xf32, #tpu.memory_space<vmem>>, vector<16xf32>,
      %get3A_832 = vector.shape_cast %get3A_831 : vector<16xf32> to vector<16xf32>
      %add3A_833 = arith.addf %add3A_829, %get3A_832 : vector<16xf32>
      %get3A_834 = arith.constant 2304 : index
      %get3A_835 = tpu.vector_load %arg7[%get3A_834] {strides = array<i32>} : memref<3200xf32, #tpu.memory_space<vmem>>, vector<16xf32>,
      %get3A_836 = vector.shape_cast %get3A_835 : vector<16xf32> to vector<16xf32>
      %add3A_837 = arith.addf %add3A_833, %get3A_836 : vector<16xf32>
      %get3A_838 = arith.constant 2320 : index
      %get3A_839 = tpu.vector_load %arg7[%get3A_838] {strides = array<i32>} : memref<3200xf32, #tpu.memory_space<vmem>>, vector<16xf32>,
      %get3A_840 = vector.shape_cast %get3A_839 : vector<16xf32> to vector<16xf32>
      %add3A_841 = arith.addf %add3A_837, %get3A_840 : vector<16xf32>
      %get3A_842 = arith.constant 2336 : index
      %get3A_843 = tpu.vector_load %arg7[%get3A_842] {strides = array<i32>} : memref<3200xf32, #tpu.memory_space<vmem>>, vector<16xf32>,
      %get3A_844 = vector.shape_cast %get3A_843 : vector<16xf32> to vector<16xf32>
      %add3A_845 = arith.addf %add3A_841, %get3A_844 : vector<16xf32>
      %get3A_846 = arith.constant 2352 : index
      %get3A_847 = tpu.vector_load %arg7[%get3A_846] {strides = array<i32>} : memref<3200xf32, #tpu.memory_space<vmem>>, vector<16xf32>,
      %get3A_848 = vector.shape_cast %get3A_847 : vector<16xf32> to vector<16xf32>
      %add3A_849 = arith.addf %add3A_845, %get3A_848 : vector<16xf32>
      %get3A_850 = arith.constant 2368 : index
      %get3A_851 = tpu.vector_load %arg7[%get3A_850] {strides = array<i32>} : memref<3200xf32, #tpu.memory_space<vmem>>, vector<16xf32>,
      %get3A_852 = vector.shape_cast %get3A_851 : vector<16xf32> to vector<16xf32>
      %add3A_853 = arith.addf %add3A_849, %get3A_852 : vector<16xf32>
      %get3A_854 = arith.constant 2384 : index
      %get3A_855 = tpu.vector_load %arg7[%get3A_854] {strides = array<i32>} : memref<3200xf32, #tpu.memory_space<vmem>>, vector<16xf32>,
      %get3A_856 = vector.shape_cast %get3A_855 : vector<16xf32> to vector<16xf32>
      %add3A_857 = arith.addf %add3A_853, %get3A_856 : vector<16xf32>
      %get3A_858 = arith.constant 2400 : index
      %get3A_859 = tpu.vector_load %arg7[%get3A_858] {strides = array<i32>} : memref<3200xf32, #tpu.memory_space<vmem>>, vector<16xf32>,
      %get3A_860 = vector.shape_cast %get3A_859 : vector<16xf32> to vector<16xf32>
      %add3A_861 = arith.addf %add3A_857, %get3A_860 : vector<16xf32>
      %get3A_862 = arith.constant 2416 : index
      %get3A_863 = tpu.vector_load %arg7[%get3A_862] {strides = array<i32>} : memref<3200xf32, #tpu.memory_space<vmem>>, vector<16xf32>,
      %get3A_864 = vector.shape_cast %get3A_863 : vector<16xf32> to vector<16xf32>
      %add3A_865 = arith.addf %add3A_861, %get3A_864 : vector<16xf32>
      %get3A_866 = arith.constant 2432 : index
      %get3A_867 = tpu.vector_load %arg7[%get3A_866] {strides = array<i32>} : memref<3200xf32, #tpu.memory_space<vmem>>, vector<16xf32>,
      %get3A_868 = vector.shape_cast %get3A_867 : vector<16xf32> to vector<16xf32>
      %add3A_869 = arith.addf %add3A_865, %get3A_868 : vector<16xf32>
      %get3A_870 = arith.constant 2448 : index
      %get3A_871 = tpu.vector_load %arg7[%get3A_870] {strides = array<i32>} : memref<3200xf32, #tpu.memory_space<vmem>>, vector<16xf32>,
      %get3A_872 = vector.shape_cast %get3A_871 : vector<16xf32> to vector<16xf32>
      %add3A_873 = arith.addf %add3A_869, %get3A_872 : vector<16xf32>
      %get3A_874 = arith.constant 2464 : index
      %get3A_875 = tpu.vector_load %arg7[%get3A_874] {strides = array<i32>} : memref<3200xf32, #tpu.memory_space<vmem>>, vector<16xf32>,
      %get3A_876 = vector.shape_cast %get3A_875 : vector<16xf32> to vector<16xf32>
      %add3A_877 = arith.addf %add3A_873, %get3A_876 : vector<16xf32>
      %get3A_878 = arith.constant 2480 : index
      %get3A_879 = tpu.vector_load %arg7[%get3A_878] {strides = array<i32>} : memref<3200xf32, #tpu.memory_space<vmem>>, vector<16xf32>,
      %get3A_880 = vector.shape_cast %get3A_879 : vector<16xf32> to vector<16xf32>
      %add3A_881 = arith.addf %add3A_877, %get3A_880 : vector<16xf32>
      %get3A_882 = arith.constant 2496 : index
      %get3A_883 = tpu.vector_load %arg7[%get3A_882] {strides = array<i32>} : memref<3200xf32, #tpu.memory_space<vmem>>, vector<16xf32>,
      %get3A_884 = vector.shape_cast %get3A_883 : vector<16xf32> to vector<16xf32>
      %add3A_885 = arith.addf %add3A_881, %get3A_884 : vector<16xf32>
      %get3A_886 = arith.constant 2512 : index
      %get3A_887 = tpu.vector_load %arg7[%get3A_886] {strides = array<i32>} : memref<3200xf32, #tpu.memory_space<vmem>>, vector<16xf32>,
      %get3A_888 = vector.shape_cast %get3A_887 : vector<16xf32> to vector<16xf32>
      %add3A_889 = arith.addf %add3A_885, %get3A_888 : vector<16xf32>
      %get3A_890 = arith.constant 2528 : index
      %get3A_891 = tpu.vector_load %arg7[%get3A_890] {strides = array<i32>} : memref<3200xf32, #tpu.memory_space<vmem>>, vector<16xf32>,
      %get3A_892 = vector.shape_cast %get3A_891 : vector<16xf32> to vector<16xf32>
      %add3A_893 = arith.addf %add3A_889, %get3A_892 : vector<16xf32>
      %get3A_894 = arith.constant 2544 : index
      %get3A_895 = tpu.vector_load %arg7[%get3A_894] {strides = array<i32>} : memref<3200xf32, #tpu.memory_space<vmem>>, vector<16xf32>,
      %get3A_896 = vector.shape_cast %get3A_895 : vector<16xf32> to vector<16xf32>
      %add3A_897 = arith.addf %add3A_893, %get3A_896 : vector<16xf32>
      %get3A_898 = arith.constant 2560 : index
      %get3A_899 = tpu.vector_load %arg7[%get3A_898] {strides = array<i32>} : memref<3200xf32, #tpu.memory_space<vmem>>, vector<16xf32>,
      %get3A_900 = vector.shape_cast %get3A_899 : vector<16xf32> to vector<16xf32>
      %add3A_901 = arith.addf %add3A_897, %get3A_900 : vector<16xf32>
      %get3A_902 = arith.constant 2576 : index
      %get3A_903 = tpu.vector_load %arg7[%get3A_902] {strides = array<i32>} : memref<3200xf32, #tpu.memory_space<vmem>>, vector<16xf32>,
      %get3A_904 = vector.shape_cast %get3A_903 : vector<16xf32> to vector<16xf32>
      %add3A_905 = arith.addf %add3A_901, %get3A_904 : vector<16xf32>
      %get3A_906 = arith.constant 2592 : index
      %get3A_907 = tpu.vector_load %arg7[%get3A_906] {strides = array<i32>} : memref<3200xf32, #tpu.memory_space<vmem>>, vector<16xf32>,
      %get3A_908 = vector.shape_cast %get3A_907 : vector<16xf32> to vector<16xf32>
      %add3A_909 = arith.addf %add3A_905, %get3A_908 : vector<16xf32>
      %get3A_910 = arith.constant 2608 : index
      %get3A_911 = tpu.vector_load %arg7[%get3A_910] {strides = array<i32>} : memref<3200xf32, #tpu.memory_space<vmem>>, vector<16xf32>,
      %get3A_912 = vector.shape_cast %get3A_911 : vector<16xf32> to vector<16xf32>
      %add3A_913 = arith.addf %add3A_909, %get3A_912 : vector<16xf32>
      %get3A_914 = arith.constant 2624 : index
      %get3A_915 = tpu.vector_load %arg7[%get3A_914] {strides = array<i32>} : memref<3200xf32, #tpu.memory_space<vmem>>, vector<16xf32>,
      %get3A_916 = vector.shape_cast %get3A_915 : vector<16xf32> to vector<16xf32>
      %add3A_917 = arith.addf %add3A_913, %get3A_916 : vector<16xf32>
      %get3A_918 = arith.constant 2640 : index
      %get3A_919 = tpu.vector_load %arg7[%get3A_918] {strides = array<i32>} : memref<3200xf32, #tpu.memory_space<vmem>>, vector<16xf32>,
      %get3A_920 = vector.shape_cast %get3A_919 : vector<16xf32> to vector<16xf32>
      %add3A_921 = arith.addf %add3A_917, %get3A_920 : vector<16xf32>
      %get3A_922 = arith.constant 2656 : index
      %get3A_923 = tpu.vector_load %arg7[%get3A_922] {strides = array<i32>} : memref<3200xf32, #tpu.memory_space<vmem>>, vector<16xf32>,
      %get3A_924 = vector.shape_cast %get3A_923 : vector<16xf32> to vector<16xf32>
      %add3A_925 = arith.addf %add3A_921, %get3A_924 : vector<16xf32>
      %get3A_926 = arith.constant 2672 : index
      %get3A_927 = tpu.vector_load %arg7[%get3A_926] {strides = array<i32>} : memref<3200xf32, #tpu.memory_space<vmem>>, vector<16xf32>,
      %get3A_928 = vector.shape_cast %get3A_927 : vector<16xf32> to vector<16xf32>
      %add3A_929 = arith.addf %add3A_925, %get3A_928 : vector<16xf32>
      %get3A_930 = arith.constant 2688 : index
      %get3A_931 = tpu.vector_load %arg7[%get3A_930] {strides = array<i32>} : memref<3200xf32, #tpu.memory_space<vmem>>, vector<16xf32>,
      %get3A_932 = vector.shape_cast %get3A_931 : vector<16xf32> to vector<16xf32>
      %add3A_933 = arith.addf %add3A_929, %get3A_932 : vector<16xf32>
      %get3A_934 = arith.constant 2704 : index
      %get3A_935 = tpu.vector_load %arg7[%get3A_934] {strides = array<i32>} : memref<3200xf32, #tpu.memory_space<vmem>>, vector<16xf32>,
      %get3A_936 = vector.shape_cast %get3A_935 : vector<16xf32> to vector<16xf32>
      %add3A_937 = arith.addf %add3A_933, %get3A_936 : vector<16xf32>
      %get3A_938 = arith.constant 2720 : index
      %get3A_939 = tpu.vector_load %arg7[%get3A_938] {strides = array<i32>} : memref<3200xf32, #tpu.memory_space<vmem>>, vector<16xf32>,
      %get3A_940 = vector.shape_cast %get3A_939 : vector<16xf32> to vector<16xf32>
      %add3A_941 = arith.addf %add3A_937, %get3A_940 : vector<16xf32>
      %get3A_942 = arith.constant 2736 : index
      %get3A_943 = tpu.vector_load %arg7[%get3A_942] {strides = array<i32>} : memref<3200xf32, #tpu.memory_space<vmem>>, vector<16xf32>,
      %get3A_944 = vector.shape_cast %get3A_943 : vector<16xf32> to vector<16xf32>
      %add3A_945 = arith.addf %add3A_941, %get3A_944 : vector<16xf32>
      %get3A_946 = arith.constant 2752 : index
      %get3A_947 = tpu.vector_load %arg7[%get3A_946] {strides = array<i32>} : memref<3200xf32, #tpu.memory_space<vmem>>, vector<16xf32>,
      %get3A_948 = vector.shape_cast %get3A_947 : vector<16xf32> to vector<16xf32>
      %add3A_949 = arith.addf %add3A_945, %get3A_948 : vector<16xf32>
      %get3A_950 = arith.constant 2768 : index
      %get3A_951 = tpu.vector_load %arg7[%get3A_950] {strides = array<i32>} : memref<3200xf32, #tpu.memory_space<vmem>>, vector<16xf32>,
      %get3A_952 = vector.shape_cast %get3A_951 : vector<16xf32> to vector<16xf32>
      %add3A_953 = arith.addf %add3A_949, %get3A_952 : vector<16xf32>
      %get3A_954 = arith.constant 2784 : index
      %get3A_955 = tpu.vector_load %arg7[%get3A_954] {strides = array<i32>} : memref<3200xf32, #tpu.memory_space<vmem>>, vector<16xf32>,
      %get3A_956 = vector.shape_cast %get3A_955 : vector<16xf32> to vector<16xf32>
      %add3A_957 = arith.addf %add3A_953, %get3A_956 : vector<16xf32>
      %get3A_958 = arith.constant 2800 : index
      %get3A_959 = tpu.vector_load %arg7[%get3A_958] {strides = array<i32>} : memref<3200xf32, #tpu.memory_space<vmem>>, vector<16xf32>,
      %get3A_960 = vector.shape_cast %get3A_959 : vector<16xf32> to vector<16xf32>
      %add3A_961 = arith.addf %add3A_957, %get3A_960 : vector<16xf32>
      %get3A_962 = arith.constant 2816 : index
      %get3A_963 = tpu.vector_load %arg7[%get3A_962] {strides = array<i32>} : memref<3200xf32, #tpu.memory_space<vmem>>, vector<16xf32>,
      %get3A_964 = vector.shape_cast %get3A_963 : vector<16xf32> to vector<16xf32>
      %add3A_965 = arith.addf %add3A_961, %get3A_964 : vector<16xf32>
      %get3A_966 = arith.constant 2832 : index
      %get3A_967 = tpu.vector_load %arg7[%get3A_966] {strides = array<i32>} : memref<3200xf32, #tpu.memory_space<vmem>>, vector<16xf32>,
      %get3A_968 = vector.shape_cast %get3A_967 : vector<16xf32> to vector<16xf32>
      %add3A_969 = arith.addf %add3A_965, %get3A_968 : vector<16xf32>
      %get3A_970 = arith.constant 2848 : index
      %get3A_971 = tpu.vector_load %arg7[%get3A_970] {strides = array<i32>} : memref<3200xf32, #tpu.memory_space<vmem>>, vector<16xf32>,
      %get3A_972 = vector.shape_cast %get3A_971 : vector<16xf32> to vector<16xf32>
      %add3A_973 = arith.addf %add3A_969, %get3A_972 : vector<16xf32>
      %get3A_974 = arith.constant 2864 : index
      %get3A_975 = tpu.vector_load %arg7[%get3A_974] {strides = array<i32>} : memref<3200xf32, #tpu.memory_space<vmem>>, vector<16xf32>,
      %get3A_976 = vector.shape_cast %get3A_975 : vector<16xf32> to vector<16xf32>
      %add3A_977 = arith.addf %add3A_973, %get3A_976 : vector<16xf32>
      %get3A_978 = arith.constant 2880 : index
      %get3A_979 = tpu.vector_load %arg7[%get3A_978] {strides = array<i32>} : memref<3200xf32, #tpu.memory_space<vmem>>, vector<16xf32>,
      %get3A_980 = vector.shape_cast %get3A_979 : vector<16xf32> to vector<16xf32>
      %add3A_981 = arith.addf %add3A_977, %get3A_980 : vector<16xf32>
      %get3A_982 = arith.constant 2896 : index
      %get3A_983 = tpu.vector_load %arg7[%get3A_982] {strides = array<i32>} : memref<3200xf32, #tpu.memory_space<vmem>>, vector<16xf32>,
      %get3A_984 = vector.shape_cast %get3A_983 : vector<16xf32> to vector<16xf32>
      %add3A_985 = arith.addf %add3A_981, %get3A_984 : vector<16xf32>
      %get3A_986 = arith.constant 2912 : index
      %get3A_987 = tpu.vector_load %arg7[%get3A_986] {strides = array<i32>} : memref<3200xf32, #tpu.memory_space<vmem>>, vector<16xf32>,
      %get3A_988 = vector.shape_cast %get3A_987 : vector<16xf32> to vector<16xf32>
      %add3A_989 = arith.addf %add3A_985, %get3A_988 : vector<16xf32>
      %get3A_990 = arith.constant 2928 : index
      %get3A_991 = tpu.vector_load %arg7[%get3A_990] {strides = array<i32>} : memref<3200xf32, #tpu.memory_space<vmem>>, vector<16xf32>,
      %get3A_992 = vector.shape_cast %get3A_991 : vector<16xf32> to vector<16xf32>
      %add3A_993 = arith.addf %add3A_989, %get3A_992 : vector<16xf32>
      %get3A_994 = arith.constant 2944 : index
      %get3A_995 = tpu.vector_load %arg7[%get3A_994] {strides = array<i32>} : memref<3200xf32, #tpu.memory_space<vmem>>, vector<16xf32>,
      %get3A_996 = vector.shape_cast %get3A_995 : vector<16xf32> to vector<16xf32>
      %add3A_997 = arith.addf %add3A_993, %get3A_996 : vector<16xf32>
      %get3A_998 = arith.constant 2960 : index
      %get3A_999 = tpu.vector_load %arg7[%get3A_998] {strides = array<i32>} : memref<3200xf32, #tpu.memory_space<vmem>>, vector<16xf32>,
      %get3A_1000 = vector.shape_cast %get3A_999 : vector<16xf32> to vector<16xf32>
      %add3A_1001 = arith.addf %add3A_997, %get3A_1000 : vector<16xf32>
      %get3A_1002 = arith.constant 2976 : index
      %get3A_1003 = tpu.vector_load %arg7[%get3A_1002] {strides = array<i32>} : memref<3200xf32, #tpu.memory_space<vmem>>, vector<16xf32>,
      %get3A_1004 = vector.shape_cast %get3A_1003 : vector<16xf32> to vector<16xf32>
      %add3A_1005 = arith.addf %add3A_1001, %get3A_1004 : vector<16xf32>
      %get3A_1006 = arith.constant 2992 : index
      %get3A_1007 = tpu.vector_load %arg7[%get3A_1006] {strides = array<i32>} : memref<3200xf32, #tpu.memory_space<vmem>>, vector<16xf32>,
      %get3A_1008 = vector.shape_cast %get3A_1007 : vector<16xf32> to vector<16xf32>
      %add3A_1009 = arith.addf %add3A_1005, %get3A_1008 : vector<16xf32>
      %get3A_1010 = arith.constant 3008 : index
      %get3A_1011 = tpu.vector_load %arg7[%get3A_1010] {strides = array<i32>} : memref<3200xf32, #tpu.memory_space<vmem>>, vector<16xf32>,
      %get3A_1012 = vector.shape_cast %get3A_1011 : vector<16xf32> to vector<16xf32>
      %add3A_1013 = arith.addf %add3A_1009, %get3A_1012 : vector<16xf32>
      %get3A_1014 = arith.constant 3024 : index
      %get3A_1015 = tpu.vector_load %arg7[%get3A_1014] {strides = array<i32>} : memref<3200xf32, #tpu.memory_space<vmem>>, vector<16xf32>,
      %get3A_1016 = vector.shape_cast %get3A_1015 : vector<16xf32> to vector<16xf32>
      %add3A_1017 = arith.addf %add3A_1013, %get3A_1016 : vector<16xf32>
      %get3A_1018 = arith.constant 3040 : index
      %get3A_1019 = tpu.vector_load %arg7[%get3A_1018] {strides = array<i32>} : memref<3200xf32, #tpu.memory_space<vmem>>, vector<16xf32>,
      %get3A_1020 = vector.shape_cast %get3A_1019 : vector<16xf32> to vector<16xf32>
      %add3A_1021 = arith.addf %add3A_1017, %get3A_1020 : vector<16xf32>
      %get3A_1022 = arith.constant 3056 : index
      %get3A_1023 = tpu.vector_load %arg7[%get3A_1022] {strides = array<i32>} : memref<3200xf32, #tpu.memory_space<vmem>>, vector<16xf32>,
      %get3A_1024 = vector.shape_cast %get3A_1023 : vector<16xf32> to vector<16xf32>
      %add3A_1025 = arith.addf %add3A_1021, %get3A_1024 : vector<16xf32>
      %get3A_1026 = arith.constant 3072 : index
      %get3A_1027 = tpu.vector_load %arg7[%get3A_1026] {strides = array<i32>} : memref<3200xf32, #tpu.memory_space<vmem>>, vector<16xf32>,
      %get3A_1028 = vector.shape_cast %get3A_1027 : vector<16xf32> to vector<16xf32>
      %add3A_1029 = arith.addf %add3A_1025, %get3A_1028 : vector<16xf32>
      %get3A_1030 = arith.constant 3088 : index
      %get3A_1031 = tpu.vector_load %arg7[%get3A_1030] {strides = array<i32>} : memref<3200xf32, #tpu.memory_space<vmem>>, vector<16xf32>,
      %get3A_1032 = vector.shape_cast %get3A_1031 : vector<16xf32> to vector<16xf32>
      %add3A_1033 = arith.addf %add3A_1029, %get3A_1032 : vector<16xf32>
      %get3A_1034 = arith.constant 3104 : index
      %get3A_1035 = tpu.vector_load %arg7[%get3A_1034] {strides = array<i32>} : memref<3200xf32, #tpu.memory_space<vmem>>, vector<16xf32>,
      %get3A_1036 = vector.shape_cast %get3A_1035 : vector<16xf32> to vector<16xf32>
      %add3A_1037 = arith.addf %add3A_1033, %get3A_1036 : vector<16xf32>
      %get3A_1038 = arith.constant 3120 : index
      %get3A_1039 = tpu.vector_load %arg7[%get3A_1038] {strides = array<i32>} : memref<3200xf32, #tpu.memory_space<vmem>>, vector<16xf32>,
      %get3A_1040 = vector.shape_cast %get3A_1039 : vector<16xf32> to vector<16xf32>
      %add3A_1041 = arith.addf %add3A_1037, %get3A_1040 : vector<16xf32>
      %get3A_1042 = arith.constant 3136 : index
      %get3A_1043 = tpu.vector_load %arg7[%get3A_1042] {strides = array<i32>} : memref<3200xf32, #tpu.memory_space<vmem>>, vector<16xf32>,
      %get3A_1044 = vector.shape_cast %get3A_1043 : vector<16xf32> to vector<16xf32>
      %add3A_1045 = arith.addf %add3A_1041, %get3A_1044 : vector<16xf32>
      %get3A_1046 = arith.constant 3152 : index
      %get3A_1047 = tpu.vector_load %arg7[%get3A_1046] {strides = array<i32>} : memref<3200xf32, #tpu.memory_space<vmem>>, vector<16xf32>,
      %get3A_1048 = vector.shape_cast %get3A_1047 : vector<16xf32> to vector<16xf32>
      %add3A_1049 = arith.addf %add3A_1045, %get3A_1048 : vector<16xf32>
      %get3A_1050 = arith.constant 3168 : index
      %get3A_1051 = tpu.vector_load %arg7[%get3A_1050] {strides = array<i32>} : memref<3200xf32, #tpu.memory_space<vmem>>, vector<16xf32>,
      %get3A_1052 = vector.shape_cast %get3A_1051 : vector<16xf32> to vector<16xf32>
      %add3A_1053 = arith.addf %add3A_1049, %get3A_1052 : vector<16xf32>
      %get3A_1054 = arith.constant 3184 : index
      %get3A_1055 = tpu.vector_load %arg7[%get3A_1054] {strides = array<i32>} : memref<3200xf32, #tpu.memory_space<vmem>>, vector<16xf32>,
      %get3A_1056 = vector.shape_cast %get3A_1055 : vector<16xf32> to vector<16xf32>
      %add3A_1057 = arith.addf %add3A_1053, %get3A_1056 : vector<16xf32>
      %mul3A_1058 = arith.constant 5.000000e-03 : f32
      %mul3A_1059 = vector.broadcast %mul3A_1058 : f32 to vector<16xf32>
      %mul3A_1060 = arith.mulf %add3A_1057, %mul3A_1059 : vector<16xf32>
      %neg3A = arith.constant 0.000000e+00 : f32
      %neg3A_1061 = vector.broadcast %neg3A : f32 to vector<16xf32>
      %neg3A_1062 = arith.subf %neg3A_1061, %mul3A_1060 : vector<16xf32>
      %exp3A = math.exp %neg3A_1062 : vector<16xf32>
      %add3A_1063 = arith.constant 1.000000e+00 : f32
      %add3A_1064 = vector.broadcast %add3A_1063 : f32 to vector<16xf32>
      %add3A_1065 = arith.addf %add3A_1064, %exp3A : vector<16xf32>
      %div3A = arith.constant 1.000000e+00 : f32
      %div3A_1066 = vector.broadcast %div3A : f32 to vector<16xf32>
      %div3A_1067 = arith.divf %div3A_1066, %add3A_1065 : vector<16xf32>
      %mul3A_1068 = arith.constant 1.000000e+02 : f32
      %mul3A_1069 = vector.broadcast %mul3A_1068 : f32 to vector<16xf32>
      %mul3A_1070 = arith.mulf %div3A_1067, %mul3A_1069 : vector<16xf32>
      %add3A_1071 = arith.constant 5.000000e-01 : f32
      %add3A_1072 = vector.broadcast %add3A_1071 : f32 to vector<16xf32>
      %add3A_1073 = arith.addf %mul3A_1070, %add3A_1072 : vector<16xf32>
      %convert_element_type3A_1074 = arith.fptosi %add3A_1073 : vector<16xf32> to vector<16xi32>
      %convert_element_type3A_1075 = arith.sitofp %convert_element_type3A_1074 : vector<16xi32> to vector<16xf32>
      %div3A_1076 = arith.constant 1.000000e+02 : f32
      %div3A_1077 = vector.broadcast %div3A_1076 : f32 to vector<16xf32>
      %div3A_1078 = arith.divf %convert_element_type3A_1075, %div3A_1077 : vector<16xf32>
      %mul3A_1079 = arith.constant 16 : i32
      %mul3A_1080 = arith.muli %add3A_243, %mul3A_1079 : i32
      %swap3A = arith.index_cast %mul3A_1080 : i32 to index
      %swap3A_1081 = tpu.vector_load %arg10[%swap3A] {strides = array<i32>} : memref<512xf32, #tpu.memory_space<vmem>>, vector<16xf32>,
      %swap3A_1082 = vector.shape_cast %swap3A_1081 : vector<16xf32> to vector<16xf32>
      %swap3A_1083 = vector.shape_cast %div3A_1078 : vector<16xf32> to vector<16xf32>
      tpu.vector_store %arg10[%swap3A], %swap3A_1083 {strides = array<i32>} : memref<512xf32, #tpu.memory_space<vmem>>, vector<16xf32>,
      %add3A_1084 = arith.constant 2 : i32
      %add3A_1085 = arith.addi %add3A_243, %add3A_1084 : i32
      %lt3A_1086 = arith.constant 32 : i32
      %lt3A_1087 = arith.cmpi slt, %add3A_1085, %lt3A_1086 : i32
      %convert_element_type3A_1088 = arith.extui %lt3A_1087 : i1 to i32
      %cond3A_1089 = arith.constant 0 : i32
      %cond3A_1090 = arith.cmpi ne, %convert_element_type3A_1088, %cond3A_1089 : i32
      scf.if %cond3A_1090 {
        %add3A_1949 = arith.constant 2 : i32
        %add3A_1950 = arith.addi %add3A_243, %add3A_1949 : i32
        %add3A_1951 = arith.addi %mul3A_2, %add3A_1950 : i32
        %dma_start3A_1952 = arith.constant 0 : i32
        %dma_start3A_1953 = arith.constant 0 : i32
        %dma_start3A_1954 = tpu.memref_slice %arg2[%add3A_1951, %dma_start3A_1952, %dma_start3A_1953] : memref<1024x25x128xi32, #tpu.memory_space<hbm>> -> memref<1x25x128xi32, #tpu.memory_space<hbm>>
        %dma_start3A_1955 = tpu.memref_squeeze %dma_start3A_1954 : memref<1x25x128xi32, #tpu.memory_space<hbm>> -> memref<25x128xi32, #tpu.memory_space<hbm>>
        %dma_start3A_1956 = arith.constant 0 : i32
        %dma_start3A_1957 = arith.constant 0 : i32
        %dma_start3A_1958 = tpu.memref_slice %arg2[%add3A_1951, %dma_start3A_1956, %dma_start3A_1957] : memref<1024x25x128xi32, #tpu.memory_space<hbm>> -> memref<1x25x128xi32, #tpu.memory_space<hbm>>
        %dma_start3A_1959 = tpu.memref_squeeze %dma_start3A_1958 : memref<1x25x128xi32, #tpu.memory_space<hbm>> -> memref<25x128xi32, #tpu.memory_space<hbm>>
        tpu.enqueue_dma source(%dma_start3A_1959 : memref<25x128xi32, #tpu.memory_space<hbm>>) target(%arg5 : memref<25x128xi32, #tpu.memory_space<vmem>>) target_semaphore(%arg11 : memref<!tpu.dma_semaphore, #tpu.memory_space<semaphore_mem>>)
      } else {
      }
      %mul3A_1091 = arith.constant 2 : i32
      %mul3A_1092 = arith.muli %scan3A_239, %mul3A_1091 : i32
      %add3A_1093 = arith.constant 1 : i32
      %add3A_1094 = arith.addi %mul3A_1092, %add3A_1093 : i32
      %add3A_1095 = arith.constant 1 : i32
      %add3A_1096 = arith.addi %add3A_1094, %add3A_1095 : i32
      %lt3A_1097 = arith.constant 32 : i32
      %lt3A_1098 = arith.cmpi slt, %add3A_1096, %lt3A_1097 : i32
      %convert_element_type3A_1099 = arith.extui %lt3A_1098 : i1 to i32
      %cond3A_1100 = arith.constant 0 : i32
      %cond3A_1101 = arith.cmpi ne, %convert_element_type3A_1099, %cond3A_1100 : i32
      scf.if %cond3A_1101 {
        %dma_wait3A_1949 = arith.constant 0 : i32
        %dma_wait3A_1950 = arith.constant 0 : i32
        %dma_wait3A_1951 = arith.constant 0 : i32
        %dma_wait3A_1952 = tpu.memref_slice %arg2[%dma_wait3A_1949, %dma_wait3A_1950, %dma_wait3A_1951] : memref<1024x25x128xi32, #tpu.memory_space<hbm>> -> memref<1x25x128xi32, #tpu.memory_space<hbm>>
        %dma_wait3A_1953 = tpu.memref_squeeze %dma_wait3A_1952 : memref<1x25x128xi32, #tpu.memory_space<hbm>> -> memref<25x128xi32, #tpu.memory_space<hbm>>
        %dma_wait3A_1954 = arith.constant 0 : i32
        %dma_wait3A_1955 = arith.constant 0 : i32
        %dma_wait3A_1956 = tpu.memref_slice %arg2[%dma_wait3A_1949, %dma_wait3A_1954, %dma_wait3A_1955] : memref<1024x25x128xi32, #tpu.memory_space<hbm>> -> memref<1x25x128xi32, #tpu.memory_space<hbm>>
        %dma_wait3A_1957 = tpu.memref_squeeze %dma_wait3A_1956 : memref<1x25x128xi32, #tpu.memory_space<hbm>> -> memref<25x128xi32, #tpu.memory_space<hbm>>
        tpu.wait_dma2 semaphore(%arg11 : memref<!tpu.dma_semaphore, #tpu.memory_space<semaphore_mem>>) src(%dma_wait3A_1957 : memref<25x128xi32, #tpu.memory_space<hbm>>) dst(%arg5 : memref<25x128xi32, #tpu.memory_space<vmem>>)
        %add3A_1958 = arith.constant 1 : i32
        %add3A_1959 = arith.addi %add3A_1094, %add3A_1958 : i32
        %dma_start3A_1960 = arith.constant 0 : i32
        %dma_start3A_1961 = arith.constant 0 : i32
        %dma_start3A_1962 = tpu.memref_slice %arg7[%dma_start3A_1961] : memref<3200xf32, #tpu.memory_space<vmem>> -> memref<128xf32, #tpu.memory_space<vmem>>
        %dma_start3A_1963 = arith.constant 0 : i32
        %dma_start3A_1964 = tpu.memref_slice %arg5[%dma_start3A_1960, %dma_start3A_1963] : memref<25x128xi32, #tpu.memory_space<vmem>> -> memref<1x128xi32, #tpu.memory_space<vmem>>
        %dma_start3A_1965 = tpu.memref_squeeze %dma_start3A_1964 : memref<1x128xi32, #tpu.memory_space<vmem>> -> memref<128xi32, #tpu.memory_space<vmem>>
        %dma_start3A_1966 = arith.constant 0 : i32
        %dma_start3A_1967 = tpu.memref_slice %arg9[%dma_start3A_1966] : memref<1000000xf32, #tpu.memory_space<vmem_shared>> -> memref<1000000xf32, #tpu.memory_space<vmem_shared>>
        tpu.enqueue_indirect_dma source(%dma_start3A_1967 : memref<1000000xf32, #tpu.memory_space<vmem_shared>>) target(%dma_start3A_1962 : memref<128xf32, #tpu.memory_space<vmem>>) offsets(%dma_start3A_1965 : memref<128xi32, #tpu.memory_space<vmem>>) semaphore(%arg13 : memref<!tpu.dma_semaphore, #tpu.memory_space<semaphore_mem>>)
        %dma_start3A_1968 = arith.constant 1 : i32
        %dma_start3A_1969 = arith.constant 128 : i32
        %dma_start3A_1970 = tpu.memref_slice %arg7[%dma_start3A_1969] : memref<3200xf32, #tpu.memory_space<vmem>> -> memref<128xf32, #tpu.memory_space<vmem>>
        %dma_start3A_1971 = arith.constant 0 : i32
        %dma_start3A_1972 = tpu.memref_slice %arg5[%dma_start3A_1968, %dma_start3A_1971] : memref<25x128xi32, #tpu.memory_space<vmem>> -> memref<1x128xi32, #tpu.memory_space<vmem>>
        %dma_start3A_1973 = tpu.memref_squeeze %dma_start3A_1972 : memref<1x128xi32, #tpu.memory_space<vmem>> -> memref<128xi32, #tpu.memory_space<vmem>>
        %dma_start3A_1974 = arith.constant 0 : i32
        %dma_start3A_1975 = tpu.memref_slice %arg9[%dma_start3A_1974] : memref<1000000xf32, #tpu.memory_space<vmem_shared>> -> memref<1000000xf32, #tpu.memory_space<vmem_shared>>
        tpu.enqueue_indirect_dma source(%dma_start3A_1975 : memref<1000000xf32, #tpu.memory_space<vmem_shared>>) target(%dma_start3A_1970 : memref<128xf32, #tpu.memory_space<vmem>>) offsets(%dma_start3A_1973 : memref<128xi32, #tpu.memory_space<vmem>>) semaphore(%arg13 : memref<!tpu.dma_semaphore, #tpu.memory_space<semaphore_mem>>)
        %dma_start3A_1976 = arith.constant 2 : i32
        %dma_start3A_1977 = arith.constant 256 : i32
        %dma_start3A_1978 = tpu.memref_slice %arg7[%dma_start3A_1977] : memref<3200xf32, #tpu.memory_space<vmem>> -> memref<128xf32, #tpu.memory_space<vmem>>
        %dma_start3A_1979 = arith.constant 0 : i32
        %dma_start3A_1980 = tpu.memref_slice %arg5[%dma_start3A_1976, %dma_start3A_1979] : memref<25x128xi32, #tpu.memory_space<vmem>> -> memref<1x128xi32, #tpu.memory_space<vmem>>
        %dma_start3A_1981 = tpu.memref_squeeze %dma_start3A_1980 : memref<1x128xi32, #tpu.memory_space<vmem>> -> memref<128xi32, #tpu.memory_space<vmem>>
        %dma_start3A_1982 = arith.constant 0 : i32
        %dma_start3A_1983 = tpu.memref_slice %arg9[%dma_start3A_1982] : memref<1000000xf32, #tpu.memory_space<vmem_shared>> -> memref<1000000xf32, #tpu.memory_space<vmem_shared>>
        tpu.enqueue_indirect_dma source(%dma_start3A_1983 : memref<1000000xf32, #tpu.memory_space<vmem_shared>>) target(%dma_start3A_1978 : memref<128xf32, #tpu.memory_space<vmem>>) offsets(%dma_start3A_1981 : memref<128xi32, #tpu.memory_space<vmem>>) semaphore(%arg13 : memref<!tpu.dma_semaphore, #tpu.memory_space<semaphore_mem>>)
        %dma_start3A_1984 = arith.constant 3 : i32
        %dma_start3A_1985 = arith.constant 384 : i32
        %dma_start3A_1986 = tpu.memref_slice %arg7[%dma_start3A_1985] : memref<3200xf32, #tpu.memory_space<vmem>> -> memref<128xf32, #tpu.memory_space<vmem>>
        %dma_start3A_1987 = arith.constant 0 : i32
        %dma_start3A_1988 = tpu.memref_slice %arg5[%dma_start3A_1984, %dma_start3A_1987] : memref<25x128xi32, #tpu.memory_space<vmem>> -> memref<1x128xi32, #tpu.memory_space<vmem>>
        %dma_start3A_1989 = tpu.memref_squeeze %dma_start3A_1988 : memref<1x128xi32, #tpu.memory_space<vmem>> -> memref<128xi32, #tpu.memory_space<vmem>>
        %dma_start3A_1990 = arith.constant 0 : i32
        %dma_start3A_1991 = tpu.memref_slice %arg9[%dma_start3A_1990] : memref<1000000xf32, #tpu.memory_space<vmem_shared>> -> memref<1000000xf32, #tpu.memory_space<vmem_shared>>
        tpu.enqueue_indirect_dma source(%dma_start3A_1991 : memref<1000000xf32, #tpu.memory_space<vmem_shared>>) target(%dma_start3A_1986 : memref<128xf32, #tpu.memory_space<vmem>>) offsets(%dma_start3A_1989 : memref<128xi32, #tpu.memory_space<vmem>>) semaphore(%arg13 : memref<!tpu.dma_semaphore, #tpu.memory_space<semaphore_mem>>)
        %dma_start3A_1992 = arith.constant 4 : i32
        %dma_start3A_1993 = arith.constant 512 : i32
        %dma_start3A_1994 = tpu.memref_slice %arg7[%dma_start3A_1993] : memref<3200xf32, #tpu.memory_space<vmem>> -> memref<128xf32, #tpu.memory_space<vmem>>
        %dma_start3A_1995 = arith.constant 0 : i32
        %dma_start3A_1996 = tpu.memref_slice %arg5[%dma_start3A_1992, %dma_start3A_1995] : memref<25x128xi32, #tpu.memory_space<vmem>> -> memref<1x128xi32, #tpu.memory_space<vmem>>
        %dma_start3A_1997 = tpu.memref_squeeze %dma_start3A_1996 : memref<1x128xi32, #tpu.memory_space<vmem>> -> memref<128xi32, #tpu.memory_space<vmem>>
        %dma_start3A_1998 = arith.constant 0 : i32
        %dma_start3A_1999 = tpu.memref_slice %arg9[%dma_start3A_1998] : memref<1000000xf32, #tpu.memory_space<vmem_shared>> -> memref<1000000xf32, #tpu.memory_space<vmem_shared>>
        tpu.enqueue_indirect_dma source(%dma_start3A_1999 : memref<1000000xf32, #tpu.memory_space<vmem_shared>>) target(%dma_start3A_1994 : memref<128xf32, #tpu.memory_space<vmem>>) offsets(%dma_start3A_1997 : memref<128xi32, #tpu.memory_space<vmem>>) semaphore(%arg13 : memref<!tpu.dma_semaphore, #tpu.memory_space<semaphore_mem>>)
        %dma_start3A_2000 = arith.constant 5 : i32
        %dma_start3A_2001 = arith.constant 640 : i32
        %dma_start3A_2002 = tpu.memref_slice %arg7[%dma_start3A_2001] : memref<3200xf32, #tpu.memory_space<vmem>> -> memref<128xf32, #tpu.memory_space<vmem>>
        %dma_start3A_2003 = arith.constant 0 : i32
        %dma_start3A_2004 = tpu.memref_slice %arg5[%dma_start3A_2000, %dma_start3A_2003] : memref<25x128xi32, #tpu.memory_space<vmem>> -> memref<1x128xi32, #tpu.memory_space<vmem>>
        %dma_start3A_2005 = tpu.memref_squeeze %dma_start3A_2004 : memref<1x128xi32, #tpu.memory_space<vmem>> -> memref<128xi32, #tpu.memory_space<vmem>>
        %dma_start3A_2006 = arith.constant 0 : i32
        %dma_start3A_2007 = tpu.memref_slice %arg9[%dma_start3A_2006] : memref<1000000xf32, #tpu.memory_space<vmem_shared>> -> memref<1000000xf32, #tpu.memory_space<vmem_shared>>
        tpu.enqueue_indirect_dma source(%dma_start3A_2007 : memref<1000000xf32, #tpu.memory_space<vmem_shared>>) target(%dma_start3A_2002 : memref<128xf32, #tpu.memory_space<vmem>>) offsets(%dma_start3A_2005 : memref<128xi32, #tpu.memory_space<vmem>>) semaphore(%arg13 : memref<!tpu.dma_semaphore, #tpu.memory_space<semaphore_mem>>)
        %dma_start3A_2008 = arith.constant 6 : i32
        %dma_start3A_2009 = arith.constant 768 : i32
        %dma_start3A_2010 = tpu.memref_slice %arg7[%dma_start3A_2009] : memref<3200xf32, #tpu.memory_space<vmem>> -> memref<128xf32, #tpu.memory_space<vmem>>
        %dma_start3A_2011 = arith.constant 0 : i32
        %dma_start3A_2012 = tpu.memref_slice %arg5[%dma_start3A_2008, %dma_start3A_2011] : memref<25x128xi32, #tpu.memory_space<vmem>> -> memref<1x128xi32, #tpu.memory_space<vmem>>
        %dma_start3A_2013 = tpu.memref_squeeze %dma_start3A_2012 : memref<1x128xi32, #tpu.memory_space<vmem>> -> memref<128xi32, #tpu.memory_space<vmem>>
        %dma_start3A_2014 = arith.constant 0 : i32
        %dma_start3A_2015 = tpu.memref_slice %arg9[%dma_start3A_2014] : memref<1000000xf32, #tpu.memory_space<vmem_shared>> -> memref<1000000xf32, #tpu.memory_space<vmem_shared>>
        tpu.enqueue_indirect_dma source(%dma_start3A_2015 : memref<1000000xf32, #tpu.memory_space<vmem_shared>>) target(%dma_start3A_2010 : memref<128xf32, #tpu.memory_space<vmem>>) offsets(%dma_start3A_2013 : memref<128xi32, #tpu.memory_space<vmem>>) semaphore(%arg13 : memref<!tpu.dma_semaphore, #tpu.memory_space<semaphore_mem>>)
        %dma_start3A_2016 = arith.constant 7 : i32
        %dma_start3A_2017 = arith.constant 896 : i32
        %dma_start3A_2018 = tpu.memref_slice %arg7[%dma_start3A_2017] : memref<3200xf32, #tpu.memory_space<vmem>> -> memref<128xf32, #tpu.memory_space<vmem>>
        %dma_start3A_2019 = arith.constant 0 : i32
        %dma_start3A_2020 = tpu.memref_slice %arg5[%dma_start3A_2016, %dma_start3A_2019] : memref<25x128xi32, #tpu.memory_space<vmem>> -> memref<1x128xi32, #tpu.memory_space<vmem>>
        %dma_start3A_2021 = tpu.memref_squeeze %dma_start3A_2020 : memref<1x128xi32, #tpu.memory_space<vmem>> -> memref<128xi32, #tpu.memory_space<vmem>>
        %dma_start3A_2022 = arith.constant 0 : i32
        %dma_start3A_2023 = tpu.memref_slice %arg9[%dma_start3A_2022] : memref<1000000xf32, #tpu.memory_space<vmem_shared>> -> memref<1000000xf32, #tpu.memory_space<vmem_shared>>
        tpu.enqueue_indirect_dma source(%dma_start3A_2023 : memref<1000000xf32, #tpu.memory_space<vmem_shared>>) target(%dma_start3A_2018 : memref<128xf32, #tpu.memory_space<vmem>>) offsets(%dma_start3A_2021 : memref<128xi32, #tpu.memory_space<vmem>>) semaphore(%arg13 : memref<!tpu.dma_semaphore, #tpu.memory_space<semaphore_mem>>)
        %dma_start3A_2024 = arith.constant 8 : i32
        %dma_start3A_2025 = arith.constant 1024 : i32
        %dma_start3A_2026 = tpu.memref_slice %arg7[%dma_start3A_2025] : memref<3200xf32, #tpu.memory_space<vmem>> -> memref<128xf32, #tpu.memory_space<vmem>>
        %dma_start3A_2027 = arith.constant 0 : i32
        %dma_start3A_2028 = tpu.memref_slice %arg5[%dma_start3A_2024, %dma_start3A_2027] : memref<25x128xi32, #tpu.memory_space<vmem>> -> memref<1x128xi32, #tpu.memory_space<vmem>>
        %dma_start3A_2029 = tpu.memref_squeeze %dma_start3A_2028 : memref<1x128xi32, #tpu.memory_space<vmem>> -> memref<128xi32, #tpu.memory_space<vmem>>
        %dma_start3A_2030 = arith.constant 0 : i32
        %dma_start3A_2031 = tpu.memref_slice %arg9[%dma_start3A_2030] : memref<1000000xf32, #tpu.memory_space<vmem_shared>> -> memref<1000000xf32, #tpu.memory_space<vmem_shared>>
        tpu.enqueue_indirect_dma source(%dma_start3A_2031 : memref<1000000xf32, #tpu.memory_space<vmem_shared>>) target(%dma_start3A_2026 : memref<128xf32, #tpu.memory_space<vmem>>) offsets(%dma_start3A_2029 : memref<128xi32, #tpu.memory_space<vmem>>) semaphore(%arg13 : memref<!tpu.dma_semaphore, #tpu.memory_space<semaphore_mem>>)
        %dma_start3A_2032 = arith.constant 9 : i32
        %dma_start3A_2033 = arith.constant 1152 : i32
        %dma_start3A_2034 = tpu.memref_slice %arg7[%dma_start3A_2033] : memref<3200xf32, #tpu.memory_space<vmem>> -> memref<128xf32, #tpu.memory_space<vmem>>
        %dma_start3A_2035 = arith.constant 0 : i32
        %dma_start3A_2036 = tpu.memref_slice %arg5[%dma_start3A_2032, %dma_start3A_2035] : memref<25x128xi32, #tpu.memory_space<vmem>> -> memref<1x128xi32, #tpu.memory_space<vmem>>
        %dma_start3A_2037 = tpu.memref_squeeze %dma_start3A_2036 : memref<1x128xi32, #tpu.memory_space<vmem>> -> memref<128xi32, #tpu.memory_space<vmem>>
        %dma_start3A_2038 = arith.constant 0 : i32
        %dma_start3A_2039 = tpu.memref_slice %arg9[%dma_start3A_2038] : memref<1000000xf32, #tpu.memory_space<vmem_shared>> -> memref<1000000xf32, #tpu.memory_space<vmem_shared>>
        tpu.enqueue_indirect_dma source(%dma_start3A_2039 : memref<1000000xf32, #tpu.memory_space<vmem_shared>>) target(%dma_start3A_2034 : memref<128xf32, #tpu.memory_space<vmem>>) offsets(%dma_start3A_2037 : memref<128xi32, #tpu.memory_space<vmem>>) semaphore(%arg13 : memref<!tpu.dma_semaphore, #tpu.memory_space<semaphore_mem>>)
        %dma_start3A_2040 = arith.constant 10 : i32
        %dma_start3A_2041 = arith.constant 1280 : i32
        %dma_start3A_2042 = tpu.memref_slice %arg7[%dma_start3A_2041] : memref<3200xf32, #tpu.memory_space<vmem>> -> memref<128xf32, #tpu.memory_space<vmem>>
        %dma_start3A_2043 = arith.constant 0 : i32
        %dma_start3A_2044 = tpu.memref_slice %arg5[%dma_start3A_2040, %dma_start3A_2043] : memref<25x128xi32, #tpu.memory_space<vmem>> -> memref<1x128xi32, #tpu.memory_space<vmem>>
        %dma_start3A_2045 = tpu.memref_squeeze %dma_start3A_2044 : memref<1x128xi32, #tpu.memory_space<vmem>> -> memref<128xi32, #tpu.memory_space<vmem>>
        %dma_start3A_2046 = arith.constant 0 : i32
        %dma_start3A_2047 = tpu.memref_slice %arg9[%dma_start3A_2046] : memref<1000000xf32, #tpu.memory_space<vmem_shared>> -> memref<1000000xf32, #tpu.memory_space<vmem_shared>>
        tpu.enqueue_indirect_dma source(%dma_start3A_2047 : memref<1000000xf32, #tpu.memory_space<vmem_shared>>) target(%dma_start3A_2042 : memref<128xf32, #tpu.memory_space<vmem>>) offsets(%dma_start3A_2045 : memref<128xi32, #tpu.memory_space<vmem>>) semaphore(%arg13 : memref<!tpu.dma_semaphore, #tpu.memory_space<semaphore_mem>>)
        %dma_start3A_2048 = arith.constant 11 : i32
        %dma_start3A_2049 = arith.constant 1408 : i32
        %dma_start3A_2050 = tpu.memref_slice %arg7[%dma_start3A_2049] : memref<3200xf32, #tpu.memory_space<vmem>> -> memref<128xf32, #tpu.memory_space<vmem>>
        %dma_start3A_2051 = arith.constant 0 : i32
        %dma_start3A_2052 = tpu.memref_slice %arg5[%dma_start3A_2048, %dma_start3A_2051] : memref<25x128xi32, #tpu.memory_space<vmem>> -> memref<1x128xi32, #tpu.memory_space<vmem>>
        %dma_start3A_2053 = tpu.memref_squeeze %dma_start3A_2052 : memref<1x128xi32, #tpu.memory_space<vmem>> -> memref<128xi32, #tpu.memory_space<vmem>>
        %dma_start3A_2054 = arith.constant 0 : i32
        %dma_start3A_2055 = tpu.memref_slice %arg9[%dma_start3A_2054] : memref<1000000xf32, #tpu.memory_space<vmem_shared>> -> memref<1000000xf32, #tpu.memory_space<vmem_shared>>
        tpu.enqueue_indirect_dma source(%dma_start3A_2055 : memref<1000000xf32, #tpu.memory_space<vmem_shared>>) target(%dma_start3A_2050 : memref<128xf32, #tpu.memory_space<vmem>>) offsets(%dma_start3A_2053 : memref<128xi32, #tpu.memory_space<vmem>>) semaphore(%arg13 : memref<!tpu.dma_semaphore, #tpu.memory_space<semaphore_mem>>)
        %dma_start3A_2056 = arith.constant 12 : i32
        %dma_start3A_2057 = arith.constant 1536 : i32
        %dma_start3A_2058 = tpu.memref_slice %arg7[%dma_start3A_2057] : memref<3200xf32, #tpu.memory_space<vmem>> -> memref<128xf32, #tpu.memory_space<vmem>>
        %dma_start3A_2059 = arith.constant 0 : i32
        %dma_start3A_2060 = tpu.memref_slice %arg5[%dma_start3A_2056, %dma_start3A_2059] : memref<25x128xi32, #tpu.memory_space<vmem>> -> memref<1x128xi32, #tpu.memory_space<vmem>>
        %dma_start3A_2061 = tpu.memref_squeeze %dma_start3A_2060 : memref<1x128xi32, #tpu.memory_space<vmem>> -> memref<128xi32, #tpu.memory_space<vmem>>
        %dma_start3A_2062 = arith.constant 0 : i32
        %dma_start3A_2063 = tpu.memref_slice %arg9[%dma_start3A_2062] : memref<1000000xf32, #tpu.memory_space<vmem_shared>> -> memref<1000000xf32, #tpu.memory_space<vmem_shared>>
        tpu.enqueue_indirect_dma source(%dma_start3A_2063 : memref<1000000xf32, #tpu.memory_space<vmem_shared>>) target(%dma_start3A_2058 : memref<128xf32, #tpu.memory_space<vmem>>) offsets(%dma_start3A_2061 : memref<128xi32, #tpu.memory_space<vmem>>) semaphore(%arg13 : memref<!tpu.dma_semaphore, #tpu.memory_space<semaphore_mem>>)
        %dma_start3A_2064 = arith.constant 13 : i32
        %dma_start3A_2065 = arith.constant 1664 : i32
        %dma_start3A_2066 = tpu.memref_slice %arg7[%dma_start3A_2065] : memref<3200xf32, #tpu.memory_space<vmem>> -> memref<128xf32, #tpu.memory_space<vmem>>
        %dma_start3A_2067 = arith.constant 0 : i32
        %dma_start3A_2068 = tpu.memref_slice %arg5[%dma_start3A_2064, %dma_start3A_2067] : memref<25x128xi32, #tpu.memory_space<vmem>> -> memref<1x128xi32, #tpu.memory_space<vmem>>
        %dma_start3A_2069 = tpu.memref_squeeze %dma_start3A_2068 : memref<1x128xi32, #tpu.memory_space<vmem>> -> memref<128xi32, #tpu.memory_space<vmem>>
        %dma_start3A_2070 = arith.constant 0 : i32
        %dma_start3A_2071 = tpu.memref_slice %arg9[%dma_start3A_2070] : memref<1000000xf32, #tpu.memory_space<vmem_shared>> -> memref<1000000xf32, #tpu.memory_space<vmem_shared>>
        tpu.enqueue_indirect_dma source(%dma_start3A_2071 : memref<1000000xf32, #tpu.memory_space<vmem_shared>>) target(%dma_start3A_2066 : memref<128xf32, #tpu.memory_space<vmem>>) offsets(%dma_start3A_2069 : memref<128xi32, #tpu.memory_space<vmem>>) semaphore(%arg13 : memref<!tpu.dma_semaphore, #tpu.memory_space<semaphore_mem>>)
        %dma_start3A_2072 = arith.constant 14 : i32
        %dma_start3A_2073 = arith.constant 1792 : i32
        %dma_start3A_2074 = tpu.memref_slice %arg7[%dma_start3A_2073] : memref<3200xf32, #tpu.memory_space<vmem>> -> memref<128xf32, #tpu.memory_space<vmem>>
        %dma_start3A_2075 = arith.constant 0 : i32
        %dma_start3A_2076 = tpu.memref_slice %arg5[%dma_start3A_2072, %dma_start3A_2075] : memref<25x128xi32, #tpu.memory_space<vmem>> -> memref<1x128xi32, #tpu.memory_space<vmem>>
        %dma_start3A_2077 = tpu.memref_squeeze %dma_start3A_2076 : memref<1x128xi32, #tpu.memory_space<vmem>> -> memref<128xi32, #tpu.memory_space<vmem>>
        %dma_start3A_2078 = arith.constant 0 : i32
        %dma_start3A_2079 = tpu.memref_slice %arg9[%dma_start3A_2078] : memref<1000000xf32, #tpu.memory_space<vmem_shared>> -> memref<1000000xf32, #tpu.memory_space<vmem_shared>>
        tpu.enqueue_indirect_dma source(%dma_start3A_2079 : memref<1000000xf32, #tpu.memory_space<vmem_shared>>) target(%dma_start3A_2074 : memref<128xf32, #tpu.memory_space<vmem>>) offsets(%dma_start3A_2077 : memref<128xi32, #tpu.memory_space<vmem>>) semaphore(%arg13 : memref<!tpu.dma_semaphore, #tpu.memory_space<semaphore_mem>>)
        %dma_start3A_2080 = arith.constant 15 : i32
        %dma_start3A_2081 = arith.constant 1920 : i32
        %dma_start3A_2082 = tpu.memref_slice %arg7[%dma_start3A_2081] : memref<3200xf32, #tpu.memory_space<vmem>> -> memref<128xf32, #tpu.memory_space<vmem>>
        %dma_start3A_2083 = arith.constant 0 : i32
        %dma_start3A_2084 = tpu.memref_slice %arg5[%dma_start3A_2080, %dma_start3A_2083] : memref<25x128xi32, #tpu.memory_space<vmem>> -> memref<1x128xi32, #tpu.memory_space<vmem>>
        %dma_start3A_2085 = tpu.memref_squeeze %dma_start3A_2084 : memref<1x128xi32, #tpu.memory_space<vmem>> -> memref<128xi32, #tpu.memory_space<vmem>>
        %dma_start3A_2086 = arith.constant 0 : i32
        %dma_start3A_2087 = tpu.memref_slice %arg9[%dma_start3A_2086] : memref<1000000xf32, #tpu.memory_space<vmem_shared>> -> memref<1000000xf32, #tpu.memory_space<vmem_shared>>
        tpu.enqueue_indirect_dma source(%dma_start3A_2087 : memref<1000000xf32, #tpu.memory_space<vmem_shared>>) target(%dma_start3A_2082 : memref<128xf32, #tpu.memory_space<vmem>>) offsets(%dma_start3A_2085 : memref<128xi32, #tpu.memory_space<vmem>>) semaphore(%arg13 : memref<!tpu.dma_semaphore, #tpu.memory_space<semaphore_mem>>)
        %dma_start3A_2088 = arith.constant 16 : i32
        %dma_start3A_2089 = arith.constant 2048 : i32
        %dma_start3A_2090 = tpu.memref_slice %arg7[%dma_start3A_2089] : memref<3200xf32, #tpu.memory_space<vmem>> -> memref<128xf32, #tpu.memory_space<vmem>>
        %dma_start3A_2091 = arith.constant 0 : i32
        %dma_start3A_2092 = tpu.memref_slice %arg5[%dma_start3A_2088, %dma_start3A_2091] : memref<25x128xi32, #tpu.memory_space<vmem>> -> memref<1x128xi32, #tpu.memory_space<vmem>>
        %dma_start3A_2093 = tpu.memref_squeeze %dma_start3A_2092 : memref<1x128xi32, #tpu.memory_space<vmem>> -> memref<128xi32, #tpu.memory_space<vmem>>
        %dma_start3A_2094 = arith.constant 0 : i32
        %dma_start3A_2095 = tpu.memref_slice %arg9[%dma_start3A_2094] : memref<1000000xf32, #tpu.memory_space<vmem_shared>> -> memref<1000000xf32, #tpu.memory_space<vmem_shared>>
        tpu.enqueue_indirect_dma source(%dma_start3A_2095 : memref<1000000xf32, #tpu.memory_space<vmem_shared>>) target(%dma_start3A_2090 : memref<128xf32, #tpu.memory_space<vmem>>) offsets(%dma_start3A_2093 : memref<128xi32, #tpu.memory_space<vmem>>) semaphore(%arg13 : memref<!tpu.dma_semaphore, #tpu.memory_space<semaphore_mem>>)
        %dma_start3A_2096 = arith.constant 17 : i32
        %dma_start3A_2097 = arith.constant 2176 : i32
        %dma_start3A_2098 = tpu.memref_slice %arg7[%dma_start3A_2097] : memref<3200xf32, #tpu.memory_space<vmem>> -> memref<128xf32, #tpu.memory_space<vmem>>
        %dma_start3A_2099 = arith.constant 0 : i32
        %dma_start3A_2100 = tpu.memref_slice %arg5[%dma_start3A_2096, %dma_start3A_2099] : memref<25x128xi32, #tpu.memory_space<vmem>> -> memref<1x128xi32, #tpu.memory_space<vmem>>
        %dma_start3A_2101 = tpu.memref_squeeze %dma_start3A_2100 : memref<1x128xi32, #tpu.memory_space<vmem>> -> memref<128xi32, #tpu.memory_space<vmem>>
        %dma_start3A_2102 = arith.constant 0 : i32
        %dma_start3A_2103 = tpu.memref_slice %arg9[%dma_start3A_2102] : memref<1000000xf32, #tpu.memory_space<vmem_shared>> -> memref<1000000xf32, #tpu.memory_space<vmem_shared>>
        tpu.enqueue_indirect_dma source(%dma_start3A_2103 : memref<1000000xf32, #tpu.memory_space<vmem_shared>>) target(%dma_start3A_2098 : memref<128xf32, #tpu.memory_space<vmem>>) offsets(%dma_start3A_2101 : memref<128xi32, #tpu.memory_space<vmem>>) semaphore(%arg13 : memref<!tpu.dma_semaphore, #tpu.memory_space<semaphore_mem>>)
        %dma_start3A_2104 = arith.constant 18 : i32
        %dma_start3A_2105 = arith.constant 2304 : i32
        %dma_start3A_2106 = tpu.memref_slice %arg7[%dma_start3A_2105] : memref<3200xf32, #tpu.memory_space<vmem>> -> memref<128xf32, #tpu.memory_space<vmem>>
        %dma_start3A_2107 = arith.constant 0 : i32
        %dma_start3A_2108 = tpu.memref_slice %arg5[%dma_start3A_2104, %dma_start3A_2107] : memref<25x128xi32, #tpu.memory_space<vmem>> -> memref<1x128xi32, #tpu.memory_space<vmem>>
        %dma_start3A_2109 = tpu.memref_squeeze %dma_start3A_2108 : memref<1x128xi32, #tpu.memory_space<vmem>> -> memref<128xi32, #tpu.memory_space<vmem>>
        %dma_start3A_2110 = arith.constant 0 : i32
        %dma_start3A_2111 = tpu.memref_slice %arg9[%dma_start3A_2110] : memref<1000000xf32, #tpu.memory_space<vmem_shared>> -> memref<1000000xf32, #tpu.memory_space<vmem_shared>>
        tpu.enqueue_indirect_dma source(%dma_start3A_2111 : memref<1000000xf32, #tpu.memory_space<vmem_shared>>) target(%dma_start3A_2106 : memref<128xf32, #tpu.memory_space<vmem>>) offsets(%dma_start3A_2109 : memref<128xi32, #tpu.memory_space<vmem>>) semaphore(%arg13 : memref<!tpu.dma_semaphore, #tpu.memory_space<semaphore_mem>>)
        %dma_start3A_2112 = arith.constant 19 : i32
        %dma_start3A_2113 = arith.constant 2432 : i32
        %dma_start3A_2114 = tpu.memref_slice %arg7[%dma_start3A_2113] : memref<3200xf32, #tpu.memory_space<vmem>> -> memref<128xf32, #tpu.memory_space<vmem>>
        %dma_start3A_2115 = arith.constant 0 : i32
        %dma_start3A_2116 = tpu.memref_slice %arg5[%dma_start3A_2112, %dma_start3A_2115] : memref<25x128xi32, #tpu.memory_space<vmem>> -> memref<1x128xi32, #tpu.memory_space<vmem>>
        %dma_start3A_2117 = tpu.memref_squeeze %dma_start3A_2116 : memref<1x128xi32, #tpu.memory_space<vmem>> -> memref<128xi32, #tpu.memory_space<vmem>>
        %dma_start3A_2118 = arith.constant 0 : i32
        %dma_start3A_2119 = tpu.memref_slice %arg9[%dma_start3A_2118] : memref<1000000xf32, #tpu.memory_space<vmem_shared>> -> memref<1000000xf32, #tpu.memory_space<vmem_shared>>
        tpu.enqueue_indirect_dma source(%dma_start3A_2119 : memref<1000000xf32, #tpu.memory_space<vmem_shared>>) target(%dma_start3A_2114 : memref<128xf32, #tpu.memory_space<vmem>>) offsets(%dma_start3A_2117 : memref<128xi32, #tpu.memory_space<vmem>>) semaphore(%arg13 : memref<!tpu.dma_semaphore, #tpu.memory_space<semaphore_mem>>)
        %dma_start3A_2120 = arith.constant 20 : i32
        %dma_start3A_2121 = arith.constant 2560 : i32
        %dma_start3A_2122 = tpu.memref_slice %arg7[%dma_start3A_2121] : memref<3200xf32, #tpu.memory_space<vmem>> -> memref<128xf32, #tpu.memory_space<vmem>>
        %dma_start3A_2123 = arith.constant 0 : i32
        %dma_start3A_2124 = tpu.memref_slice %arg5[%dma_start3A_2120, %dma_start3A_2123] : memref<25x128xi32, #tpu.memory_space<vmem>> -> memref<1x128xi32, #tpu.memory_space<vmem>>
        %dma_start3A_2125 = tpu.memref_squeeze %dma_start3A_2124 : memref<1x128xi32, #tpu.memory_space<vmem>> -> memref<128xi32, #tpu.memory_space<vmem>>
        %dma_start3A_2126 = arith.constant 0 : i32
        %dma_start3A_2127 = tpu.memref_slice %arg9[%dma_start3A_2126] : memref<1000000xf32, #tpu.memory_space<vmem_shared>> -> memref<1000000xf32, #tpu.memory_space<vmem_shared>>
        tpu.enqueue_indirect_dma source(%dma_start3A_2127 : memref<1000000xf32, #tpu.memory_space<vmem_shared>>) target(%dma_start3A_2122 : memref<128xf32, #tpu.memory_space<vmem>>) offsets(%dma_start3A_2125 : memref<128xi32, #tpu.memory_space<vmem>>) semaphore(%arg13 : memref<!tpu.dma_semaphore, #tpu.memory_space<semaphore_mem>>)
        %dma_start3A_2128 = arith.constant 21 : i32
        %dma_start3A_2129 = arith.constant 2688 : i32
        %dma_start3A_2130 = tpu.memref_slice %arg7[%dma_start3A_2129] : memref<3200xf32, #tpu.memory_space<vmem>> -> memref<128xf32, #tpu.memory_space<vmem>>
        %dma_start3A_2131 = arith.constant 0 : i32
        %dma_start3A_2132 = tpu.memref_slice %arg5[%dma_start3A_2128, %dma_start3A_2131] : memref<25x128xi32, #tpu.memory_space<vmem>> -> memref<1x128xi32, #tpu.memory_space<vmem>>
        %dma_start3A_2133 = tpu.memref_squeeze %dma_start3A_2132 : memref<1x128xi32, #tpu.memory_space<vmem>> -> memref<128xi32, #tpu.memory_space<vmem>>
        %dma_start3A_2134 = arith.constant 0 : i32
        %dma_start3A_2135 = tpu.memref_slice %arg9[%dma_start3A_2134] : memref<1000000xf32, #tpu.memory_space<vmem_shared>> -> memref<1000000xf32, #tpu.memory_space<vmem_shared>>
        tpu.enqueue_indirect_dma source(%dma_start3A_2135 : memref<1000000xf32, #tpu.memory_space<vmem_shared>>) target(%dma_start3A_2130 : memref<128xf32, #tpu.memory_space<vmem>>) offsets(%dma_start3A_2133 : memref<128xi32, #tpu.memory_space<vmem>>) semaphore(%arg13 : memref<!tpu.dma_semaphore, #tpu.memory_space<semaphore_mem>>)
        %dma_start3A_2136 = arith.constant 22 : i32
        %dma_start3A_2137 = arith.constant 2816 : i32
        %dma_start3A_2138 = tpu.memref_slice %arg7[%dma_start3A_2137] : memref<3200xf32, #tpu.memory_space<vmem>> -> memref<128xf32, #tpu.memory_space<vmem>>
        %dma_start3A_2139 = arith.constant 0 : i32
        %dma_start3A_2140 = tpu.memref_slice %arg5[%dma_start3A_2136, %dma_start3A_2139] : memref<25x128xi32, #tpu.memory_space<vmem>> -> memref<1x128xi32, #tpu.memory_space<vmem>>
        %dma_start3A_2141 = tpu.memref_squeeze %dma_start3A_2140 : memref<1x128xi32, #tpu.memory_space<vmem>> -> memref<128xi32, #tpu.memory_space<vmem>>
        %dma_start3A_2142 = arith.constant 0 : i32
        %dma_start3A_2143 = tpu.memref_slice %arg9[%dma_start3A_2142] : memref<1000000xf32, #tpu.memory_space<vmem_shared>> -> memref<1000000xf32, #tpu.memory_space<vmem_shared>>
        tpu.enqueue_indirect_dma source(%dma_start3A_2143 : memref<1000000xf32, #tpu.memory_space<vmem_shared>>) target(%dma_start3A_2138 : memref<128xf32, #tpu.memory_space<vmem>>) offsets(%dma_start3A_2141 : memref<128xi32, #tpu.memory_space<vmem>>) semaphore(%arg13 : memref<!tpu.dma_semaphore, #tpu.memory_space<semaphore_mem>>)
        %dma_start3A_2144 = arith.constant 23 : i32
        %dma_start3A_2145 = arith.constant 2944 : i32
        %dma_start3A_2146 = tpu.memref_slice %arg7[%dma_start3A_2145] : memref<3200xf32, #tpu.memory_space<vmem>> -> memref<128xf32, #tpu.memory_space<vmem>>
        %dma_start3A_2147 = arith.constant 0 : i32
        %dma_start3A_2148 = tpu.memref_slice %arg5[%dma_start3A_2144, %dma_start3A_2147] : memref<25x128xi32, #tpu.memory_space<vmem>> -> memref<1x128xi32, #tpu.memory_space<vmem>>
        %dma_start3A_2149 = tpu.memref_squeeze %dma_start3A_2148 : memref<1x128xi32, #tpu.memory_space<vmem>> -> memref<128xi32, #tpu.memory_space<vmem>>
        %dma_start3A_2150 = arith.constant 0 : i32
        %dma_start3A_2151 = tpu.memref_slice %arg9[%dma_start3A_2150] : memref<1000000xf32, #tpu.memory_space<vmem_shared>> -> memref<1000000xf32, #tpu.memory_space<vmem_shared>>
        tpu.enqueue_indirect_dma source(%dma_start3A_2151 : memref<1000000xf32, #tpu.memory_space<vmem_shared>>) target(%dma_start3A_2146 : memref<128xf32, #tpu.memory_space<vmem>>) offsets(%dma_start3A_2149 : memref<128xi32, #tpu.memory_space<vmem>>) semaphore(%arg13 : memref<!tpu.dma_semaphore, #tpu.memory_space<semaphore_mem>>)
        %dma_start3A_2152 = arith.constant 24 : i32
        %dma_start3A_2153 = arith.constant 3072 : i32
        %dma_start3A_2154 = tpu.memref_slice %arg7[%dma_start3A_2153] : memref<3200xf32, #tpu.memory_space<vmem>> -> memref<128xf32, #tpu.memory_space<vmem>>
        %dma_start3A_2155 = arith.constant 0 : i32
        %dma_start3A_2156 = tpu.memref_slice %arg5[%dma_start3A_2152, %dma_start3A_2155] : memref<25x128xi32, #tpu.memory_space<vmem>> -> memref<1x128xi32, #tpu.memory_space<vmem>>
        %dma_start3A_2157 = tpu.memref_squeeze %dma_start3A_2156 : memref<1x128xi32, #tpu.memory_space<vmem>> -> memref<128xi32, #tpu.memory_space<vmem>>
        %dma_start3A_2158 = arith.constant 0 : i32
        %dma_start3A_2159 = tpu.memref_slice %arg9[%dma_start3A_2158] : memref<1000000xf32, #tpu.memory_space<vmem_shared>> -> memref<1000000xf32, #tpu.memory_space<vmem_shared>>
        tpu.enqueue_indirect_dma source(%dma_start3A_2159 : memref<1000000xf32, #tpu.memory_space<vmem_shared>>) target(%dma_start3A_2154 : memref<128xf32, #tpu.memory_space<vmem>>) offsets(%dma_start3A_2157 : memref<128xi32, #tpu.memory_space<vmem>>) semaphore(%arg13 : memref<!tpu.dma_semaphore, #tpu.memory_space<semaphore_mem>>)
      } else {
      }
      %dma_wait3A_1102 = arith.constant 0 : i32
      %dma_wait3A_1103 = tpu.memref_slice %arg8[%dma_wait3A_1102] : memref<3200xf32, #tpu.memory_space<vmem>> -> memref<3200xf32, #tpu.memory_space<vmem>>
      %dma_wait3A_1104 = arith.constant 0 : i32
      %dma_wait3A_1105 = tpu.memref_slice %arg3[%dma_wait3A_1104] : memref<1000000xf32, #tpu.memory_space<hbm>> -> memref<3200xf32, #tpu.memory_space<hbm>>
      %dma_wait3A_1106 = arith.constant 0 : i32
      %dma_wait3A_1107 = tpu.memref_slice %arg8[%dma_wait3A_1106] : memref<3200xf32, #tpu.memory_space<vmem>> -> memref<3200xf32, #tpu.memory_space<vmem>>
      %dma_wait3A_1108 = arith.constant 0 : i32
      %dma_wait3A_1109 = tpu.memref_slice %arg3[%dma_wait3A_1108] : memref<1000000xf32, #tpu.memory_space<hbm>> -> memref<3200xf32, #tpu.memory_space<hbm>>
      tpu.wait_dma2 semaphore(%arg14 : memref<!tpu.dma_semaphore, #tpu.memory_space<semaphore_mem>>) src(%dma_wait3A_1109 : memref<3200xf32, #tpu.memory_space<hbm>>) dst(%dma_wait3A_1107 : memref<3200xf32, #tpu.memory_space<vmem>>)
      %broadcast_in_dim3A_1110 = arith.constant 0.000000e+00 : f32
      %broadcast_in_dim3A_1111 = vector.broadcast %broadcast_in_dim3A_1110 : f32 to vector<16xf32>
      %get3A_1112 = arith.constant 0 : index
      %get3A_1113 = tpu.vector_load %arg8[%get3A_1112] {strides = array<i32>} : memref<3200xf32, #tpu.memory_space<vmem>>, vector<16xf32>,
      %get3A_1114 = vector.shape_cast %get3A_1113 : vector<16xf32> to vector<16xf32>
      %add3A_1115 = arith.addf %broadcast_in_dim3A_1111, %get3A_1114 : vector<16xf32>
      %get3A_1116 = arith.constant 16 : index
      %get3A_1117 = tpu.vector_load %arg8[%get3A_1116] {strides = array<i32>} : memref<3200xf32, #tpu.memory_space<vmem>>, vector<16xf32>,
      %get3A_1118 = vector.shape_cast %get3A_1117 : vector<16xf32> to vector<16xf32>
      %add3A_1119 = arith.addf %add3A_1115, %get3A_1118 : vector<16xf32>
      %get3A_1120 = arith.constant 32 : index
      %get3A_1121 = tpu.vector_load %arg8[%get3A_1120] {strides = array<i32>} : memref<3200xf32, #tpu.memory_space<vmem>>, vector<16xf32>,
      %get3A_1122 = vector.shape_cast %get3A_1121 : vector<16xf32> to vector<16xf32>
      %add3A_1123 = arith.addf %add3A_1119, %get3A_1122 : vector<16xf32>
      %get3A_1124 = arith.constant 48 : index
      %get3A_1125 = tpu.vector_load %arg8[%get3A_1124] {strides = array<i32>} : memref<3200xf32, #tpu.memory_space<vmem>>, vector<16xf32>,
      %get3A_1126 = vector.shape_cast %get3A_1125 : vector<16xf32> to vector<16xf32>
      %add3A_1127 = arith.addf %add3A_1123, %get3A_1126 : vector<16xf32>
      %get3A_1128 = arith.constant 64 : index
      %get3A_1129 = tpu.vector_load %arg8[%get3A_1128] {strides = array<i32>} : memref<3200xf32, #tpu.memory_space<vmem>>, vector<16xf32>,
      %get3A_1130 = vector.shape_cast %get3A_1129 : vector<16xf32> to vector<16xf32>
      %add3A_1131 = arith.addf %add3A_1127, %get3A_1130 : vector<16xf32>
      %get3A_1132 = arith.constant 80 : index
      %get3A_1133 = tpu.vector_load %arg8[%get3A_1132] {strides = array<i32>} : memref<3200xf32, #tpu.memory_space<vmem>>, vector<16xf32>,
      %get3A_1134 = vector.shape_cast %get3A_1133 : vector<16xf32> to vector<16xf32>
      %add3A_1135 = arith.addf %add3A_1131, %get3A_1134 : vector<16xf32>
      %get3A_1136 = arith.constant 96 : index
      %get3A_1137 = tpu.vector_load %arg8[%get3A_1136] {strides = array<i32>} : memref<3200xf32, #tpu.memory_space<vmem>>, vector<16xf32>,
      %get3A_1138 = vector.shape_cast %get3A_1137 : vector<16xf32> to vector<16xf32>
      %add3A_1139 = arith.addf %add3A_1135, %get3A_1138 : vector<16xf32>
      %get3A_1140 = arith.constant 112 : index
      %get3A_1141 = tpu.vector_load %arg8[%get3A_1140] {strides = array<i32>} : memref<3200xf32, #tpu.memory_space<vmem>>, vector<16xf32>,
      %get3A_1142 = vector.shape_cast %get3A_1141 : vector<16xf32> to vector<16xf32>
      %add3A_1143 = arith.addf %add3A_1139, %get3A_1142 : vector<16xf32>
      %get3A_1144 = arith.constant 128 : index
      %get3A_1145 = tpu.vector_load %arg8[%get3A_1144] {strides = array<i32>} : memref<3200xf32, #tpu.memory_space<vmem>>, vector<16xf32>,
      %get3A_1146 = vector.shape_cast %get3A_1145 : vector<16xf32> to vector<16xf32>
      %add3A_1147 = arith.addf %add3A_1143, %get3A_1146 : vector<16xf32>
      %get3A_1148 = arith.constant 144 : index
      %get3A_1149 = tpu.vector_load %arg8[%get3A_1148] {strides = array<i32>} : memref<3200xf32, #tpu.memory_space<vmem>>, vector<16xf32>,
      %get3A_1150 = vector.shape_cast %get3A_1149 : vector<16xf32> to vector<16xf32>
      %add3A_1151 = arith.addf %add3A_1147, %get3A_1150 : vector<16xf32>
      %get3A_1152 = arith.constant 160 : index
      %get3A_1153 = tpu.vector_load %arg8[%get3A_1152] {strides = array<i32>} : memref<3200xf32, #tpu.memory_space<vmem>>, vector<16xf32>,
      %get3A_1154 = vector.shape_cast %get3A_1153 : vector<16xf32> to vector<16xf32>
      %add3A_1155 = arith.addf %add3A_1151, %get3A_1154 : vector<16xf32>
      %get3A_1156 = arith.constant 176 : index
      %get3A_1157 = tpu.vector_load %arg8[%get3A_1156] {strides = array<i32>} : memref<3200xf32, #tpu.memory_space<vmem>>, vector<16xf32>,
      %get3A_1158 = vector.shape_cast %get3A_1157 : vector<16xf32> to vector<16xf32>
      %add3A_1159 = arith.addf %add3A_1155, %get3A_1158 : vector<16xf32>
      %get3A_1160 = arith.constant 192 : index
      %get3A_1161 = tpu.vector_load %arg8[%get3A_1160] {strides = array<i32>} : memref<3200xf32, #tpu.memory_space<vmem>>, vector<16xf32>,
      %get3A_1162 = vector.shape_cast %get3A_1161 : vector<16xf32> to vector<16xf32>
      %add3A_1163 = arith.addf %add3A_1159, %get3A_1162 : vector<16xf32>
      %get3A_1164 = arith.constant 208 : index
      %get3A_1165 = tpu.vector_load %arg8[%get3A_1164] {strides = array<i32>} : memref<3200xf32, #tpu.memory_space<vmem>>, vector<16xf32>,
      %get3A_1166 = vector.shape_cast %get3A_1165 : vector<16xf32> to vector<16xf32>
      %add3A_1167 = arith.addf %add3A_1163, %get3A_1166 : vector<16xf32>
      %get3A_1168 = arith.constant 224 : index
      %get3A_1169 = tpu.vector_load %arg8[%get3A_1168] {strides = array<i32>} : memref<3200xf32, #tpu.memory_space<vmem>>, vector<16xf32>,
      %get3A_1170 = vector.shape_cast %get3A_1169 : vector<16xf32> to vector<16xf32>
      %add3A_1171 = arith.addf %add3A_1167, %get3A_1170 : vector<16xf32>
      %get3A_1172 = arith.constant 240 : index
      %get3A_1173 = tpu.vector_load %arg8[%get3A_1172] {strides = array<i32>} : memref<3200xf32, #tpu.memory_space<vmem>>, vector<16xf32>,
      %get3A_1174 = vector.shape_cast %get3A_1173 : vector<16xf32> to vector<16xf32>
      %add3A_1175 = arith.addf %add3A_1171, %get3A_1174 : vector<16xf32>
      %get3A_1176 = arith.constant 256 : index
      %get3A_1177 = tpu.vector_load %arg8[%get3A_1176] {strides = array<i32>} : memref<3200xf32, #tpu.memory_space<vmem>>, vector<16xf32>,
      %get3A_1178 = vector.shape_cast %get3A_1177 : vector<16xf32> to vector<16xf32>
      %add3A_1179 = arith.addf %add3A_1175, %get3A_1178 : vector<16xf32>
      %get3A_1180 = arith.constant 272 : index
      %get3A_1181 = tpu.vector_load %arg8[%get3A_1180] {strides = array<i32>} : memref<3200xf32, #tpu.memory_space<vmem>>, vector<16xf32>,
      %get3A_1182 = vector.shape_cast %get3A_1181 : vector<16xf32> to vector<16xf32>
      %add3A_1183 = arith.addf %add3A_1179, %get3A_1182 : vector<16xf32>
      %get3A_1184 = arith.constant 288 : index
      %get3A_1185 = tpu.vector_load %arg8[%get3A_1184] {strides = array<i32>} : memref<3200xf32, #tpu.memory_space<vmem>>, vector<16xf32>,
      %get3A_1186 = vector.shape_cast %get3A_1185 : vector<16xf32> to vector<16xf32>
      %add3A_1187 = arith.addf %add3A_1183, %get3A_1186 : vector<16xf32>
      %get3A_1188 = arith.constant 304 : index
      %get3A_1189 = tpu.vector_load %arg8[%get3A_1188] {strides = array<i32>} : memref<3200xf32, #tpu.memory_space<vmem>>, vector<16xf32>,
      %get3A_1190 = vector.shape_cast %get3A_1189 : vector<16xf32> to vector<16xf32>
      %add3A_1191 = arith.addf %add3A_1187, %get3A_1190 : vector<16xf32>
      %get3A_1192 = arith.constant 320 : index
      %get3A_1193 = tpu.vector_load %arg8[%get3A_1192] {strides = array<i32>} : memref<3200xf32, #tpu.memory_space<vmem>>, vector<16xf32>,
      %get3A_1194 = vector.shape_cast %get3A_1193 : vector<16xf32> to vector<16xf32>
      %add3A_1195 = arith.addf %add3A_1191, %get3A_1194 : vector<16xf32>
      %get3A_1196 = arith.constant 336 : index
      %get3A_1197 = tpu.vector_load %arg8[%get3A_1196] {strides = array<i32>} : memref<3200xf32, #tpu.memory_space<vmem>>, vector<16xf32>,
      %get3A_1198 = vector.shape_cast %get3A_1197 : vector<16xf32> to vector<16xf32>
      %add3A_1199 = arith.addf %add3A_1195, %get3A_1198 : vector<16xf32>
      %get3A_1200 = arith.constant 352 : index
      %get3A_1201 = tpu.vector_load %arg8[%get3A_1200] {strides = array<i32>} : memref<3200xf32, #tpu.memory_space<vmem>>, vector<16xf32>,
      %get3A_1202 = vector.shape_cast %get3A_1201 : vector<16xf32> to vector<16xf32>
      %add3A_1203 = arith.addf %add3A_1199, %get3A_1202 : vector<16xf32>
      %get3A_1204 = arith.constant 368 : index
      %get3A_1205 = tpu.vector_load %arg8[%get3A_1204] {strides = array<i32>} : memref<3200xf32, #tpu.memory_space<vmem>>, vector<16xf32>,
      %get3A_1206 = vector.shape_cast %get3A_1205 : vector<16xf32> to vector<16xf32>
      %add3A_1207 = arith.addf %add3A_1203, %get3A_1206 : vector<16xf32>
      %get3A_1208 = arith.constant 384 : index
      %get3A_1209 = tpu.vector_load %arg8[%get3A_1208] {strides = array<i32>} : memref<3200xf32, #tpu.memory_space<vmem>>, vector<16xf32>,
      %get3A_1210 = vector.shape_cast %get3A_1209 : vector<16xf32> to vector<16xf32>
      %add3A_1211 = arith.addf %add3A_1207, %get3A_1210 : vector<16xf32>
      %get3A_1212 = arith.constant 400 : index
      %get3A_1213 = tpu.vector_load %arg8[%get3A_1212] {strides = array<i32>} : memref<3200xf32, #tpu.memory_space<vmem>>, vector<16xf32>,
      %get3A_1214 = vector.shape_cast %get3A_1213 : vector<16xf32> to vector<16xf32>
      %add3A_1215 = arith.addf %add3A_1211, %get3A_1214 : vector<16xf32>
      %get3A_1216 = arith.constant 416 : index
      %get3A_1217 = tpu.vector_load %arg8[%get3A_1216] {strides = array<i32>} : memref<3200xf32, #tpu.memory_space<vmem>>, vector<16xf32>,
      %get3A_1218 = vector.shape_cast %get3A_1217 : vector<16xf32> to vector<16xf32>
      %add3A_1219 = arith.addf %add3A_1215, %get3A_1218 : vector<16xf32>
      %get3A_1220 = arith.constant 432 : index
      %get3A_1221 = tpu.vector_load %arg8[%get3A_1220] {strides = array<i32>} : memref<3200xf32, #tpu.memory_space<vmem>>, vector<16xf32>,
      %get3A_1222 = vector.shape_cast %get3A_1221 : vector<16xf32> to vector<16xf32>
      %add3A_1223 = arith.addf %add3A_1219, %get3A_1222 : vector<16xf32>
      %get3A_1224 = arith.constant 448 : index
      %get3A_1225 = tpu.vector_load %arg8[%get3A_1224] {strides = array<i32>} : memref<3200xf32, #tpu.memory_space<vmem>>, vector<16xf32>,
      %get3A_1226 = vector.shape_cast %get3A_1225 : vector<16xf32> to vector<16xf32>
      %add3A_1227 = arith.addf %add3A_1223, %get3A_1226 : vector<16xf32>
      %get3A_1228 = arith.constant 464 : index
      %get3A_1229 = tpu.vector_load %arg8[%get3A_1228] {strides = array<i32>} : memref<3200xf32, #tpu.memory_space<vmem>>, vector<16xf32>,
      %get3A_1230 = vector.shape_cast %get3A_1229 : vector<16xf32> to vector<16xf32>
      %add3A_1231 = arith.addf %add3A_1227, %get3A_1230 : vector<16xf32>
      %get3A_1232 = arith.constant 480 : index
      %get3A_1233 = tpu.vector_load %arg8[%get3A_1232] {strides = array<i32>} : memref<3200xf32, #tpu.memory_space<vmem>>, vector<16xf32>,
      %get3A_1234 = vector.shape_cast %get3A_1233 : vector<16xf32> to vector<16xf32>
      %add3A_1235 = arith.addf %add3A_1231, %get3A_1234 : vector<16xf32>
      %get3A_1236 = arith.constant 496 : index
      %get3A_1237 = tpu.vector_load %arg8[%get3A_1236] {strides = array<i32>} : memref<3200xf32, #tpu.memory_space<vmem>>, vector<16xf32>,
      %get3A_1238 = vector.shape_cast %get3A_1237 : vector<16xf32> to vector<16xf32>
      %add3A_1239 = arith.addf %add3A_1235, %get3A_1238 : vector<16xf32>
      %get3A_1240 = arith.constant 512 : index
      %get3A_1241 = tpu.vector_load %arg8[%get3A_1240] {strides = array<i32>} : memref<3200xf32, #tpu.memory_space<vmem>>, vector<16xf32>,
      %get3A_1242 = vector.shape_cast %get3A_1241 : vector<16xf32> to vector<16xf32>
      %add3A_1243 = arith.addf %add3A_1239, %get3A_1242 : vector<16xf32>
      %get3A_1244 = arith.constant 528 : index
      %get3A_1245 = tpu.vector_load %arg8[%get3A_1244] {strides = array<i32>} : memref<3200xf32, #tpu.memory_space<vmem>>, vector<16xf32>,
      %get3A_1246 = vector.shape_cast %get3A_1245 : vector<16xf32> to vector<16xf32>
      %add3A_1247 = arith.addf %add3A_1243, %get3A_1246 : vector<16xf32>
      %get3A_1248 = arith.constant 544 : index
      %get3A_1249 = tpu.vector_load %arg8[%get3A_1248] {strides = array<i32>} : memref<3200xf32, #tpu.memory_space<vmem>>, vector<16xf32>,
      %get3A_1250 = vector.shape_cast %get3A_1249 : vector<16xf32> to vector<16xf32>
      %add3A_1251 = arith.addf %add3A_1247, %get3A_1250 : vector<16xf32>
      %get3A_1252 = arith.constant 560 : index
      %get3A_1253 = tpu.vector_load %arg8[%get3A_1252] {strides = array<i32>} : memref<3200xf32, #tpu.memory_space<vmem>>, vector<16xf32>,
      %get3A_1254 = vector.shape_cast %get3A_1253 : vector<16xf32> to vector<16xf32>
      %add3A_1255 = arith.addf %add3A_1251, %get3A_1254 : vector<16xf32>
      %get3A_1256 = arith.constant 576 : index
      %get3A_1257 = tpu.vector_load %arg8[%get3A_1256] {strides = array<i32>} : memref<3200xf32, #tpu.memory_space<vmem>>, vector<16xf32>,
      %get3A_1258 = vector.shape_cast %get3A_1257 : vector<16xf32> to vector<16xf32>
      %add3A_1259 = arith.addf %add3A_1255, %get3A_1258 : vector<16xf32>
      %get3A_1260 = arith.constant 592 : index
      %get3A_1261 = tpu.vector_load %arg8[%get3A_1260] {strides = array<i32>} : memref<3200xf32, #tpu.memory_space<vmem>>, vector<16xf32>,
      %get3A_1262 = vector.shape_cast %get3A_1261 : vector<16xf32> to vector<16xf32>
      %add3A_1263 = arith.addf %add3A_1259, %get3A_1262 : vector<16xf32>
      %get3A_1264 = arith.constant 608 : index
      %get3A_1265 = tpu.vector_load %arg8[%get3A_1264] {strides = array<i32>} : memref<3200xf32, #tpu.memory_space<vmem>>, vector<16xf32>,
      %get3A_1266 = vector.shape_cast %get3A_1265 : vector<16xf32> to vector<16xf32>
      %add3A_1267 = arith.addf %add3A_1263, %get3A_1266 : vector<16xf32>
      %get3A_1268 = arith.constant 624 : index
      %get3A_1269 = tpu.vector_load %arg8[%get3A_1268] {strides = array<i32>} : memref<3200xf32, #tpu.memory_space<vmem>>, vector<16xf32>,
      %get3A_1270 = vector.shape_cast %get3A_1269 : vector<16xf32> to vector<16xf32>
      %add3A_1271 = arith.addf %add3A_1267, %get3A_1270 : vector<16xf32>
      %get3A_1272 = arith.constant 640 : index
      %get3A_1273 = tpu.vector_load %arg8[%get3A_1272] {strides = array<i32>} : memref<3200xf32, #tpu.memory_space<vmem>>, vector<16xf32>,
      %get3A_1274 = vector.shape_cast %get3A_1273 : vector<16xf32> to vector<16xf32>
      %add3A_1275 = arith.addf %add3A_1271, %get3A_1274 : vector<16xf32>
      %get3A_1276 = arith.constant 656 : index
      %get3A_1277 = tpu.vector_load %arg8[%get3A_1276] {strides = array<i32>} : memref<3200xf32, #tpu.memory_space<vmem>>, vector<16xf32>,
      %get3A_1278 = vector.shape_cast %get3A_1277 : vector<16xf32> to vector<16xf32>
      %add3A_1279 = arith.addf %add3A_1275, %get3A_1278 : vector<16xf32>
      %get3A_1280 = arith.constant 672 : index
      %get3A_1281 = tpu.vector_load %arg8[%get3A_1280] {strides = array<i32>} : memref<3200xf32, #tpu.memory_space<vmem>>, vector<16xf32>,
      %get3A_1282 = vector.shape_cast %get3A_1281 : vector<16xf32> to vector<16xf32>
      %add3A_1283 = arith.addf %add3A_1279, %get3A_1282 : vector<16xf32>
      %get3A_1284 = arith.constant 688 : index
      %get3A_1285 = tpu.vector_load %arg8[%get3A_1284] {strides = array<i32>} : memref<3200xf32, #tpu.memory_space<vmem>>, vector<16xf32>,
      %get3A_1286 = vector.shape_cast %get3A_1285 : vector<16xf32> to vector<16xf32>
      %add3A_1287 = arith.addf %add3A_1283, %get3A_1286 : vector<16xf32>
      %get3A_1288 = arith.constant 704 : index
      %get3A_1289 = tpu.vector_load %arg8[%get3A_1288] {strides = array<i32>} : memref<3200xf32, #tpu.memory_space<vmem>>, vector<16xf32>,
      %get3A_1290 = vector.shape_cast %get3A_1289 : vector<16xf32> to vector<16xf32>
      %add3A_1291 = arith.addf %add3A_1287, %get3A_1290 : vector<16xf32>
      %get3A_1292 = arith.constant 720 : index
      %get3A_1293 = tpu.vector_load %arg8[%get3A_1292] {strides = array<i32>} : memref<3200xf32, #tpu.memory_space<vmem>>, vector<16xf32>,
      %get3A_1294 = vector.shape_cast %get3A_1293 : vector<16xf32> to vector<16xf32>
      %add3A_1295 = arith.addf %add3A_1291, %get3A_1294 : vector<16xf32>
      %get3A_1296 = arith.constant 736 : index
      %get3A_1297 = tpu.vector_load %arg8[%get3A_1296] {strides = array<i32>} : memref<3200xf32, #tpu.memory_space<vmem>>, vector<16xf32>,
      %get3A_1298 = vector.shape_cast %get3A_1297 : vector<16xf32> to vector<16xf32>
      %add3A_1299 = arith.addf %add3A_1295, %get3A_1298 : vector<16xf32>
      %get3A_1300 = arith.constant 752 : index
      %get3A_1301 = tpu.vector_load %arg8[%get3A_1300] {strides = array<i32>} : memref<3200xf32, #tpu.memory_space<vmem>>, vector<16xf32>,
      %get3A_1302 = vector.shape_cast %get3A_1301 : vector<16xf32> to vector<16xf32>
      %add3A_1303 = arith.addf %add3A_1299, %get3A_1302 : vector<16xf32>
      %get3A_1304 = arith.constant 768 : index
      %get3A_1305 = tpu.vector_load %arg8[%get3A_1304] {strides = array<i32>} : memref<3200xf32, #tpu.memory_space<vmem>>, vector<16xf32>,
      %get3A_1306 = vector.shape_cast %get3A_1305 : vector<16xf32> to vector<16xf32>
      %add3A_1307 = arith.addf %add3A_1303, %get3A_1306 : vector<16xf32>
      %get3A_1308 = arith.constant 784 : index
      %get3A_1309 = tpu.vector_load %arg8[%get3A_1308] {strides = array<i32>} : memref<3200xf32, #tpu.memory_space<vmem>>, vector<16xf32>,
      %get3A_1310 = vector.shape_cast %get3A_1309 : vector<16xf32> to vector<16xf32>
      %add3A_1311 = arith.addf %add3A_1307, %get3A_1310 : vector<16xf32>
      %get3A_1312 = arith.constant 800 : index
      %get3A_1313 = tpu.vector_load %arg8[%get3A_1312] {strides = array<i32>} : memref<3200xf32, #tpu.memory_space<vmem>>, vector<16xf32>,
      %get3A_1314 = vector.shape_cast %get3A_1313 : vector<16xf32> to vector<16xf32>
      %add3A_1315 = arith.addf %add3A_1311, %get3A_1314 : vector<16xf32>
      %get3A_1316 = arith.constant 816 : index
      %get3A_1317 = tpu.vector_load %arg8[%get3A_1316] {strides = array<i32>} : memref<3200xf32, #tpu.memory_space<vmem>>, vector<16xf32>,
      %get3A_1318 = vector.shape_cast %get3A_1317 : vector<16xf32> to vector<16xf32>
      %add3A_1319 = arith.addf %add3A_1315, %get3A_1318 : vector<16xf32>
      %get3A_1320 = arith.constant 832 : index
      %get3A_1321 = tpu.vector_load %arg8[%get3A_1320] {strides = array<i32>} : memref<3200xf32, #tpu.memory_space<vmem>>, vector<16xf32>,
      %get3A_1322 = vector.shape_cast %get3A_1321 : vector<16xf32> to vector<16xf32>
      %add3A_1323 = arith.addf %add3A_1319, %get3A_1322 : vector<16xf32>
      %get3A_1324 = arith.constant 848 : index
      %get3A_1325 = tpu.vector_load %arg8[%get3A_1324] {strides = array<i32>} : memref<3200xf32, #tpu.memory_space<vmem>>, vector<16xf32>,
      %get3A_1326 = vector.shape_cast %get3A_1325 : vector<16xf32> to vector<16xf32>
      %add3A_1327 = arith.addf %add3A_1323, %get3A_1326 : vector<16xf32>
      %get3A_1328 = arith.constant 864 : index
      %get3A_1329 = tpu.vector_load %arg8[%get3A_1328] {strides = array<i32>} : memref<3200xf32, #tpu.memory_space<vmem>>, vector<16xf32>,
      %get3A_1330 = vector.shape_cast %get3A_1329 : vector<16xf32> to vector<16xf32>
      %add3A_1331 = arith.addf %add3A_1327, %get3A_1330 : vector<16xf32>
      %get3A_1332 = arith.constant 880 : index
      %get3A_1333 = tpu.vector_load %arg8[%get3A_1332] {strides = array<i32>} : memref<3200xf32, #tpu.memory_space<vmem>>, vector<16xf32>,
      %get3A_1334 = vector.shape_cast %get3A_1333 : vector<16xf32> to vector<16xf32>
      %add3A_1335 = arith.addf %add3A_1331, %get3A_1334 : vector<16xf32>
      %get3A_1336 = arith.constant 896 : index
      %get3A_1337 = tpu.vector_load %arg8[%get3A_1336] {strides = array<i32>} : memref<3200xf32, #tpu.memory_space<vmem>>, vector<16xf32>,
      %get3A_1338 = vector.shape_cast %get3A_1337 : vector<16xf32> to vector<16xf32>
      %add3A_1339 = arith.addf %add3A_1335, %get3A_1338 : vector<16xf32>
      %get3A_1340 = arith.constant 912 : index
      %get3A_1341 = tpu.vector_load %arg8[%get3A_1340] {strides = array<i32>} : memref<3200xf32, #tpu.memory_space<vmem>>, vector<16xf32>,
      %get3A_1342 = vector.shape_cast %get3A_1341 : vector<16xf32> to vector<16xf32>
      %add3A_1343 = arith.addf %add3A_1339, %get3A_1342 : vector<16xf32>
      %get3A_1344 = arith.constant 928 : index
      %get3A_1345 = tpu.vector_load %arg8[%get3A_1344] {strides = array<i32>} : memref<3200xf32, #tpu.memory_space<vmem>>, vector<16xf32>,
      %get3A_1346 = vector.shape_cast %get3A_1345 : vector<16xf32> to vector<16xf32>
      %add3A_1347 = arith.addf %add3A_1343, %get3A_1346 : vector<16xf32>
      %get3A_1348 = arith.constant 944 : index
      %get3A_1349 = tpu.vector_load %arg8[%get3A_1348] {strides = array<i32>} : memref<3200xf32, #tpu.memory_space<vmem>>, vector<16xf32>,
      %get3A_1350 = vector.shape_cast %get3A_1349 : vector<16xf32> to vector<16xf32>
      %add3A_1351 = arith.addf %add3A_1347, %get3A_1350 : vector<16xf32>
      %get3A_1352 = arith.constant 960 : index
      %get3A_1353 = tpu.vector_load %arg8[%get3A_1352] {strides = array<i32>} : memref<3200xf32, #tpu.memory_space<vmem>>, vector<16xf32>,
      %get3A_1354 = vector.shape_cast %get3A_1353 : vector<16xf32> to vector<16xf32>
      %add3A_1355 = arith.addf %add3A_1351, %get3A_1354 : vector<16xf32>
      %get3A_1356 = arith.constant 976 : index
      %get3A_1357 = tpu.vector_load %arg8[%get3A_1356] {strides = array<i32>} : memref<3200xf32, #tpu.memory_space<vmem>>, vector<16xf32>,
      %get3A_1358 = vector.shape_cast %get3A_1357 : vector<16xf32> to vector<16xf32>
      %add3A_1359 = arith.addf %add3A_1355, %get3A_1358 : vector<16xf32>
      %get3A_1360 = arith.constant 992 : index
      %get3A_1361 = tpu.vector_load %arg8[%get3A_1360] {strides = array<i32>} : memref<3200xf32, #tpu.memory_space<vmem>>, vector<16xf32>,
      %get3A_1362 = vector.shape_cast %get3A_1361 : vector<16xf32> to vector<16xf32>
      %add3A_1363 = arith.addf %add3A_1359, %get3A_1362 : vector<16xf32>
      %get3A_1364 = arith.constant 1008 : index
      %get3A_1365 = tpu.vector_load %arg8[%get3A_1364] {strides = array<i32>} : memref<3200xf32, #tpu.memory_space<vmem>>, vector<16xf32>,
      %get3A_1366 = vector.shape_cast %get3A_1365 : vector<16xf32> to vector<16xf32>
      %add3A_1367 = arith.addf %add3A_1363, %get3A_1366 : vector<16xf32>
      %get3A_1368 = arith.constant 1024 : index
      %get3A_1369 = tpu.vector_load %arg8[%get3A_1368] {strides = array<i32>} : memref<3200xf32, #tpu.memory_space<vmem>>, vector<16xf32>,
      %get3A_1370 = vector.shape_cast %get3A_1369 : vector<16xf32> to vector<16xf32>
      %add3A_1371 = arith.addf %add3A_1367, %get3A_1370 : vector<16xf32>
      %get3A_1372 = arith.constant 1040 : index
      %get3A_1373 = tpu.vector_load %arg8[%get3A_1372] {strides = array<i32>} : memref<3200xf32, #tpu.memory_space<vmem>>, vector<16xf32>,
      %get3A_1374 = vector.shape_cast %get3A_1373 : vector<16xf32> to vector<16xf32>
      %add3A_1375 = arith.addf %add3A_1371, %get3A_1374 : vector<16xf32>
      %get3A_1376 = arith.constant 1056 : index
      %get3A_1377 = tpu.vector_load %arg8[%get3A_1376] {strides = array<i32>} : memref<3200xf32, #tpu.memory_space<vmem>>, vector<16xf32>,
      %get3A_1378 = vector.shape_cast %get3A_1377 : vector<16xf32> to vector<16xf32>
      %add3A_1379 = arith.addf %add3A_1375, %get3A_1378 : vector<16xf32>
      %get3A_1380 = arith.constant 1072 : index
      %get3A_1381 = tpu.vector_load %arg8[%get3A_1380] {strides = array<i32>} : memref<3200xf32, #tpu.memory_space<vmem>>, vector<16xf32>,
      %get3A_1382 = vector.shape_cast %get3A_1381 : vector<16xf32> to vector<16xf32>
      %add3A_1383 = arith.addf %add3A_1379, %get3A_1382 : vector<16xf32>
      %get3A_1384 = arith.constant 1088 : index
      %get3A_1385 = tpu.vector_load %arg8[%get3A_1384] {strides = array<i32>} : memref<3200xf32, #tpu.memory_space<vmem>>, vector<16xf32>,
      %get3A_1386 = vector.shape_cast %get3A_1385 : vector<16xf32> to vector<16xf32>
      %add3A_1387 = arith.addf %add3A_1383, %get3A_1386 : vector<16xf32>
      %get3A_1388 = arith.constant 1104 : index
      %get3A_1389 = tpu.vector_load %arg8[%get3A_1388] {strides = array<i32>} : memref<3200xf32, #tpu.memory_space<vmem>>, vector<16xf32>,
      %get3A_1390 = vector.shape_cast %get3A_1389 : vector<16xf32> to vector<16xf32>
      %add3A_1391 = arith.addf %add3A_1387, %get3A_1390 : vector<16xf32>
      %get3A_1392 = arith.constant 1120 : index
      %get3A_1393 = tpu.vector_load %arg8[%get3A_1392] {strides = array<i32>} : memref<3200xf32, #tpu.memory_space<vmem>>, vector<16xf32>,
      %get3A_1394 = vector.shape_cast %get3A_1393 : vector<16xf32> to vector<16xf32>
      %add3A_1395 = arith.addf %add3A_1391, %get3A_1394 : vector<16xf32>
      %get3A_1396 = arith.constant 1136 : index
      %get3A_1397 = tpu.vector_load %arg8[%get3A_1396] {strides = array<i32>} : memref<3200xf32, #tpu.memory_space<vmem>>, vector<16xf32>,
      %get3A_1398 = vector.shape_cast %get3A_1397 : vector<16xf32> to vector<16xf32>
      %add3A_1399 = arith.addf %add3A_1395, %get3A_1398 : vector<16xf32>
      %get3A_1400 = arith.constant 1152 : index
      %get3A_1401 = tpu.vector_load %arg8[%get3A_1400] {strides = array<i32>} : memref<3200xf32, #tpu.memory_space<vmem>>, vector<16xf32>,
      %get3A_1402 = vector.shape_cast %get3A_1401 : vector<16xf32> to vector<16xf32>
      %add3A_1403 = arith.addf %add3A_1399, %get3A_1402 : vector<16xf32>
      %get3A_1404 = arith.constant 1168 : index
      %get3A_1405 = tpu.vector_load %arg8[%get3A_1404] {strides = array<i32>} : memref<3200xf32, #tpu.memory_space<vmem>>, vector<16xf32>,
      %get3A_1406 = vector.shape_cast %get3A_1405 : vector<16xf32> to vector<16xf32>
      %add3A_1407 = arith.addf %add3A_1403, %get3A_1406 : vector<16xf32>
      %get3A_1408 = arith.constant 1184 : index
      %get3A_1409 = tpu.vector_load %arg8[%get3A_1408] {strides = array<i32>} : memref<3200xf32, #tpu.memory_space<vmem>>, vector<16xf32>,
      %get3A_1410 = vector.shape_cast %get3A_1409 : vector<16xf32> to vector<16xf32>
      %add3A_1411 = arith.addf %add3A_1407, %get3A_1410 : vector<16xf32>
      %get3A_1412 = arith.constant 1200 : index
      %get3A_1413 = tpu.vector_load %arg8[%get3A_1412] {strides = array<i32>} : memref<3200xf32, #tpu.memory_space<vmem>>, vector<16xf32>,
      %get3A_1414 = vector.shape_cast %get3A_1413 : vector<16xf32> to vector<16xf32>
      %add3A_1415 = arith.addf %add3A_1411, %get3A_1414 : vector<16xf32>
      %get3A_1416 = arith.constant 1216 : index
      %get3A_1417 = tpu.vector_load %arg8[%get3A_1416] {strides = array<i32>} : memref<3200xf32, #tpu.memory_space<vmem>>, vector<16xf32>,
      %get3A_1418 = vector.shape_cast %get3A_1417 : vector<16xf32> to vector<16xf32>
      %add3A_1419 = arith.addf %add3A_1415, %get3A_1418 : vector<16xf32>
      %get3A_1420 = arith.constant 1232 : index
      %get3A_1421 = tpu.vector_load %arg8[%get3A_1420] {strides = array<i32>} : memref<3200xf32, #tpu.memory_space<vmem>>, vector<16xf32>,
      %get3A_1422 = vector.shape_cast %get3A_1421 : vector<16xf32> to vector<16xf32>
      %add3A_1423 = arith.addf %add3A_1419, %get3A_1422 : vector<16xf32>
      %get3A_1424 = arith.constant 1248 : index
      %get3A_1425 = tpu.vector_load %arg8[%get3A_1424] {strides = array<i32>} : memref<3200xf32, #tpu.memory_space<vmem>>, vector<16xf32>,
      %get3A_1426 = vector.shape_cast %get3A_1425 : vector<16xf32> to vector<16xf32>
      %add3A_1427 = arith.addf %add3A_1423, %get3A_1426 : vector<16xf32>
      %get3A_1428 = arith.constant 1264 : index
      %get3A_1429 = tpu.vector_load %arg8[%get3A_1428] {strides = array<i32>} : memref<3200xf32, #tpu.memory_space<vmem>>, vector<16xf32>,
      %get3A_1430 = vector.shape_cast %get3A_1429 : vector<16xf32> to vector<16xf32>
      %add3A_1431 = arith.addf %add3A_1427, %get3A_1430 : vector<16xf32>
      %get3A_1432 = arith.constant 1280 : index
      %get3A_1433 = tpu.vector_load %arg8[%get3A_1432] {strides = array<i32>} : memref<3200xf32, #tpu.memory_space<vmem>>, vector<16xf32>,
      %get3A_1434 = vector.shape_cast %get3A_1433 : vector<16xf32> to vector<16xf32>
      %add3A_1435 = arith.addf %add3A_1431, %get3A_1434 : vector<16xf32>
      %get3A_1436 = arith.constant 1296 : index
      %get3A_1437 = tpu.vector_load %arg8[%get3A_1436] {strides = array<i32>} : memref<3200xf32, #tpu.memory_space<vmem>>, vector<16xf32>,
      %get3A_1438 = vector.shape_cast %get3A_1437 : vector<16xf32> to vector<16xf32>
      %add3A_1439 = arith.addf %add3A_1435, %get3A_1438 : vector<16xf32>
      %get3A_1440 = arith.constant 1312 : index
      %get3A_1441 = tpu.vector_load %arg8[%get3A_1440] {strides = array<i32>} : memref<3200xf32, #tpu.memory_space<vmem>>, vector<16xf32>,
      %get3A_1442 = vector.shape_cast %get3A_1441 : vector<16xf32> to vector<16xf32>
      %add3A_1443 = arith.addf %add3A_1439, %get3A_1442 : vector<16xf32>
      %get3A_1444 = arith.constant 1328 : index
      %get3A_1445 = tpu.vector_load %arg8[%get3A_1444] {strides = array<i32>} : memref<3200xf32, #tpu.memory_space<vmem>>, vector<16xf32>,
      %get3A_1446 = vector.shape_cast %get3A_1445 : vector<16xf32> to vector<16xf32>
      %add3A_1447 = arith.addf %add3A_1443, %get3A_1446 : vector<16xf32>
      %get3A_1448 = arith.constant 1344 : index
      %get3A_1449 = tpu.vector_load %arg8[%get3A_1448] {strides = array<i32>} : memref<3200xf32, #tpu.memory_space<vmem>>, vector<16xf32>,
      %get3A_1450 = vector.shape_cast %get3A_1449 : vector<16xf32> to vector<16xf32>
      %add3A_1451 = arith.addf %add3A_1447, %get3A_1450 : vector<16xf32>
      %get3A_1452 = arith.constant 1360 : index
      %get3A_1453 = tpu.vector_load %arg8[%get3A_1452] {strides = array<i32>} : memref<3200xf32, #tpu.memory_space<vmem>>, vector<16xf32>,
      %get3A_1454 = vector.shape_cast %get3A_1453 : vector<16xf32> to vector<16xf32>
      %add3A_1455 = arith.addf %add3A_1451, %get3A_1454 : vector<16xf32>
      %get3A_1456 = arith.constant 1376 : index
      %get3A_1457 = tpu.vector_load %arg8[%get3A_1456] {strides = array<i32>} : memref<3200xf32, #tpu.memory_space<vmem>>, vector<16xf32>,
      %get3A_1458 = vector.shape_cast %get3A_1457 : vector<16xf32> to vector<16xf32>
      %add3A_1459 = arith.addf %add3A_1455, %get3A_1458 : vector<16xf32>
      %get3A_1460 = arith.constant 1392 : index
      %get3A_1461 = tpu.vector_load %arg8[%get3A_1460] {strides = array<i32>} : memref<3200xf32, #tpu.memory_space<vmem>>, vector<16xf32>,
      %get3A_1462 = vector.shape_cast %get3A_1461 : vector<16xf32> to vector<16xf32>
      %add3A_1463 = arith.addf %add3A_1459, %get3A_1462 : vector<16xf32>
      %get3A_1464 = arith.constant 1408 : index
      %get3A_1465 = tpu.vector_load %arg8[%get3A_1464] {strides = array<i32>} : memref<3200xf32, #tpu.memory_space<vmem>>, vector<16xf32>,
      %get3A_1466 = vector.shape_cast %get3A_1465 : vector<16xf32> to vector<16xf32>
      %add3A_1467 = arith.addf %add3A_1463, %get3A_1466 : vector<16xf32>
      %get3A_1468 = arith.constant 1424 : index
      %get3A_1469 = tpu.vector_load %arg8[%get3A_1468] {strides = array<i32>} : memref<3200xf32, #tpu.memory_space<vmem>>, vector<16xf32>,
      %get3A_1470 = vector.shape_cast %get3A_1469 : vector<16xf32> to vector<16xf32>
      %add3A_1471 = arith.addf %add3A_1467, %get3A_1470 : vector<16xf32>
      %get3A_1472 = arith.constant 1440 : index
      %get3A_1473 = tpu.vector_load %arg8[%get3A_1472] {strides = array<i32>} : memref<3200xf32, #tpu.memory_space<vmem>>, vector<16xf32>,
      %get3A_1474 = vector.shape_cast %get3A_1473 : vector<16xf32> to vector<16xf32>
      %add3A_1475 = arith.addf %add3A_1471, %get3A_1474 : vector<16xf32>
      %get3A_1476 = arith.constant 1456 : index
      %get3A_1477 = tpu.vector_load %arg8[%get3A_1476] {strides = array<i32>} : memref<3200xf32, #tpu.memory_space<vmem>>, vector<16xf32>,
      %get3A_1478 = vector.shape_cast %get3A_1477 : vector<16xf32> to vector<16xf32>
      %add3A_1479 = arith.addf %add3A_1475, %get3A_1478 : vector<16xf32>
      %get3A_1480 = arith.constant 1472 : index
      %get3A_1481 = tpu.vector_load %arg8[%get3A_1480] {strides = array<i32>} : memref<3200xf32, #tpu.memory_space<vmem>>, vector<16xf32>,
      %get3A_1482 = vector.shape_cast %get3A_1481 : vector<16xf32> to vector<16xf32>
      %add3A_1483 = arith.addf %add3A_1479, %get3A_1482 : vector<16xf32>
      %get3A_1484 = arith.constant 1488 : index
      %get3A_1485 = tpu.vector_load %arg8[%get3A_1484] {strides = array<i32>} : memref<3200xf32, #tpu.memory_space<vmem>>, vector<16xf32>,
      %get3A_1486 = vector.shape_cast %get3A_1485 : vector<16xf32> to vector<16xf32>
      %add3A_1487 = arith.addf %add3A_1483, %get3A_1486 : vector<16xf32>
      %get3A_1488 = arith.constant 1504 : index
      %get3A_1489 = tpu.vector_load %arg8[%get3A_1488] {strides = array<i32>} : memref<3200xf32, #tpu.memory_space<vmem>>, vector<16xf32>,
      %get3A_1490 = vector.shape_cast %get3A_1489 : vector<16xf32> to vector<16xf32>
      %add3A_1491 = arith.addf %add3A_1487, %get3A_1490 : vector<16xf32>
      %get3A_1492 = arith.constant 1520 : index
      %get3A_1493 = tpu.vector_load %arg8[%get3A_1492] {strides = array<i32>} : memref<3200xf32, #tpu.memory_space<vmem>>, vector<16xf32>,
      %get3A_1494 = vector.shape_cast %get3A_1493 : vector<16xf32> to vector<16xf32>
      %add3A_1495 = arith.addf %add3A_1491, %get3A_1494 : vector<16xf32>
      %get3A_1496 = arith.constant 1536 : index
      %get3A_1497 = tpu.vector_load %arg8[%get3A_1496] {strides = array<i32>} : memref<3200xf32, #tpu.memory_space<vmem>>, vector<16xf32>,
      %get3A_1498 = vector.shape_cast %get3A_1497 : vector<16xf32> to vector<16xf32>
      %add3A_1499 = arith.addf %add3A_1495, %get3A_1498 : vector<16xf32>
      %get3A_1500 = arith.constant 1552 : index
      %get3A_1501 = tpu.vector_load %arg8[%get3A_1500] {strides = array<i32>} : memref<3200xf32, #tpu.memory_space<vmem>>, vector<16xf32>,
      %get3A_1502 = vector.shape_cast %get3A_1501 : vector<16xf32> to vector<16xf32>
      %add3A_1503 = arith.addf %add3A_1499, %get3A_1502 : vector<16xf32>
      %get3A_1504 = arith.constant 1568 : index
      %get3A_1505 = tpu.vector_load %arg8[%get3A_1504] {strides = array<i32>} : memref<3200xf32, #tpu.memory_space<vmem>>, vector<16xf32>,
      %get3A_1506 = vector.shape_cast %get3A_1505 : vector<16xf32> to vector<16xf32>
      %add3A_1507 = arith.addf %add3A_1503, %get3A_1506 : vector<16xf32>
      %get3A_1508 = arith.constant 1584 : index
      %get3A_1509 = tpu.vector_load %arg8[%get3A_1508] {strides = array<i32>} : memref<3200xf32, #tpu.memory_space<vmem>>, vector<16xf32>,
      %get3A_1510 = vector.shape_cast %get3A_1509 : vector<16xf32> to vector<16xf32>
      %add3A_1511 = arith.addf %add3A_1507, %get3A_1510 : vector<16xf32>
      %get3A_1512 = arith.constant 1600 : index
      %get3A_1513 = tpu.vector_load %arg8[%get3A_1512] {strides = array<i32>} : memref<3200xf32, #tpu.memory_space<vmem>>, vector<16xf32>,
      %get3A_1514 = vector.shape_cast %get3A_1513 : vector<16xf32> to vector<16xf32>
      %add3A_1515 = arith.addf %add3A_1511, %get3A_1514 : vector<16xf32>
      %get3A_1516 = arith.constant 1616 : index
      %get3A_1517 = tpu.vector_load %arg8[%get3A_1516] {strides = array<i32>} : memref<3200xf32, #tpu.memory_space<vmem>>, vector<16xf32>,
      %get3A_1518 = vector.shape_cast %get3A_1517 : vector<16xf32> to vector<16xf32>
      %add3A_1519 = arith.addf %add3A_1515, %get3A_1518 : vector<16xf32>
      %get3A_1520 = arith.constant 1632 : index
      %get3A_1521 = tpu.vector_load %arg8[%get3A_1520] {strides = array<i32>} : memref<3200xf32, #tpu.memory_space<vmem>>, vector<16xf32>,
      %get3A_1522 = vector.shape_cast %get3A_1521 : vector<16xf32> to vector<16xf32>
      %add3A_1523 = arith.addf %add3A_1519, %get3A_1522 : vector<16xf32>
      %get3A_1524 = arith.constant 1648 : index
      %get3A_1525 = tpu.vector_load %arg8[%get3A_1524] {strides = array<i32>} : memref<3200xf32, #tpu.memory_space<vmem>>, vector<16xf32>,
      %get3A_1526 = vector.shape_cast %get3A_1525 : vector<16xf32> to vector<16xf32>
      %add3A_1527 = arith.addf %add3A_1523, %get3A_1526 : vector<16xf32>
      %get3A_1528 = arith.constant 1664 : index
      %get3A_1529 = tpu.vector_load %arg8[%get3A_1528] {strides = array<i32>} : memref<3200xf32, #tpu.memory_space<vmem>>, vector<16xf32>,
      %get3A_1530 = vector.shape_cast %get3A_1529 : vector<16xf32> to vector<16xf32>
      %add3A_1531 = arith.addf %add3A_1527, %get3A_1530 : vector<16xf32>
      %get3A_1532 = arith.constant 1680 : index
      %get3A_1533 = tpu.vector_load %arg8[%get3A_1532] {strides = array<i32>} : memref<3200xf32, #tpu.memory_space<vmem>>, vector<16xf32>,
      %get3A_1534 = vector.shape_cast %get3A_1533 : vector<16xf32> to vector<16xf32>
      %add3A_1535 = arith.addf %add3A_1531, %get3A_1534 : vector<16xf32>
      %get3A_1536 = arith.constant 1696 : index
      %get3A_1537 = tpu.vector_load %arg8[%get3A_1536] {strides = array<i32>} : memref<3200xf32, #tpu.memory_space<vmem>>, vector<16xf32>,
      %get3A_1538 = vector.shape_cast %get3A_1537 : vector<16xf32> to vector<16xf32>
      %add3A_1539 = arith.addf %add3A_1535, %get3A_1538 : vector<16xf32>
      %get3A_1540 = arith.constant 1712 : index
      %get3A_1541 = tpu.vector_load %arg8[%get3A_1540] {strides = array<i32>} : memref<3200xf32, #tpu.memory_space<vmem>>, vector<16xf32>,
      %get3A_1542 = vector.shape_cast %get3A_1541 : vector<16xf32> to vector<16xf32>
      %add3A_1543 = arith.addf %add3A_1539, %get3A_1542 : vector<16xf32>
      %get3A_1544 = arith.constant 1728 : index
      %get3A_1545 = tpu.vector_load %arg8[%get3A_1544] {strides = array<i32>} : memref<3200xf32, #tpu.memory_space<vmem>>, vector<16xf32>,
      %get3A_1546 = vector.shape_cast %get3A_1545 : vector<16xf32> to vector<16xf32>
      %add3A_1547 = arith.addf %add3A_1543, %get3A_1546 : vector<16xf32>
      %get3A_1548 = arith.constant 1744 : index
      %get3A_1549 = tpu.vector_load %arg8[%get3A_1548] {strides = array<i32>} : memref<3200xf32, #tpu.memory_space<vmem>>, vector<16xf32>,
      %get3A_1550 = vector.shape_cast %get3A_1549 : vector<16xf32> to vector<16xf32>
      %add3A_1551 = arith.addf %add3A_1547, %get3A_1550 : vector<16xf32>
      %get3A_1552 = arith.constant 1760 : index
      %get3A_1553 = tpu.vector_load %arg8[%get3A_1552] {strides = array<i32>} : memref<3200xf32, #tpu.memory_space<vmem>>, vector<16xf32>,
      %get3A_1554 = vector.shape_cast %get3A_1553 : vector<16xf32> to vector<16xf32>
      %add3A_1555 = arith.addf %add3A_1551, %get3A_1554 : vector<16xf32>
      %get3A_1556 = arith.constant 1776 : index
      %get3A_1557 = tpu.vector_load %arg8[%get3A_1556] {strides = array<i32>} : memref<3200xf32, #tpu.memory_space<vmem>>, vector<16xf32>,
      %get3A_1558 = vector.shape_cast %get3A_1557 : vector<16xf32> to vector<16xf32>
      %add3A_1559 = arith.addf %add3A_1555, %get3A_1558 : vector<16xf32>
      %get3A_1560 = arith.constant 1792 : index
      %get3A_1561 = tpu.vector_load %arg8[%get3A_1560] {strides = array<i32>} : memref<3200xf32, #tpu.memory_space<vmem>>, vector<16xf32>,
      %get3A_1562 = vector.shape_cast %get3A_1561 : vector<16xf32> to vector<16xf32>
      %add3A_1563 = arith.addf %add3A_1559, %get3A_1562 : vector<16xf32>
      %get3A_1564 = arith.constant 1808 : index
      %get3A_1565 = tpu.vector_load %arg8[%get3A_1564] {strides = array<i32>} : memref<3200xf32, #tpu.memory_space<vmem>>, vector<16xf32>,
      %get3A_1566 = vector.shape_cast %get3A_1565 : vector<16xf32> to vector<16xf32>
      %add3A_1567 = arith.addf %add3A_1563, %get3A_1566 : vector<16xf32>
      %get3A_1568 = arith.constant 1824 : index
      %get3A_1569 = tpu.vector_load %arg8[%get3A_1568] {strides = array<i32>} : memref<3200xf32, #tpu.memory_space<vmem>>, vector<16xf32>,
      %get3A_1570 = vector.shape_cast %get3A_1569 : vector<16xf32> to vector<16xf32>
      %add3A_1571 = arith.addf %add3A_1567, %get3A_1570 : vector<16xf32>
      %get3A_1572 = arith.constant 1840 : index
      %get3A_1573 = tpu.vector_load %arg8[%get3A_1572] {strides = array<i32>} : memref<3200xf32, #tpu.memory_space<vmem>>, vector<16xf32>,
      %get3A_1574 = vector.shape_cast %get3A_1573 : vector<16xf32> to vector<16xf32>
      %add3A_1575 = arith.addf %add3A_1571, %get3A_1574 : vector<16xf32>
      %get3A_1576 = arith.constant 1856 : index
      %get3A_1577 = tpu.vector_load %arg8[%get3A_1576] {strides = array<i32>} : memref<3200xf32, #tpu.memory_space<vmem>>, vector<16xf32>,
      %get3A_1578 = vector.shape_cast %get3A_1577 : vector<16xf32> to vector<16xf32>
      %add3A_1579 = arith.addf %add3A_1575, %get3A_1578 : vector<16xf32>
      %get3A_1580 = arith.constant 1872 : index
      %get3A_1581 = tpu.vector_load %arg8[%get3A_1580] {strides = array<i32>} : memref<3200xf32, #tpu.memory_space<vmem>>, vector<16xf32>,
      %get3A_1582 = vector.shape_cast %get3A_1581 : vector<16xf32> to vector<16xf32>
      %add3A_1583 = arith.addf %add3A_1579, %get3A_1582 : vector<16xf32>
      %get3A_1584 = arith.constant 1888 : index
      %get3A_1585 = tpu.vector_load %arg8[%get3A_1584] {strides = array<i32>} : memref<3200xf32, #tpu.memory_space<vmem>>, vector<16xf32>,
      %get3A_1586 = vector.shape_cast %get3A_1585 : vector<16xf32> to vector<16xf32>
      %add3A_1587 = arith.addf %add3A_1583, %get3A_1586 : vector<16xf32>
      %get3A_1588 = arith.constant 1904 : index
      %get3A_1589 = tpu.vector_load %arg8[%get3A_1588] {strides = array<i32>} : memref<3200xf32, #tpu.memory_space<vmem>>, vector<16xf32>,
      %get3A_1590 = vector.shape_cast %get3A_1589 : vector<16xf32> to vector<16xf32>
      %add3A_1591 = arith.addf %add3A_1587, %get3A_1590 : vector<16xf32>
      %get3A_1592 = arith.constant 1920 : index
      %get3A_1593 = tpu.vector_load %arg8[%get3A_1592] {strides = array<i32>} : memref<3200xf32, #tpu.memory_space<vmem>>, vector<16xf32>,
      %get3A_1594 = vector.shape_cast %get3A_1593 : vector<16xf32> to vector<16xf32>
      %add3A_1595 = arith.addf %add3A_1591, %get3A_1594 : vector<16xf32>
      %get3A_1596 = arith.constant 1936 : index
      %get3A_1597 = tpu.vector_load %arg8[%get3A_1596] {strides = array<i32>} : memref<3200xf32, #tpu.memory_space<vmem>>, vector<16xf32>,
      %get3A_1598 = vector.shape_cast %get3A_1597 : vector<16xf32> to vector<16xf32>
      %add3A_1599 = arith.addf %add3A_1595, %get3A_1598 : vector<16xf32>
      %get3A_1600 = arith.constant 1952 : index
      %get3A_1601 = tpu.vector_load %arg8[%get3A_1600] {strides = array<i32>} : memref<3200xf32, #tpu.memory_space<vmem>>, vector<16xf32>,
      %get3A_1602 = vector.shape_cast %get3A_1601 : vector<16xf32> to vector<16xf32>
      %add3A_1603 = arith.addf %add3A_1599, %get3A_1602 : vector<16xf32>
      %get3A_1604 = arith.constant 1968 : index
      %get3A_1605 = tpu.vector_load %arg8[%get3A_1604] {strides = array<i32>} : memref<3200xf32, #tpu.memory_space<vmem>>, vector<16xf32>,
      %get3A_1606 = vector.shape_cast %get3A_1605 : vector<16xf32> to vector<16xf32>
      %add3A_1607 = arith.addf %add3A_1603, %get3A_1606 : vector<16xf32>
      %get3A_1608 = arith.constant 1984 : index
      %get3A_1609 = tpu.vector_load %arg8[%get3A_1608] {strides = array<i32>} : memref<3200xf32, #tpu.memory_space<vmem>>, vector<16xf32>,
      %get3A_1610 = vector.shape_cast %get3A_1609 : vector<16xf32> to vector<16xf32>
      %add3A_1611 = arith.addf %add3A_1607, %get3A_1610 : vector<16xf32>
      %get3A_1612 = arith.constant 2000 : index
      %get3A_1613 = tpu.vector_load %arg8[%get3A_1612] {strides = array<i32>} : memref<3200xf32, #tpu.memory_space<vmem>>, vector<16xf32>,
      %get3A_1614 = vector.shape_cast %get3A_1613 : vector<16xf32> to vector<16xf32>
      %add3A_1615 = arith.addf %add3A_1611, %get3A_1614 : vector<16xf32>
      %get3A_1616 = arith.constant 2016 : index
      %get3A_1617 = tpu.vector_load %arg8[%get3A_1616] {strides = array<i32>} : memref<3200xf32, #tpu.memory_space<vmem>>, vector<16xf32>,
      %get3A_1618 = vector.shape_cast %get3A_1617 : vector<16xf32> to vector<16xf32>
      %add3A_1619 = arith.addf %add3A_1615, %get3A_1618 : vector<16xf32>
      %get3A_1620 = arith.constant 2032 : index
      %get3A_1621 = tpu.vector_load %arg8[%get3A_1620] {strides = array<i32>} : memref<3200xf32, #tpu.memory_space<vmem>>, vector<16xf32>,
      %get3A_1622 = vector.shape_cast %get3A_1621 : vector<16xf32> to vector<16xf32>
      %add3A_1623 = arith.addf %add3A_1619, %get3A_1622 : vector<16xf32>
      %get3A_1624 = arith.constant 2048 : index
      %get3A_1625 = tpu.vector_load %arg8[%get3A_1624] {strides = array<i32>} : memref<3200xf32, #tpu.memory_space<vmem>>, vector<16xf32>,
      %get3A_1626 = vector.shape_cast %get3A_1625 : vector<16xf32> to vector<16xf32>
      %add3A_1627 = arith.addf %add3A_1623, %get3A_1626 : vector<16xf32>
      %get3A_1628 = arith.constant 2064 : index
      %get3A_1629 = tpu.vector_load %arg8[%get3A_1628] {strides = array<i32>} : memref<3200xf32, #tpu.memory_space<vmem>>, vector<16xf32>,
      %get3A_1630 = vector.shape_cast %get3A_1629 : vector<16xf32> to vector<16xf32>
      %add3A_1631 = arith.addf %add3A_1627, %get3A_1630 : vector<16xf32>
      %get3A_1632 = arith.constant 2080 : index
      %get3A_1633 = tpu.vector_load %arg8[%get3A_1632] {strides = array<i32>} : memref<3200xf32, #tpu.memory_space<vmem>>, vector<16xf32>,
      %get3A_1634 = vector.shape_cast %get3A_1633 : vector<16xf32> to vector<16xf32>
      %add3A_1635 = arith.addf %add3A_1631, %get3A_1634 : vector<16xf32>
      %get3A_1636 = arith.constant 2096 : index
      %get3A_1637 = tpu.vector_load %arg8[%get3A_1636] {strides = array<i32>} : memref<3200xf32, #tpu.memory_space<vmem>>, vector<16xf32>,
      %get3A_1638 = vector.shape_cast %get3A_1637 : vector<16xf32> to vector<16xf32>
      %add3A_1639 = arith.addf %add3A_1635, %get3A_1638 : vector<16xf32>
      %get3A_1640 = arith.constant 2112 : index
      %get3A_1641 = tpu.vector_load %arg8[%get3A_1640] {strides = array<i32>} : memref<3200xf32, #tpu.memory_space<vmem>>, vector<16xf32>,
      %get3A_1642 = vector.shape_cast %get3A_1641 : vector<16xf32> to vector<16xf32>
      %add3A_1643 = arith.addf %add3A_1639, %get3A_1642 : vector<16xf32>
      %get3A_1644 = arith.constant 2128 : index
      %get3A_1645 = tpu.vector_load %arg8[%get3A_1644] {strides = array<i32>} : memref<3200xf32, #tpu.memory_space<vmem>>, vector<16xf32>,
      %get3A_1646 = vector.shape_cast %get3A_1645 : vector<16xf32> to vector<16xf32>
      %add3A_1647 = arith.addf %add3A_1643, %get3A_1646 : vector<16xf32>
      %get3A_1648 = arith.constant 2144 : index
      %get3A_1649 = tpu.vector_load %arg8[%get3A_1648] {strides = array<i32>} : memref<3200xf32, #tpu.memory_space<vmem>>, vector<16xf32>,
      %get3A_1650 = vector.shape_cast %get3A_1649 : vector<16xf32> to vector<16xf32>
      %add3A_1651 = arith.addf %add3A_1647, %get3A_1650 : vector<16xf32>
      %get3A_1652 = arith.constant 2160 : index
      %get3A_1653 = tpu.vector_load %arg8[%get3A_1652] {strides = array<i32>} : memref<3200xf32, #tpu.memory_space<vmem>>, vector<16xf32>,
      %get3A_1654 = vector.shape_cast %get3A_1653 : vector<16xf32> to vector<16xf32>
      %add3A_1655 = arith.addf %add3A_1651, %get3A_1654 : vector<16xf32>
      %get3A_1656 = arith.constant 2176 : index
      %get3A_1657 = tpu.vector_load %arg8[%get3A_1656] {strides = array<i32>} : memref<3200xf32, #tpu.memory_space<vmem>>, vector<16xf32>,
      %get3A_1658 = vector.shape_cast %get3A_1657 : vector<16xf32> to vector<16xf32>
      %add3A_1659 = arith.addf %add3A_1655, %get3A_1658 : vector<16xf32>
      %get3A_1660 = arith.constant 2192 : index
      %get3A_1661 = tpu.vector_load %arg8[%get3A_1660] {strides = array<i32>} : memref<3200xf32, #tpu.memory_space<vmem>>, vector<16xf32>,
      %get3A_1662 = vector.shape_cast %get3A_1661 : vector<16xf32> to vector<16xf32>
      %add3A_1663 = arith.addf %add3A_1659, %get3A_1662 : vector<16xf32>
      %get3A_1664 = arith.constant 2208 : index
      %get3A_1665 = tpu.vector_load %arg8[%get3A_1664] {strides = array<i32>} : memref<3200xf32, #tpu.memory_space<vmem>>, vector<16xf32>,
      %get3A_1666 = vector.shape_cast %get3A_1665 : vector<16xf32> to vector<16xf32>
      %add3A_1667 = arith.addf %add3A_1663, %get3A_1666 : vector<16xf32>
      %get3A_1668 = arith.constant 2224 : index
      %get3A_1669 = tpu.vector_load %arg8[%get3A_1668] {strides = array<i32>} : memref<3200xf32, #tpu.memory_space<vmem>>, vector<16xf32>,
      %get3A_1670 = vector.shape_cast %get3A_1669 : vector<16xf32> to vector<16xf32>
      %add3A_1671 = arith.addf %add3A_1667, %get3A_1670 : vector<16xf32>
      %get3A_1672 = arith.constant 2240 : index
      %get3A_1673 = tpu.vector_load %arg8[%get3A_1672] {strides = array<i32>} : memref<3200xf32, #tpu.memory_space<vmem>>, vector<16xf32>,
      %get3A_1674 = vector.shape_cast %get3A_1673 : vector<16xf32> to vector<16xf32>
      %add3A_1675 = arith.addf %add3A_1671, %get3A_1674 : vector<16xf32>
      %get3A_1676 = arith.constant 2256 : index
      %get3A_1677 = tpu.vector_load %arg8[%get3A_1676] {strides = array<i32>} : memref<3200xf32, #tpu.memory_space<vmem>>, vector<16xf32>,
      %get3A_1678 = vector.shape_cast %get3A_1677 : vector<16xf32> to vector<16xf32>
      %add3A_1679 = arith.addf %add3A_1675, %get3A_1678 : vector<16xf32>
      %get3A_1680 = arith.constant 2272 : index
      %get3A_1681 = tpu.vector_load %arg8[%get3A_1680] {strides = array<i32>} : memref<3200xf32, #tpu.memory_space<vmem>>, vector<16xf32>,
      %get3A_1682 = vector.shape_cast %get3A_1681 : vector<16xf32> to vector<16xf32>
      %add3A_1683 = arith.addf %add3A_1679, %get3A_1682 : vector<16xf32>
      %get3A_1684 = arith.constant 2288 : index
      %get3A_1685 = tpu.vector_load %arg8[%get3A_1684] {strides = array<i32>} : memref<3200xf32, #tpu.memory_space<vmem>>, vector<16xf32>,
      %get3A_1686 = vector.shape_cast %get3A_1685 : vector<16xf32> to vector<16xf32>
      %add3A_1687 = arith.addf %add3A_1683, %get3A_1686 : vector<16xf32>
      %get3A_1688 = arith.constant 2304 : index
      %get3A_1689 = tpu.vector_load %arg8[%get3A_1688] {strides = array<i32>} : memref<3200xf32, #tpu.memory_space<vmem>>, vector<16xf32>,
      %get3A_1690 = vector.shape_cast %get3A_1689 : vector<16xf32> to vector<16xf32>
      %add3A_1691 = arith.addf %add3A_1687, %get3A_1690 : vector<16xf32>
      %get3A_1692 = arith.constant 2320 : index
      %get3A_1693 = tpu.vector_load %arg8[%get3A_1692] {strides = array<i32>} : memref<3200xf32, #tpu.memory_space<vmem>>, vector<16xf32>,
      %get3A_1694 = vector.shape_cast %get3A_1693 : vector<16xf32> to vector<16xf32>
      %add3A_1695 = arith.addf %add3A_1691, %get3A_1694 : vector<16xf32>
      %get3A_1696 = arith.constant 2336 : index
      %get3A_1697 = tpu.vector_load %arg8[%get3A_1696] {strides = array<i32>} : memref<3200xf32, #tpu.memory_space<vmem>>, vector<16xf32>,
      %get3A_1698 = vector.shape_cast %get3A_1697 : vector<16xf32> to vector<16xf32>
      %add3A_1699 = arith.addf %add3A_1695, %get3A_1698 : vector<16xf32>
      %get3A_1700 = arith.constant 2352 : index
      %get3A_1701 = tpu.vector_load %arg8[%get3A_1700] {strides = array<i32>} : memref<3200xf32, #tpu.memory_space<vmem>>, vector<16xf32>,
      %get3A_1702 = vector.shape_cast %get3A_1701 : vector<16xf32> to vector<16xf32>
      %add3A_1703 = arith.addf %add3A_1699, %get3A_1702 : vector<16xf32>
      %get3A_1704 = arith.constant 2368 : index
      %get3A_1705 = tpu.vector_load %arg8[%get3A_1704] {strides = array<i32>} : memref<3200xf32, #tpu.memory_space<vmem>>, vector<16xf32>,
      %get3A_1706 = vector.shape_cast %get3A_1705 : vector<16xf32> to vector<16xf32>
      %add3A_1707 = arith.addf %add3A_1703, %get3A_1706 : vector<16xf32>
      %get3A_1708 = arith.constant 2384 : index
      %get3A_1709 = tpu.vector_load %arg8[%get3A_1708] {strides = array<i32>} : memref<3200xf32, #tpu.memory_space<vmem>>, vector<16xf32>,
      %get3A_1710 = vector.shape_cast %get3A_1709 : vector<16xf32> to vector<16xf32>
      %add3A_1711 = arith.addf %add3A_1707, %get3A_1710 : vector<16xf32>
      %get3A_1712 = arith.constant 2400 : index
      %get3A_1713 = tpu.vector_load %arg8[%get3A_1712] {strides = array<i32>} : memref<3200xf32, #tpu.memory_space<vmem>>, vector<16xf32>,
      %get3A_1714 = vector.shape_cast %get3A_1713 : vector<16xf32> to vector<16xf32>
      %add3A_1715 = arith.addf %add3A_1711, %get3A_1714 : vector<16xf32>
      %get3A_1716 = arith.constant 2416 : index
      %get3A_1717 = tpu.vector_load %arg8[%get3A_1716] {strides = array<i32>} : memref<3200xf32, #tpu.memory_space<vmem>>, vector<16xf32>,
      %get3A_1718 = vector.shape_cast %get3A_1717 : vector<16xf32> to vector<16xf32>
      %add3A_1719 = arith.addf %add3A_1715, %get3A_1718 : vector<16xf32>
      %get3A_1720 = arith.constant 2432 : index
      %get3A_1721 = tpu.vector_load %arg8[%get3A_1720] {strides = array<i32>} : memref<3200xf32, #tpu.memory_space<vmem>>, vector<16xf32>,
      %get3A_1722 = vector.shape_cast %get3A_1721 : vector<16xf32> to vector<16xf32>
      %add3A_1723 = arith.addf %add3A_1719, %get3A_1722 : vector<16xf32>
      %get3A_1724 = arith.constant 2448 : index
      %get3A_1725 = tpu.vector_load %arg8[%get3A_1724] {strides = array<i32>} : memref<3200xf32, #tpu.memory_space<vmem>>, vector<16xf32>,
      %get3A_1726 = vector.shape_cast %get3A_1725 : vector<16xf32> to vector<16xf32>
      %add3A_1727 = arith.addf %add3A_1723, %get3A_1726 : vector<16xf32>
      %get3A_1728 = arith.constant 2464 : index
      %get3A_1729 = tpu.vector_load %arg8[%get3A_1728] {strides = array<i32>} : memref<3200xf32, #tpu.memory_space<vmem>>, vector<16xf32>,
      %get3A_1730 = vector.shape_cast %get3A_1729 : vector<16xf32> to vector<16xf32>
      %add3A_1731 = arith.addf %add3A_1727, %get3A_1730 : vector<16xf32>
      %get3A_1732 = arith.constant 2480 : index
      %get3A_1733 = tpu.vector_load %arg8[%get3A_1732] {strides = array<i32>} : memref<3200xf32, #tpu.memory_space<vmem>>, vector<16xf32>,
      %get3A_1734 = vector.shape_cast %get3A_1733 : vector<16xf32> to vector<16xf32>
      %add3A_1735 = arith.addf %add3A_1731, %get3A_1734 : vector<16xf32>
      %get3A_1736 = arith.constant 2496 : index
      %get3A_1737 = tpu.vector_load %arg8[%get3A_1736] {strides = array<i32>} : memref<3200xf32, #tpu.memory_space<vmem>>, vector<16xf32>,
      %get3A_1738 = vector.shape_cast %get3A_1737 : vector<16xf32> to vector<16xf32>
      %add3A_1739 = arith.addf %add3A_1735, %get3A_1738 : vector<16xf32>
      %get3A_1740 = arith.constant 2512 : index
      %get3A_1741 = tpu.vector_load %arg8[%get3A_1740] {strides = array<i32>} : memref<3200xf32, #tpu.memory_space<vmem>>, vector<16xf32>,
      %get3A_1742 = vector.shape_cast %get3A_1741 : vector<16xf32> to vector<16xf32>
      %add3A_1743 = arith.addf %add3A_1739, %get3A_1742 : vector<16xf32>
      %get3A_1744 = arith.constant 2528 : index
      %get3A_1745 = tpu.vector_load %arg8[%get3A_1744] {strides = array<i32>} : memref<3200xf32, #tpu.memory_space<vmem>>, vector<16xf32>,
      %get3A_1746 = vector.shape_cast %get3A_1745 : vector<16xf32> to vector<16xf32>
      %add3A_1747 = arith.addf %add3A_1743, %get3A_1746 : vector<16xf32>
      %get3A_1748 = arith.constant 2544 : index
      %get3A_1749 = tpu.vector_load %arg8[%get3A_1748] {strides = array<i32>} : memref<3200xf32, #tpu.memory_space<vmem>>, vector<16xf32>,
      %get3A_1750 = vector.shape_cast %get3A_1749 : vector<16xf32> to vector<16xf32>
      %add3A_1751 = arith.addf %add3A_1747, %get3A_1750 : vector<16xf32>
      %get3A_1752 = arith.constant 2560 : index
      %get3A_1753 = tpu.vector_load %arg8[%get3A_1752] {strides = array<i32>} : memref<3200xf32, #tpu.memory_space<vmem>>, vector<16xf32>,
      %get3A_1754 = vector.shape_cast %get3A_1753 : vector<16xf32> to vector<16xf32>
      %add3A_1755 = arith.addf %add3A_1751, %get3A_1754 : vector<16xf32>
      %get3A_1756 = arith.constant 2576 : index
      %get3A_1757 = tpu.vector_load %arg8[%get3A_1756] {strides = array<i32>} : memref<3200xf32, #tpu.memory_space<vmem>>, vector<16xf32>,
      %get3A_1758 = vector.shape_cast %get3A_1757 : vector<16xf32> to vector<16xf32>
      %add3A_1759 = arith.addf %add3A_1755, %get3A_1758 : vector<16xf32>
      %get3A_1760 = arith.constant 2592 : index
      %get3A_1761 = tpu.vector_load %arg8[%get3A_1760] {strides = array<i32>} : memref<3200xf32, #tpu.memory_space<vmem>>, vector<16xf32>,
      %get3A_1762 = vector.shape_cast %get3A_1761 : vector<16xf32> to vector<16xf32>
      %add3A_1763 = arith.addf %add3A_1759, %get3A_1762 : vector<16xf32>
      %get3A_1764 = arith.constant 2608 : index
      %get3A_1765 = tpu.vector_load %arg8[%get3A_1764] {strides = array<i32>} : memref<3200xf32, #tpu.memory_space<vmem>>, vector<16xf32>,
      %get3A_1766 = vector.shape_cast %get3A_1765 : vector<16xf32> to vector<16xf32>
      %add3A_1767 = arith.addf %add3A_1763, %get3A_1766 : vector<16xf32>
      %get3A_1768 = arith.constant 2624 : index
      %get3A_1769 = tpu.vector_load %arg8[%get3A_1768] {strides = array<i32>} : memref<3200xf32, #tpu.memory_space<vmem>>, vector<16xf32>,
      %get3A_1770 = vector.shape_cast %get3A_1769 : vector<16xf32> to vector<16xf32>
      %add3A_1771 = arith.addf %add3A_1767, %get3A_1770 : vector<16xf32>
      %get3A_1772 = arith.constant 2640 : index
      %get3A_1773 = tpu.vector_load %arg8[%get3A_1772] {strides = array<i32>} : memref<3200xf32, #tpu.memory_space<vmem>>, vector<16xf32>,
      %get3A_1774 = vector.shape_cast %get3A_1773 : vector<16xf32> to vector<16xf32>
      %add3A_1775 = arith.addf %add3A_1771, %get3A_1774 : vector<16xf32>
      %get3A_1776 = arith.constant 2656 : index
      %get3A_1777 = tpu.vector_load %arg8[%get3A_1776] {strides = array<i32>} : memref<3200xf32, #tpu.memory_space<vmem>>, vector<16xf32>,
      %get3A_1778 = vector.shape_cast %get3A_1777 : vector<16xf32> to vector<16xf32>
      %add3A_1779 = arith.addf %add3A_1775, %get3A_1778 : vector<16xf32>
      %get3A_1780 = arith.constant 2672 : index
      %get3A_1781 = tpu.vector_load %arg8[%get3A_1780] {strides = array<i32>} : memref<3200xf32, #tpu.memory_space<vmem>>, vector<16xf32>,
      %get3A_1782 = vector.shape_cast %get3A_1781 : vector<16xf32> to vector<16xf32>
      %add3A_1783 = arith.addf %add3A_1779, %get3A_1782 : vector<16xf32>
      %get3A_1784 = arith.constant 2688 : index
      %get3A_1785 = tpu.vector_load %arg8[%get3A_1784] {strides = array<i32>} : memref<3200xf32, #tpu.memory_space<vmem>>, vector<16xf32>,
      %get3A_1786 = vector.shape_cast %get3A_1785 : vector<16xf32> to vector<16xf32>
      %add3A_1787 = arith.addf %add3A_1783, %get3A_1786 : vector<16xf32>
      %get3A_1788 = arith.constant 2704 : index
      %get3A_1789 = tpu.vector_load %arg8[%get3A_1788] {strides = array<i32>} : memref<3200xf32, #tpu.memory_space<vmem>>, vector<16xf32>,
      %get3A_1790 = vector.shape_cast %get3A_1789 : vector<16xf32> to vector<16xf32>
      %add3A_1791 = arith.addf %add3A_1787, %get3A_1790 : vector<16xf32>
      %get3A_1792 = arith.constant 2720 : index
      %get3A_1793 = tpu.vector_load %arg8[%get3A_1792] {strides = array<i32>} : memref<3200xf32, #tpu.memory_space<vmem>>, vector<16xf32>,
      %get3A_1794 = vector.shape_cast %get3A_1793 : vector<16xf32> to vector<16xf32>
      %add3A_1795 = arith.addf %add3A_1791, %get3A_1794 : vector<16xf32>
      %get3A_1796 = arith.constant 2736 : index
      %get3A_1797 = tpu.vector_load %arg8[%get3A_1796] {strides = array<i32>} : memref<3200xf32, #tpu.memory_space<vmem>>, vector<16xf32>,
      %get3A_1798 = vector.shape_cast %get3A_1797 : vector<16xf32> to vector<16xf32>
      %add3A_1799 = arith.addf %add3A_1795, %get3A_1798 : vector<16xf32>
      %get3A_1800 = arith.constant 2752 : index
      %get3A_1801 = tpu.vector_load %arg8[%get3A_1800] {strides = array<i32>} : memref<3200xf32, #tpu.memory_space<vmem>>, vector<16xf32>,
      %get3A_1802 = vector.shape_cast %get3A_1801 : vector<16xf32> to vector<16xf32>
      %add3A_1803 = arith.addf %add3A_1799, %get3A_1802 : vector<16xf32>
      %get3A_1804 = arith.constant 2768 : index
      %get3A_1805 = tpu.vector_load %arg8[%get3A_1804] {strides = array<i32>} : memref<3200xf32, #tpu.memory_space<vmem>>, vector<16xf32>,
      %get3A_1806 = vector.shape_cast %get3A_1805 : vector<16xf32> to vector<16xf32>
      %add3A_1807 = arith.addf %add3A_1803, %get3A_1806 : vector<16xf32>
      %get3A_1808 = arith.constant 2784 : index
      %get3A_1809 = tpu.vector_load %arg8[%get3A_1808] {strides = array<i32>} : memref<3200xf32, #tpu.memory_space<vmem>>, vector<16xf32>,
      %get3A_1810 = vector.shape_cast %get3A_1809 : vector<16xf32> to vector<16xf32>
      %add3A_1811 = arith.addf %add3A_1807, %get3A_1810 : vector<16xf32>
      %get3A_1812 = arith.constant 2800 : index
      %get3A_1813 = tpu.vector_load %arg8[%get3A_1812] {strides = array<i32>} : memref<3200xf32, #tpu.memory_space<vmem>>, vector<16xf32>,
      %get3A_1814 = vector.shape_cast %get3A_1813 : vector<16xf32> to vector<16xf32>
      %add3A_1815 = arith.addf %add3A_1811, %get3A_1814 : vector<16xf32>
      %get3A_1816 = arith.constant 2816 : index
      %get3A_1817 = tpu.vector_load %arg8[%get3A_1816] {strides = array<i32>} : memref<3200xf32, #tpu.memory_space<vmem>>, vector<16xf32>,
      %get3A_1818 = vector.shape_cast %get3A_1817 : vector<16xf32> to vector<16xf32>
      %add3A_1819 = arith.addf %add3A_1815, %get3A_1818 : vector<16xf32>
      %get3A_1820 = arith.constant 2832 : index
      %get3A_1821 = tpu.vector_load %arg8[%get3A_1820] {strides = array<i32>} : memref<3200xf32, #tpu.memory_space<vmem>>, vector<16xf32>,
      %get3A_1822 = vector.shape_cast %get3A_1821 : vector<16xf32> to vector<16xf32>
      %add3A_1823 = arith.addf %add3A_1819, %get3A_1822 : vector<16xf32>
      %get3A_1824 = arith.constant 2848 : index
      %get3A_1825 = tpu.vector_load %arg8[%get3A_1824] {strides = array<i32>} : memref<3200xf32, #tpu.memory_space<vmem>>, vector<16xf32>,
      %get3A_1826 = vector.shape_cast %get3A_1825 : vector<16xf32> to vector<16xf32>
      %add3A_1827 = arith.addf %add3A_1823, %get3A_1826 : vector<16xf32>
      %get3A_1828 = arith.constant 2864 : index
      %get3A_1829 = tpu.vector_load %arg8[%get3A_1828] {strides = array<i32>} : memref<3200xf32, #tpu.memory_space<vmem>>, vector<16xf32>,
      %get3A_1830 = vector.shape_cast %get3A_1829 : vector<16xf32> to vector<16xf32>
      %add3A_1831 = arith.addf %add3A_1827, %get3A_1830 : vector<16xf32>
      %get3A_1832 = arith.constant 2880 : index
      %get3A_1833 = tpu.vector_load %arg8[%get3A_1832] {strides = array<i32>} : memref<3200xf32, #tpu.memory_space<vmem>>, vector<16xf32>,
      %get3A_1834 = vector.shape_cast %get3A_1833 : vector<16xf32> to vector<16xf32>
      %add3A_1835 = arith.addf %add3A_1831, %get3A_1834 : vector<16xf32>
      %get3A_1836 = arith.constant 2896 : index
      %get3A_1837 = tpu.vector_load %arg8[%get3A_1836] {strides = array<i32>} : memref<3200xf32, #tpu.memory_space<vmem>>, vector<16xf32>,
      %get3A_1838 = vector.shape_cast %get3A_1837 : vector<16xf32> to vector<16xf32>
      %add3A_1839 = arith.addf %add3A_1835, %get3A_1838 : vector<16xf32>
      %get3A_1840 = arith.constant 2912 : index
      %get3A_1841 = tpu.vector_load %arg8[%get3A_1840] {strides = array<i32>} : memref<3200xf32, #tpu.memory_space<vmem>>, vector<16xf32>,
      %get3A_1842 = vector.shape_cast %get3A_1841 : vector<16xf32> to vector<16xf32>
      %add3A_1843 = arith.addf %add3A_1839, %get3A_1842 : vector<16xf32>
      %get3A_1844 = arith.constant 2928 : index
      %get3A_1845 = tpu.vector_load %arg8[%get3A_1844] {strides = array<i32>} : memref<3200xf32, #tpu.memory_space<vmem>>, vector<16xf32>,
      %get3A_1846 = vector.shape_cast %get3A_1845 : vector<16xf32> to vector<16xf32>
      %add3A_1847 = arith.addf %add3A_1843, %get3A_1846 : vector<16xf32>
      %get3A_1848 = arith.constant 2944 : index
      %get3A_1849 = tpu.vector_load %arg8[%get3A_1848] {strides = array<i32>} : memref<3200xf32, #tpu.memory_space<vmem>>, vector<16xf32>,
      %get3A_1850 = vector.shape_cast %get3A_1849 : vector<16xf32> to vector<16xf32>
      %add3A_1851 = arith.addf %add3A_1847, %get3A_1850 : vector<16xf32>
      %get3A_1852 = arith.constant 2960 : index
      %get3A_1853 = tpu.vector_load %arg8[%get3A_1852] {strides = array<i32>} : memref<3200xf32, #tpu.memory_space<vmem>>, vector<16xf32>,
      %get3A_1854 = vector.shape_cast %get3A_1853 : vector<16xf32> to vector<16xf32>
      %add3A_1855 = arith.addf %add3A_1851, %get3A_1854 : vector<16xf32>
      %get3A_1856 = arith.constant 2976 : index
      %get3A_1857 = tpu.vector_load %arg8[%get3A_1856] {strides = array<i32>} : memref<3200xf32, #tpu.memory_space<vmem>>, vector<16xf32>,
      %get3A_1858 = vector.shape_cast %get3A_1857 : vector<16xf32> to vector<16xf32>
      %add3A_1859 = arith.addf %add3A_1855, %get3A_1858 : vector<16xf32>
      %get3A_1860 = arith.constant 2992 : index
      %get3A_1861 = tpu.vector_load %arg8[%get3A_1860] {strides = array<i32>} : memref<3200xf32, #tpu.memory_space<vmem>>, vector<16xf32>,
      %get3A_1862 = vector.shape_cast %get3A_1861 : vector<16xf32> to vector<16xf32>
      %add3A_1863 = arith.addf %add3A_1859, %get3A_1862 : vector<16xf32>
      %get3A_1864 = arith.constant 3008 : index
      %get3A_1865 = tpu.vector_load %arg8[%get3A_1864] {strides = array<i32>} : memref<3200xf32, #tpu.memory_space<vmem>>, vector<16xf32>,
      %get3A_1866 = vector.shape_cast %get3A_1865 : vector<16xf32> to vector<16xf32>
      %add3A_1867 = arith.addf %add3A_1863, %get3A_1866 : vector<16xf32>
      %get3A_1868 = arith.constant 3024 : index
      %get3A_1869 = tpu.vector_load %arg8[%get3A_1868] {strides = array<i32>} : memref<3200xf32, #tpu.memory_space<vmem>>, vector<16xf32>,
      %get3A_1870 = vector.shape_cast %get3A_1869 : vector<16xf32> to vector<16xf32>
      %add3A_1871 = arith.addf %add3A_1867, %get3A_1870 : vector<16xf32>
      %get3A_1872 = arith.constant 3040 : index
      %get3A_1873 = tpu.vector_load %arg8[%get3A_1872] {strides = array<i32>} : memref<3200xf32, #tpu.memory_space<vmem>>, vector<16xf32>,
      %get3A_1874 = vector.shape_cast %get3A_1873 : vector<16xf32> to vector<16xf32>
      %add3A_1875 = arith.addf %add3A_1871, %get3A_1874 : vector<16xf32>
      %get3A_1876 = arith.constant 3056 : index
      %get3A_1877 = tpu.vector_load %arg8[%get3A_1876] {strides = array<i32>} : memref<3200xf32, #tpu.memory_space<vmem>>, vector<16xf32>,
      %get3A_1878 = vector.shape_cast %get3A_1877 : vector<16xf32> to vector<16xf32>
      %add3A_1879 = arith.addf %add3A_1875, %get3A_1878 : vector<16xf32>
      %get3A_1880 = arith.constant 3072 : index
      %get3A_1881 = tpu.vector_load %arg8[%get3A_1880] {strides = array<i32>} : memref<3200xf32, #tpu.memory_space<vmem>>, vector<16xf32>,
      %get3A_1882 = vector.shape_cast %get3A_1881 : vector<16xf32> to vector<16xf32>
      %add3A_1883 = arith.addf %add3A_1879, %get3A_1882 : vector<16xf32>
      %get3A_1884 = arith.constant 3088 : index
      %get3A_1885 = tpu.vector_load %arg8[%get3A_1884] {strides = array<i32>} : memref<3200xf32, #tpu.memory_space<vmem>>, vector<16xf32>,
      %get3A_1886 = vector.shape_cast %get3A_1885 : vector<16xf32> to vector<16xf32>
      %add3A_1887 = arith.addf %add3A_1883, %get3A_1886 : vector<16xf32>
      %get3A_1888 = arith.constant 3104 : index
      %get3A_1889 = tpu.vector_load %arg8[%get3A_1888] {strides = array<i32>} : memref<3200xf32, #tpu.memory_space<vmem>>, vector<16xf32>,
      %get3A_1890 = vector.shape_cast %get3A_1889 : vector<16xf32> to vector<16xf32>
      %add3A_1891 = arith.addf %add3A_1887, %get3A_1890 : vector<16xf32>
      %get3A_1892 = arith.constant 3120 : index
      %get3A_1893 = tpu.vector_load %arg8[%get3A_1892] {strides = array<i32>} : memref<3200xf32, #tpu.memory_space<vmem>>, vector<16xf32>,
      %get3A_1894 = vector.shape_cast %get3A_1893 : vector<16xf32> to vector<16xf32>
      %add3A_1895 = arith.addf %add3A_1891, %get3A_1894 : vector<16xf32>
      %get3A_1896 = arith.constant 3136 : index
      %get3A_1897 = tpu.vector_load %arg8[%get3A_1896] {strides = array<i32>} : memref<3200xf32, #tpu.memory_space<vmem>>, vector<16xf32>,
      %get3A_1898 = vector.shape_cast %get3A_1897 : vector<16xf32> to vector<16xf32>
      %add3A_1899 = arith.addf %add3A_1895, %get3A_1898 : vector<16xf32>
      %get3A_1900 = arith.constant 3152 : index
      %get3A_1901 = tpu.vector_load %arg8[%get3A_1900] {strides = array<i32>} : memref<3200xf32, #tpu.memory_space<vmem>>, vector<16xf32>,
      %get3A_1902 = vector.shape_cast %get3A_1901 : vector<16xf32> to vector<16xf32>
      %add3A_1903 = arith.addf %add3A_1899, %get3A_1902 : vector<16xf32>
      %get3A_1904 = arith.constant 3168 : index
      %get3A_1905 = tpu.vector_load %arg8[%get3A_1904] {strides = array<i32>} : memref<3200xf32, #tpu.memory_space<vmem>>, vector<16xf32>,
      %get3A_1906 = vector.shape_cast %get3A_1905 : vector<16xf32> to vector<16xf32>
      %add3A_1907 = arith.addf %add3A_1903, %get3A_1906 : vector<16xf32>
      %get3A_1908 = arith.constant 3184 : index
      %get3A_1909 = tpu.vector_load %arg8[%get3A_1908] {strides = array<i32>} : memref<3200xf32, #tpu.memory_space<vmem>>, vector<16xf32>,
      %get3A_1910 = vector.shape_cast %get3A_1909 : vector<16xf32> to vector<16xf32>
      %add3A_1911 = arith.addf %add3A_1907, %get3A_1910 : vector<16xf32>
      %mul3A_1912 = arith.constant 5.000000e-03 : f32
      %mul3A_1913 = vector.broadcast %mul3A_1912 : f32 to vector<16xf32>
      %mul3A_1914 = arith.mulf %add3A_1911, %mul3A_1913 : vector<16xf32>
      %neg3A_1915 = arith.constant 0.000000e+00 : f32
      %neg3A_1916 = vector.broadcast %neg3A_1915 : f32 to vector<16xf32>
      %neg3A_1917 = arith.subf %neg3A_1916, %mul3A_1914 : vector<16xf32>
      %exp3A_1918 = math.exp %neg3A_1917 : vector<16xf32>
      %add3A_1919 = arith.constant 1.000000e+00 : f32
      %add3A_1920 = vector.broadcast %add3A_1919 : f32 to vector<16xf32>
      %add3A_1921 = arith.addf %add3A_1920, %exp3A_1918 : vector<16xf32>
      %div3A_1922 = arith.constant 1.000000e+00 : f32
      %div3A_1923 = vector.broadcast %div3A_1922 : f32 to vector<16xf32>
      %div3A_1924 = arith.divf %div3A_1923, %add3A_1921 : vector<16xf32>
      %mul3A_1925 = arith.constant 1.000000e+02 : f32
      %mul3A_1926 = vector.broadcast %mul3A_1925 : f32 to vector<16xf32>
      %mul3A_1927 = arith.mulf %div3A_1924, %mul3A_1926 : vector<16xf32>
      %add3A_1928 = arith.constant 5.000000e-01 : f32
      %add3A_1929 = vector.broadcast %add3A_1928 : f32 to vector<16xf32>
      %add3A_1930 = arith.addf %mul3A_1927, %add3A_1929 : vector<16xf32>
      %convert_element_type3A_1931 = arith.fptosi %add3A_1930 : vector<16xf32> to vector<16xi32>
      %convert_element_type3A_1932 = arith.sitofp %convert_element_type3A_1931 : vector<16xi32> to vector<16xf32>
      %div3A_1933 = arith.constant 1.000000e+02 : f32
      %div3A_1934 = vector.broadcast %div3A_1933 : f32 to vector<16xf32>
      %div3A_1935 = arith.divf %convert_element_type3A_1932, %div3A_1934 : vector<16xf32>
      %mul3A_1936 = arith.constant 16 : i32
      %mul3A_1937 = arith.muli %add3A_1094, %mul3A_1936 : i32
      %swap3A_1938 = arith.index_cast %mul3A_1937 : i32 to index
      %swap3A_1939 = tpu.vector_load %arg10[%swap3A_1938] {strides = array<i32>} : memref<512xf32, #tpu.memory_space<vmem>>, vector<16xf32>,
      %swap3A_1940 = vector.shape_cast %swap3A_1939 : vector<16xf32> to vector<16xf32>
      %swap3A_1941 = vector.shape_cast %div3A_1935 : vector<16xf32> to vector<16xf32>
      tpu.vector_store %arg10[%swap3A_1938], %swap3A_1941 {strides = array<i32>} : memref<512xf32, #tpu.memory_space<vmem>>, vector<16xf32>,
      %add3A_1942 = arith.constant 2 : i32
      %add3A_1943 = arith.addi %add3A_1094, %add3A_1942 : i32
      %lt3A_1944 = arith.constant 32 : i32
      %lt3A_1945 = arith.cmpi slt, %add3A_1943, %lt3A_1944 : i32
      %convert_element_type3A_1946 = arith.extui %lt3A_1945 : i1 to i32
      %cond3A_1947 = arith.constant 0 : i32
      %cond3A_1948 = arith.cmpi ne, %convert_element_type3A_1946, %cond3A_1947 : i32
      scf.if %cond3A_1948 {
        %add3A_1949 = arith.constant 2 : i32
        %add3A_1950 = arith.addi %add3A_1094, %add3A_1949 : i32
        %add3A_1951 = arith.addi %mul3A_2, %add3A_1950 : i32
        %dma_start3A_1952 = arith.constant 0 : i32
        %dma_start3A_1953 = arith.constant 0 : i32
        %dma_start3A_1954 = tpu.memref_slice %arg2[%add3A_1951, %dma_start3A_1952, %dma_start3A_1953] : memref<1024x25x128xi32, #tpu.memory_space<hbm>> -> memref<1x25x128xi32, #tpu.memory_space<hbm>>
        %dma_start3A_1955 = tpu.memref_squeeze %dma_start3A_1954 : memref<1x25x128xi32, #tpu.memory_space<hbm>> -> memref<25x128xi32, #tpu.memory_space<hbm>>
        %dma_start3A_1956 = arith.constant 0 : i32
        %dma_start3A_1957 = arith.constant 0 : i32
        %dma_start3A_1958 = tpu.memref_slice %arg2[%add3A_1951, %dma_start3A_1956, %dma_start3A_1957] : memref<1024x25x128xi32, #tpu.memory_space<hbm>> -> memref<1x25x128xi32, #tpu.memory_space<hbm>>
        %dma_start3A_1959 = tpu.memref_squeeze %dma_start3A_1958 : memref<1x25x128xi32, #tpu.memory_space<hbm>> -> memref<25x128xi32, #tpu.memory_space<hbm>>
        tpu.enqueue_dma source(%dma_start3A_1959 : memref<25x128xi32, #tpu.memory_space<hbm>>) target(%arg6 : memref<25x128xi32, #tpu.memory_space<vmem>>) target_semaphore(%arg12 : memref<!tpu.dma_semaphore, #tpu.memory_space<semaphore_mem>>)
      } else {
      }
    }
    %scan3A_236 = arith.constant 16 : i32
    %mul3A_237 = arith.constant 16 : i32
    %mul3A_238 = arith.muli %mul3A_2, %mul3A_237 : i32
    "tpu.region"() ({
      %run_scoped3A = tpu.sem_alloc : memref<!tpu.dma_semaphore, #tpu.memory_space<semaphore_mem>>
      %dma_start3A_239 = tpu.memref_slice %arg4[%mul3A_238] : memref<16384xf32, #tpu.memory_space<hbm>> -> memref<512xf32, #tpu.memory_space<hbm>>
      %dma_start3A_240 = tpu.memref_slice %arg4[%mul3A_238] : memref<16384xf32, #tpu.memory_space<hbm>> -> memref<512xf32, #tpu.memory_space<hbm>>
      tpu.enqueue_dma source(%arg10 : memref<512xf32, #tpu.memory_space<vmem>>) target(%dma_start3A_240 : memref<512xf32, #tpu.memory_space<hbm>>) target_semaphore(%run_scoped3A : memref<!tpu.dma_semaphore, #tpu.memory_space<semaphore_mem>>)
      %dma_wait3A_241 = tpu.memref_slice %arg4[%mul3A_238] : memref<16384xf32, #tpu.memory_space<hbm>> -> memref<512xf32, #tpu.memory_space<hbm>>
      %dma_wait3A_242 = tpu.memref_slice %arg4[%mul3A_238] : memref<16384xf32, #tpu.memory_space<hbm>> -> memref<512xf32, #tpu.memory_space<hbm>>
      tpu.wait_dma2 semaphore(%run_scoped3A : memref<!tpu.dma_semaphore, #tpu.memory_space<semaphore_mem>>) src(%arg10 : memref<512xf32, #tpu.memory_space<vmem>>) dst(%dma_wait3A_242 : memref<512xf32, #tpu.memory_space<hbm>>)
      tpu.yield
    }) : () -> ()
    return
  }
}

module attributes {stable_mosaic.version = 14 : i64} {
  func.func @_score_body(%arg0: i32, %arg1: memref<5000x128xf32, #tpu.memory_space<vmem>>, %arg2: memref<128x8xf32, #tpu.memory_space<vmem>>, %arg3: memref<1x1xf32, #tpu.memory_space<smem>>, %arg4: memref<5000x8xf32, #tpu.memory_space<vmem>>) attributes {dimension_semantics = [#tpu.dimension_semantics<arbitrary>], iteration_bounds = array<i64: 25>, scalar_prefetch = 0 : i64, scratch_operands = 0 : i64, tpu.core_type = #tpu.core_type<tc>, window_params = [{transform_indices = @transform_0, window_bounds = array<i64: 5000, 128>}, {pipeline_mode = #tpu.pipeline_mode<synchronous>, transform_indices = @transform_1, window_bounds = array<i64: 128, 8>}, {transform_indices = @transform_2, window_bounds = array<i64: 1, 1>}, {transform_indices = @transform_3, window_bounds = array<i64: 5000, 8>}]} {
    %get3A = arith.constant 0 : index
    %get3A_0 = arith.constant 0 : index
    %get3A_1 = vector.load %arg1[%get3A, %get3A_0] : memref<5000x128xf32, #tpu.memory_space<vmem>>, vector<5000x128xf32>
    %get3A_2 = arith.constant 0 : index
    %get3A_3 = arith.constant 0 : index
    %get3A_4 = vector.load %arg2[%get3A_2, %get3A_3] : memref<128x8xf32, #tpu.memory_space<vmem>>, vector<128x8xf32>
    %dot_general3A = arith.constant dense<0.000000e+00> : vector<5000x8xf32>
    %dot_general3A_5 = tpu.matmul %get3A_1, %get3A_4, %dot_general3A {dimension_numbers = #tpu.dot_dimension_numbers<[1], [0], [0], [1], [0, 0, 1, 1], [], []>, transpose_lhs_hint = false} : vector<5000x128xf32>, vector<128x8xf32>, vector<5000x8xf32> -> vector<5000x8xf32>
    %get3A_6 = arith.constant 0 : index
    %get3A_7 = arith.constant 0 : index
    %get3A_8 = memref.load %arg3[%get3A_6, %get3A_7] : memref<1x1xf32, #tpu.memory_space<smem>>
    %add3A = vector.broadcast %get3A_8 : f32 to vector<5000x8xf32>
    %add3A_9 = arith.addf %dot_general3A_5, %add3A : vector<5000x8xf32>
    %swap3A = arith.constant 0 : index
    %swap3A_10 = arith.constant 0 : index
    %swap3A_11 = vector.load %arg4[%swap3A, %swap3A_10] : memref<5000x8xf32, #tpu.memory_space<vmem>>, vector<5000x8xf32>
    tpu.vector_store %arg4[%swap3A, %swap3A_10], %add3A_9 {strides = array<i32>} : memref<5000x8xf32, #tpu.memory_space<vmem>>, vector<5000x8xf32>,
    return
  }
  func.func @transform_0(%arg0: i32) -> (i32, i32) {
    %c0_i32 = arith.constant 0 : i32
    %c0_i32_0 = arith.constant 0 : i32
    return %arg0, %c0_i32 : i32, i32
  }
  func.func @transform_1(%arg0: i32) -> (i32, i32) {
    %c0_i32 = arith.constant 0 : i32
    %c0_i32_0 = arith.constant 0 : i32
    %c0_i32_1 = arith.constant 0 : i32
    return %c0_i32, %c0_i32_0 : i32, i32
  }
  func.func @transform_2(%arg0: i32) -> (i32, i32) {
    %c0_i32 = arith.constant 0 : i32
    %c0_i32_0 = arith.constant 0 : i32
    %c0_i32_1 = arith.constant 0 : i32
    return %c0_i32, %c0_i32_0 : i32, i32
  }
  func.func @transform_3(%arg0: i32) -> (i32, i32) {
    %c0_i32 = arith.constant 0 : i32
    %c0_i32_0 = arith.constant 0 : i32
    return %arg0, %c0_i32 : i32, i32
  }
}

</mosaic_0001>

<sc_bundles>
// kernel: kernel.4.cloned.1.call-start
scs
__scs_entry_jumppad:
0x0: {  	(pc) =	sbr.rel $0x88, $3  }
0x1: {  	(tag) =	ssettag $0x0;
	lr =	simm.s32 $0x1  }
0x2: {  	[smem:$0x3F9D] =	sst lr;
	_ =	strace $0xD0000000  }
0x3: {  	_ = 	snop  }
0x4: {  	_ = 	snop  }
0x5: {  	_ = 	snop  }
0x6: {  	_ = 	snop  }
0x7: {  	_ = 	snop  }
__scs_overlays_trampoline_lowered:
0x8: {  	[smem:$0x3FAC] =	sst s0  }
0x9: {  	[smem:$0x3FAD] =	sst s1  }
0xa: {  	[smem:$0x3FAE] =	sst s2  }
0xb: {  	[smem:$0x3FAF] =	sst s3  }
0xc: {  	[smem:$0x3FB0] =	sst s4  }
0xd: {  	[smem:$0x3FB1] =	sst s5  }
0xe: {  	[smem:$0x3FB2] =	sst s6  }
0xf: {  	[smem:$0x3FB3] =	sst s7  }
0x10: {  	[smem:$0x3FB4] =	sst s8  }
0x11: {  	[smem:$0x3FB5] =	sst s9;
	s0 =	simm.s32 @!p0 $0x0  }
0x12: {  	s1 =	sld [smem:$0x3F9B];
	s0 =	simm.s32 @p0 $0x1  }
0x13: {  	[smem:$0x3FB6] =	sst s0;
	s0 =	simm.s32 @!p1 $0x0  }
0x14: {  	s2 =	sld [smem:$0x3F9A];
	s0 =	simm.s32 @p1 $0x1  }
0x15: {  	[smem:$0x3FB7] =	sst s0;
	s0 =	simm.s32 @!p2 $0x0  }
0x16: {  	s3 =	sld [smem:$0x3FDB];
	s0 =	simm.s32 @p2 $0x1  }
0x17: {  	s4 =	simm.s32 $0x1BF5;
	[smem:$0x3FB9] =	sst s0  }
0x18: {  	s0 =	sld [smem:$0x3F9C];
	_ =	swait.ge [sflag:s4], $0x0  }
0x19: {  	s7 =	sld [smem:$0x3F9D]  }
0x1a: {  	s8 =	sadd.s32 $0xFFFFE003, lr  }
0x1b: {  	s9 =	sadd.s32 $0xFFFFFEF7, lr;
	s5 =	simm.s32 $0xFFFFFFFF;
	p2 =	slt.u32 s8, $0xFFFFF086  }
0x1c: {  	p1 =	slt.u32 s9, $0xF7A;
	s5 =	simm.s32 @!p2 $0x0  }
0x1d: {  	s5 =	simm.s32 @p1 $0x1;
	p0 =	seq.s32 s7, s2  }
0x1e: {  	s7 =	smul.u32 @!p0 $0xF7A, s2;
	p2 =	seq.s32 @!p0 s5, $0x0  }
0x1f: {  	s9 =	smul.u32 $0xF7A, s1;
	s8 =	simm.s32 @!p0 $0x1BF5;
	p2 =	por !p2, p0  }
0x20: {  	[sflag:s8] =	ssyncset.s32 @!p0 $0xFFFFF086;
	s6 =	sadd.s32 @!p0 s3, s7;
	s7 =	simm.s32 @!p0 $0x108  }
0x21: {  	s3 =	sadd.s32 s3, s9;
	s6 =	sadd.s32 @!p0 $0x88, s6;
	s7 =	simm.s32 @p2 $0x1082  }
0x22: {  	[simem:s7], [sflag:s8] =	dma.local @!p0 [hbm:s6], $0xF7A  }
0x23: {  	s9 =	sor.u32 $0xD0000000, s2;
	s6 =	simm.s32 $0x108;
	_ =	swait.ge @!p0 [sflag:s8], $0x0  }
0x24: {  	s3 =	sadd.s32 $0x88, s3;
	s6 =	simm.s32 @!p1 $0x1082;
	[sflag:s4] =	ssyncset.s32 $0xFFFFF086  }
0x25: {  	[simem:s6], [sflag:s4] =	dma.local [hbm:s3], $0xF7A  }
0x26: {  	[smem:$0x3F9D] =	sst s1;
	(tag) =	ssettag s2;
	_ =	strace s9  }
0x27: {  	s1 =	sld [smem:$0x3FAD]  }
0x28: {  	s2 =	sld [smem:$0x3FAE]  }
0x29: {  	s4 =	sld [smem:$0x3FB0]  }
0x2a: {  	p0 =	seq.s32 s5, $0x0;
	s5 =	sld [smem:$0x3FB1]  }
0x2b: {  	s6 =	sld [smem:$0x3FB2]  }
0x2c: {  	s7 =	sld [smem:$0x3FB3]  }
0x2d: {  	s3 =	simm.s32 $0x108;
	s8 =	sld [smem:$0x3FB4]  }
0x2e: {  	s3 =	simm.s32 @!p0 $0x1082;
	s9 =	sld [smem:$0x3FB5]  }
0x2f: {  	lr =	sadd.s32 s0, s3;
	s0 =	sld [smem:$0x3FAC]  }
0x30: {  	s3 =	sld [smem:$0x3FAF]  }
0x31: {  	[smem:$0x3FB8] =	sst s10  }
0x32: {  	s10 =	sld [smem:$0x3FB6];
	_ =	sdelay $0x3  }
0x33: {  	p0 =	seq.s32 s10, $0x1;
	s10 =	sld [smem:$0x3FB8];
	_ =	sdelay $0x3  }
0x34: {  	[smem:$0x3FB8] =	sst s10  }
0x35: {  	s10 =	sld [smem:$0x3FB7];
	_ =	sdelay $0x3  }
0x36: {  	p1 =	seq.s32 s10, $0x1;
	s10 =	sld [smem:$0x3FB8];
	_ =	sdelay $0x3  }
0x37: {  	[smem:$0x3FB8] =	sst s10  }
0x38: {  	s10 =	sld [smem:$0x3FB9]  }
0x39: {  	_ = 	snop;
	(pc) =	sbr.ind lr, $3  }
0x3a: {  	_ = 	snop  }
0x3b: {  	_ = 	snop  }
0x3c: {  	p2 =	seq.s32 s10, $0x1;
	s10 =	sld [smem:$0x3FB8]  }
0x3d: {  	_ =	shalt  }
0x3e: {  	_ =	shalt  }
0x3f: {  	_ =	shalt  }
0x40: {  	_ =	shalt  }
0x41: {  	_ =	shalt  }
0x42: {  	_ =	shalt  }
0x43: {  	_ =	shalt  }
0x44: {  	_ =	shalt  }
0x45: {  	_ =	shalt  }
0x46: {  	_ =	shalt  }
0x47: {  	_ =	shalt  }
0x48: {  	_ =	shalt  }
0x49: {  	_ =	shalt  }
0x4a: {  	_ =	shalt  }
0x4b: {  	_ =	shalt  }
0x4c: {  	_ =	shalt  }
0x4d: {  	_ =	shalt  }
0x4e: {  	_ =	shalt  }
0x4f: {  	_ =	shalt  }
0x50: {  	_ =	shalt  }
0x51: {  	_ =	shalt  }
0x52: {  	_ =	shalt  }
0x53: {  	_ =	shalt  }
0x54: {  	_ =	shalt  }
0x55: {  	_ =	shalt  }
0x56: {  	_ =	shalt  }
0x57: {  	_ =	shalt  }
0x58: {  	_ =	shalt  }
0x59: {  	_ =	shalt  }
0x5a: {  	_ =	shalt  }
0x5b: {  	_ =	shalt  }
0x5c: {  	_ =	shalt  }
0x5d: {  	_ =	shalt  }
0x5e: {  	_ =	shalt  }
0x5f: {  	_ =	shalt  }
0x60: {  	_ =	shalt  }
0x61: {  	_ =	shalt  }
0x62: {  	_ =	shalt  }
0x63: {  	_ =	shalt  }
0x64: {  	_ =	shalt  }
0x65: {  	_ =	shalt  }
0x66: {  	_ =	shalt  }
0x67: {  	_ =	shalt  }
0x68: {  	_ =	shalt  }
0x69: {  	_ =	shalt  }
0x6a: {  	_ =	shalt  }
0x6b: {  	_ =	shalt  }
0x6c: {  	_ =	shalt  }
0x6d: {  	_ =	shalt  }
0x6e: {  	_ =	shalt  }
0x6f: {  	_ =	shalt  }
0x70: {  	_ =	shalt  }
0x71: {  	_ =	shalt  }
0x72: {  	_ =	shalt  }
0x73: {  	_ =	shalt  }
0x74: {  	_ =	shalt  }
0x75: {  	_ =	shalt  }
0x76: {  	_ =	shalt  }
0x77: {  	_ =	shalt  }
0x78: {  	_ =	shalt  }
0x79: {  	_ =	shalt  }
0x7a: {  	_ =	shalt  }
0x7b: {  	_ =	shalt  }
0x7c: {  	_ =	shalt  }
0x7d: {  	_ =	shalt  }
0x7e: {  	_ =	shalt  }
0x7f: {  	_ =	shalt  }
0x80: {  	_ =	shalt  }
0x81: {  	_ =	shalt  }
0x82: {  	_ =	shalt  }
0x83: {  	_ =	shalt  }
0x84: {  	_ =	shalt  }
0x85: {  	_ =	shalt  }
0x86: {  	_ =	shalt  }
0x87: {  	_ =	shalt  }
.Lfunc_end0:
.L_simem_size_0:
called_computation_lowered:
.L_overlay_start_0:
0x88: {  	s2 =	sld [smem:$0x3FD9]  }
0x89: {  	s3 =	sld [smem:$0x3FFE];
	_ =	sdelay $0x1  }
0x8a: {  	s1 =	srdreg.scid  }
0x8b: {  	s0 =	sand.u32 $0x1, s1  }
0x8c: {  	s17 =	sshll.u32 s0, $0xA;
	s2 =	sadd.s32 s3, s2  }
0x8d: {  	s2 =	sadd.s32 s2, s17  }
0x8e: {  	[smem:$0x3FC4] =	sst s2  }
0x8f: {  	_ = 	snop  }
0x90: {  	s2 =	sld [smem:$0x3FD0];
	(tm) =	ssettm $0x1  }
0x91: {  	s18 =	sld [smem:$0x3FFB];
	_ =	sdelay $0x3  }
0x92: {  	_ =	strace s18  }
0x93: {  	s3 =	sld [smem:$0x3FFC];
	_ =	sdelay $0x3  }
0x94: {  	_ =	strace s3  }
0x95: {  	s3 =	sld [smem:$0x3FFD];
	_ =	sdelay $0x3  }
0x96: {  	_ =	strace s3  }
0x97: {  	_ =	strace $0x8FFFFFFF  }
0x98: {  	s19 =	sld [smem:$0x3FDB];
	_ =	sdelay $0x1  }
0x99: {  	s4 =	simm.s32 $_scs_section_size  }
0x9a: {  	s5 =	simm.s32 $_size__tile_overlayer_lowered;
	s6 =	simm.s32 $_tile_overlayer_lowered  }
0x9b: {  	s22 =	simm.s32 $0x1BFF;
	s21 =	sshll.u32 s6, $0x1;
	s3 =	sadd.s32 s4, s19  }
0x9c: {  	s7 =	simm.s32 $0x0;
	s20 =	sshll.u32 s5, $0x1;
	s5 =	sadd.s32 s21, s3  }
0x9d: {  	[timem:s7], [sflag:s22] =	dma.local [hbm:s5], s20  }
0x9e: {  	_ =	swait.ge [sflag:s22], s20  }
0x9f: {  	s4 =	ssub.s32 $0x0, s20;
	[sflag:s22] =	ssyncset.done $0x0  }
0xa0: {  	[sflag:s22] =	ssyncadd.s32 s4;
	_ =	sdelay $0x1  }
0xa1: {  	s23 =	simm.s32 $0x1B8B  }
0xa2: {  	_ =	swait.ge [sflag:s23], $0x1  }
0xa3: {  	[sflag:s23] =	ssyncset.done $0x0  }
0xa4: {  	s25 =	simm.s32 $0x1B8E;
	s24 =	sld [smem:$0x3FFE];
	[sflag:s23] =	ssyncadd.s32 $0xFFFFFFFF  }
0xa5: {  	s26 =	simm.s32 $execute0_lowered;
	[smem:$0x3FD2] =	sst s25  }
0xa6: {  	s5 =	sshll.u32 s26, $0x1;
	_ =	strace $0x80000046;
	[dreg:$0x1] =	wrdreg $0xFFFFFFFF  }
0xa7: {  	s28 =	simm.s32 $_size_execute0_lowered;
	s3 =	sadd.s32 s3, s5;
	[dreg:$0x0] =	wrdreg $0x0  }
0xa8: {  	s5 =	sshll.u32 s28, $0x1;
	[dreg:$0x2] =	wrdreg s3  }
0xa9: {  	[dreg:$0x3] =	wrdreg s5  }
0xaa: {  	[dreg:$0x4] =	wrdreg $0xC0  }
0xab: {  	_ =	task [dreg:s7], $0x5FFFF  }
0xac: {  	[dreg:$0x1] =	wrdreg $0xFFFFFFFF  }
0xad: {  	[dreg:$0x0] =	wrdreg $0x60  }
0xae: {  	[dreg:$0x2] =	wrdreg s24  }
0xaf: {  	[dreg:$0x3] =	wrdreg s2  }
0xb0: {  	[dreg:$0x4] =	wrdreg $0x39000  }
0xb1: {  	[dreg:$0x5] =	wrdreg $0x9  }
0xb2: {  	_ =	task.clear_ibuf [dreg:s7], $0x6FFFF;
	_ =	strace $0x90000046  }
0xb3: {  	s29 =	simm.s32 $0x9;
	_ =	strace $0x80000048  }
0xb4: {  	_ =	swait.ge [sflag:s29], $0x1  }
0xb5: {  	[sflag:s29] =	ssyncadd.s32 $0xFFFFFFFF  }
0xb6: {  	_ =	strace $0x90000048  }
0xb7: {  	_ =	sfence  }
0xb8: {  	s30 =	sld [smem:$0x0];
	_ =	sdelay $0x2  }
0xb9: {  	s31 =	sshll.u32 s1, $0xD;
	s1 =	sshrl.u32 s1, $0x2  }
0xba: {  	s3 =	sand.u32 $0x4000, s31;
	s1 =	sadd.s32 s1, s30  }
0xbb: {  	s0 =	sor.u32 s3, s0;
	s1 =	sshll.u32 s1, $0x11  }
0xbc: {  	s0 =	sor.u32 s1, s0  }
0xbd: {  	s0 =	sadd.s32 $0x8F2B, s0  }
0xbe: {  	[sflag:s0] =	ssyncadd.remote.s32 $0x1  }
0xbf: {  	_ =	sfence.sel $0xFFFF  }
0xc0: {  	[dreg:$0x0] =	wrdreg $0xFFFFFFFF;
	(pc) =	sbr.abs _section_cstart, $3  }
0xc1: {  	[dreg:$0x1] =	wrdreg $0xFFFFFFFF  }
0xc2: {  	_ =	task.clear_ibuf [dreg:s7], $0x2FFFF;
	_ =	strace $0x9FFFFFFF  }
0xc3: {  	(tm) =	ssettm $0x7FFFFFFF  }
tec
execute0_lowered:
.L_overlay_start_1:
0x0: {  	(tag) =	ssettag $0x1  }
0x1: {  	s0 =	rddreg [dreg:$0x0]  }
0x2: {  	s3 =	rddreg [dreg:$0x1]  }
0x3: {  	s1 =	rddreg [dreg:$0x2]  }
0x4: {  	s2 =	simm.s32 $0x0;
	s4 =	srdreg.scid;
	s5 =	stileid.u32  }
0x5: {  	s11 =	simm.s32 $0x1000;
	s12 =	simm.s32 $0x1;
	s13 =	simm.s32 $0x80  }
0x6: {  	s14 =	simm.s32 $0x2;
	s28 =	simm.s32 $0x3580;
	s29 =	simm.s32 $0x1980  }
0x7: {  	s30 =	simm.s32 $0x3600;
	s31 =	simm.s32 $0x1A00;
	s10 =	simm.s32 $0x1B80  }
0x8: {  	s15 =	simm.s32 $0x3880;
	s16 =	simm.s32 $0x3;
	s17 =	simm.s32 $0x4  }
0x9: {  	s20 =	simm.s32 $0x0;
	[smem:$0x7FF] =	sst s2;
	s4 =	sand.u32 $0x1, s4  }
0xa: {  	s7 =	sadd.s32 $0x1800, s0;
	s9 =	sshll.u32 s5, $0x1;
	s0 =	sadd.s32 $0x1EA000, s0  }
0xb: {  	s24 =	sshll.u32 s5, $0xF;
	p0 =	sne.s32 s5, $0x0;
	s5 =	simm.s32 $0x3700  }
0xc: {  	_ =	strace $0x80000047;
	s6 =	ssub.s32 $0x2, s4;
	[dreg:$0x4] =	wrdreg s0  }
0xd: {  	v0 =	vimm.f32 $1.000000000e+02;
	s22 =	sor.u32 s4, s9;
	s4 =	sshll.u32 s4, $0xE;
	s9 =	simm.s32 $0x1C00  }
0xe: {  	s8 =	sshrl.u32 s6, $0x1;
	s23 =	sshll.u32 s22, $0xE;
	s4 =	sor.u32 s4, s24;
	(erf) = vrcp.f32 v0  }
0xf: {  	s24 =	simm.s32 $0x1880;
	s21 =	ssub.s32 s6, s8;
	s8 =	sadd.s32 s7, s23  }
0x10: {  	s6 =	sshll.u32 s22, $0x6;
	s25 =	sadd.s32 s4, s7;
	s23 =	simm.s32 $0x3480  }
0x11: {  	s7 =	simm.s32 $0x3780;
	[dreg:$0x5] =	wrdreg s8;
	s8 =	sadd.s32 $0x200, s8  }
0x12: {  	s4 =	simm.s32 $0x3800;
	s3 =	sadd.s32 s3, s6;
	[dreg:$0x6] =	wrdreg s8  }
.Ltmp0:
0x13: {  	s0 =	smax.u32 s21, $0x1;
	[dreg:$0x7] =	wrdreg s3;
	(pc) =	sbr.rel .LBB2_1-.Ltmp0, $4  }
0x14: {  	s26 =	sadd.s32 $0x400, s25;
	s21 =	simm.s32 $0x2C80;
	[dreg:$0x8] =	wrdreg s0  }
0x15: {  	s6 =	simm.s32 $0x1B00;
	s8 =	sadd.s32 $0x600, s25;
	[dreg:$0x9] =	wrdreg s26  }
0x16: {  	s0 =	sshrl.u32 @!p0 s1, $0x3;
	s25 =	simm.s32 $0x3500;
	s26 =	simm.s32 $0x1900  }
0x17: {  	s3 =	simm.s32 $0x1A80;
	[dreg:$0xa] =	wrdreg s0;
	s0 =	simm.s32 $0x3680;
	v0 =	vpop (erf)  }
.LBB2_6:
0x18: {  	s18 =	rddreg [dreg:$0x7];
	s19 =	simm.s32 $0x12D28  }
0x19: {  	[hbm4b:s18+s2] =	stream.linear.scatter [tilespmem:s19], [sflag:$0x5], $0x200, $0x38;
	[tilespmem:$0x12F28] =	vst v63  }
0x1a: {  	s19 =	simm.s32 $0x5  }
0x1b: {  	_ =	swait.ge [sflag:s19], $0x200  }
0x1c: {  	s20 =	rddreg [dreg:$0xb]  }
0x1d: {  	s22 =	rddreg [dreg:$0x8];
	s20 =	sadd.s32 $0x1, s20  }
0x1e: {  	p1 =	sne.s32 s20, s22  }
.Ltmp1:
0x1f: {  	_ = 	snop;
	(pc) =	sbr.rel @!p1 .LBB2_7-.Ltmp1, $3  }
0x20: {  	_ =	sdelay $0x1  }
0x21: {  	[sflag:s19] =	ssyncset.done $0x0  }
0x22: {  	[sflag:s19] =	ssyncadd.s32 $0xFFFFFE00  }
.LBB2_1:
0x23: {  	[dreg:$0xb] =	wrdreg s20  }
0x24: {  	s19 =	rddreg [dreg:$0x4]  }
0x25: {  	s18 =	simm.s32 @!p0 $0x1C05;
	s20 =	rddreg [dreg:$0xa]  }
0x26: {  	[spmem:s20], [sflag:s18] =	dma.local @!p0 [hbm:s19], $0x1E850  }
0x27: {  	s18 =	simm.s32 @!p0 $0x5  }
0x28: {  	_ =	swait.ge @!p0 [sflag:s18], $0x1E850  }
0x29: {  	[sflag:s18] =	ssyncset.done @!p0 $0x0  }
0x2a: {  	[sflag:s18] =	ssyncadd.s32 @!p0 $0xFFFE17B0  }
0x2b: {  	[bflag:$0x0] =	sbarrier.arrive $0xFFFF  }
0x2c: {  	s19 =	rddreg [dreg:$0x5]  }
0x2d: {  	[tilespmem:s2], [sflag:$0x1] =	stream.linear.gather [hbm4b:s19+s2], $0xC80, $0x38;
	[tilespmem:$0x12F28] =	vst v63  }
0x2e: {  	s20 =	rddreg [dreg:$0x6]  }
0x2f: {  	[tilespmem:s11], [sflag:$0x2] =	stream.linear.gather [hbm4b:s20+s2], $0xC80, $0x38;
	[tilespmem:$0x12F28] =	vst v63  }
0x30: {  	_ =	swait.ge [sflag:s12], $0xC80  }
0x31: {  	[sflag:s12] =	ssyncset.done $0x0  }
0x32: {  	s22 =	simm.s32 $0x2000;
	[sflag:s12] =	ssyncadd.s32 $0xFFFFF380  }
0x33: {  	[tilespmem:s22], [sflag:$0x3] =	stream.indirect.gather [spmem:s1], $0x1, s2, s13, $0xb8;
	[tilespmem:$0x12F28] =	vst v63  }
0x34: {  	s19 =	simm.s32 $0x2080  }
0x35: {  	[tilespmem:s19], [sflag:$0x3] =	stream.indirect.gather [spmem:s1], $0x1, s13, s13, $0xb8;
	[tilespmem:$0x12F28] =	vst v63  }
0x36: {  	s20 =	simm.s32 $0x100;
	s22 =	simm.s32 $0x2100  }
0x37: {  	[tilespmem:s22], [sflag:$0x3] =	stream.indirect.gather [spmem:s1], $0x1, s20, s13, $0xb8;
	[tilespmem:$0x12F28] =	vst v63  }
0x38: {  	s20 =	simm.s32 $0x180;
	s22 =	simm.s32 $0x2180  }
0x39: {  	[tilespmem:s22], [sflag:$0x3] =	stream.indirect.gather [spmem:s1], $0x1, s20, s13, $0xb8;
	[tilespmem:$0x12F28] =	vst v63  }
0x3a: {  	s20 =	simm.s32 $0x200;
	s22 =	simm.s32 $0x2200  }
0x3b: {  	[tilespmem:s22], [sflag:$0x3] =	stream.indirect.gather [spmem:s1], $0x1, s20, s13, $0xb8;
	[tilespmem:$0x12F28] =	vst v63  }
0x3c: {  	s20 =	simm.s32 $0x280;
	s22 =	simm.s32 $0x2280  }
0x3d: {  	[tilespmem:s22], [sflag:$0x3] =	stream.indirect.gather [spmem:s1], $0x1, s20, s13, $0xb8;
	[tilespmem:$0x12F28] =	vst v63  }
0x3e: {  	s20 =	simm.s32 $0x300;
	s22 =	simm.s32 $0x2300  }
0x3f: {  	[tilespmem:s22], [sflag:$0x3] =	stream.indirect.gather [spmem:s1], $0x1, s20, s13, $0xb8;
	[tilespmem:$0x12F28] =	vst v63  }
0x40: {  	s20 =	simm.s32 $0x380;
	s22 =	simm.s32 $0x2380  }
0x41: {  	[tilespmem:s22], [sflag:$0x3] =	stream.indirect.gather [spmem:s1], $0x1, s20, s13, $0xb8;
	[tilespmem:$0x12F28] =	vst v63  }
0x42: {  	s20 =	simm.s32 $0x400;
	s22 =	simm.s32 $0x2400  }
0x43: {  	[tilespmem:s22], [sflag:$0x3] =	stream.indirect.gather [spmem:s1], $0x1, s20, s13, $0xb8;
	[tilespmem:$0x12F28] =	vst v63  }
0x44: {  	s20 =	simm.s32 $0x480;
	s22 =	simm.s32 $0x2480  }
0x45: {  	[tilespmem:s22], [sflag:$0x3] =	stream.indirect.gather [spmem:s1], $0x1, s20, s13, $0xb8;
	[tilespmem:$0x12F28] =	vst v63  }
0x46: {  	s20 =	simm.s32 $0x500;
	s22 =	simm.s32 $0x2500  }
0x47: {  	[tilespmem:s22], [sflag:$0x3] =	stream.indirect.gather [spmem:s1], $0x1, s20, s13, $0xb8;
	[tilespmem:$0x12F28] =	vst v63  }
0x48: {  	s20 =	simm.s32 $0x580;
	s22 =	simm.s32 $0x2580  }
0x49: {  	[tilespmem:s22], [sflag:$0x3] =	stream.indirect.gather [spmem:s1], $0x1, s20, s13, $0xb8;
	[tilespmem:$0x12F28] =	vst v63  }
0x4a: {  	s20 =	simm.s32 $0x600;
	s22 =	simm.s32 $0x2600  }
0x4b: {  	[tilespmem:s22], [sflag:$0x3] =	stream.indirect.gather [spmem:s1], $0x1, s20, s13, $0xb8;
	[tilespmem:$0x12F28] =	vst v63  }
0x4c: {  	s20 =	simm.s32 $0x680;
	s22 =	simm.s32 $0x2680  }
0x4d: {  	[tilespmem:s22], [sflag:$0x3] =	stream.indirect.gather [spmem:s1], $0x1, s20, s13, $0xb8;
	[tilespmem:$0x12F28] =	vst v63  }
0x4e: {  	s20 =	simm.s32 $0x700;
	s22 =	simm.s32 $0x2700  }
0x4f: {  	[tilespmem:s22], [sflag:$0x3] =	stream.indirect.gather [spmem:s1], $0x1, s20, s13, $0xb8;
	[tilespmem:$0x12F28] =	vst v63  }
0x50: {  	s20 =	simm.s32 $0x780;
	s22 =	simm.s32 $0x2780  }
0x51: {  	[tilespmem:s22], [sflag:$0x3] =	stream.indirect.gather [spmem:s1], $0x1, s20, s13, $0xb8;
	[tilespmem:$0x12F28] =	vst v63  }
0x52: {  	s20 =	simm.s32 $0x800;
	s22 =	simm.s32 $0x2800  }
0x53: {  	[tilespmem:s22], [sflag:$0x3] =	stream.indirect.gather [spmem:s1], $0x1, s20, s13, $0xb8;
	[tilespmem:$0x12F28] =	vst v63  }
0x54: {  	s20 =	simm.s32 $0x880;
	s22 =	simm.s32 $0x2880  }
0x55: {  	[tilespmem:s22], [sflag:$0x3] =	stream.indirect.gather [spmem:s1], $0x1, s20, s13, $0xb8;
	[tilespmem:$0x12F28] =	vst v63  }
0x56: {  	s20 =	simm.s32 $0x900;
	s22 =	simm.s32 $0x2900  }
0x57: {  	[tilespmem:s22], [sflag:$0x3] =	stream.indirect.gather [spmem:s1], $0x1, s20, s13, $0xb8;
	[tilespmem:$0x12F28] =	vst v63  }
0x58: {  	s20 =	simm.s32 $0x980;
	s22 =	simm.s32 $0x2980  }
0x59: {  	[tilespmem:s22], [sflag:$0x3] =	stream.indirect.gather [spmem:s1], $0x1, s20, s13, $0xb8;
	[tilespmem:$0x12F28] =	vst v63  }
0x5a: {  	s20 =	simm.s32 $0xA00;
	s22 =	simm.s32 $0x2A00  }
0x5b: {  	[tilespmem:s22], [sflag:$0x3] =	stream.indirect.gather [spmem:s1], $0x1, s20, s13, $0xb8;
	[tilespmem:$0x12F28] =	vst v63  }
0x5c: {  	s20 =	simm.s32 $0xA80;
	s22 =	simm.s32 $0x2A80  }
0x5d: {  	[tilespmem:s22], [sflag:$0x3] =	stream.indirect.gather [spmem:s1], $0x1, s20, s13, $0xb8;
	[tilespmem:$0x12F28] =	vst v63  }
0x5e: {  	s20 =	simm.s32 $0xB00;
	s22 =	simm.s32 $0x2B00  }
0x5f: {  	[tilespmem:s22], [sflag:$0x3] =	stream.indirect.gather [spmem:s1], $0x1, s20, s13, $0xb8;
	[tilespmem:$0x12F28] =	vst v63  }
0x60: {  	s18 =	simm.s32 $0x12D38;
	s20 =	simm.s32 $0xB80;
	s22 =	simm.s32 $0x2B80  }
0x61: {  	[tilespmem:s22], [sflag:$0x3] =	stream.indirect.gather [spmem:s1], $0x1, s20, s13, $0xb8;
	[tilespmem:$0x12F28] =	vst v63  }
0x62: {  	s19 =	simm.s32 $0x0;
	s20 =	simm.s32 $0xC00;
	s22 =	simm.s32 $0x2C00  }
0x63: {  	[tilespmem:s22], [sflag:$0x3] =	stream.indirect.gather [spmem:s1], $0x1, s20, s13, $0xb8;
	[tilespmem:$0x12F28] =	vst v63  }
.LBB2_2:
0x64: {  	_ =	swait.ge [sflag:s14], $0xC80  }
0x65: {  	[sflag:s14] =	ssyncset.done $0x0  }
0x66: {  	[sflag:s14] =	ssyncadd.s32 $0xFFFFF380  }
0x67: {  	[tilespmem:s21], [sflag:$0x4] =	stream.indirect.gather [spmem:s1], $0x1, s11, s13, $0xb8;
	[tilespmem:$0x12F28] =	vst v63  }
0x68: {  	s20 =	simm.s32 $0x1080;
	s22 =	simm.s32 $0x2D00  }
0x69: {  	[tilespmem:s22], [sflag:$0x4] =	stream.indirect.gather [spmem:s1], $0x1, s20, s13, $0xb8;
	[tilespmem:$0x12F28] =	vst v63  }
0x6a: {  	s20 =	simm.s32 $0x1100;
	s22 =	simm.s32 $0x2D80  }
0x6b: {  	[tilespmem:s22], [sflag:$0x4] =	stream.indirect.gather [spmem:s1], $0x1, s20, s13, $0xb8;
	[tilespmem:$0x12F28] =	vst v63  }
0x6c: {  	s20 =	simm.s32 $0x1180;
	s22 =	simm.s32 $0x2E00  }
0x6d: {  	[tilespmem:s22], [sflag:$0x4] =	stream.indirect.gather [spmem:s1], $0x1, s20, s13, $0xb8;
	[tilespmem:$0x12F28] =	vst v63  }
0x6e: {  	s20 =	simm.s32 $0x1200;
	s22 =	simm.s32 $0x2E80  }
0x6f: {  	[tilespmem:s22], [sflag:$0x4] =	stream.indirect.gather [spmem:s1], $0x1, s20, s13, $0xb8;
	[tilespmem:$0x12F28] =	vst v63  }
0x70: {  	s20 =	simm.s32 $0x1280;
	s22 =	simm.s32 $0x2F00  }
0x71: {  	[tilespmem:s22], [sflag:$0x4] =	stream.indirect.gather [spmem:s1], $0x1, s20, s13, $0xb8;
	[tilespmem:$0x12F28] =	vst v63  }
0x72: {  	s20 =	simm.s32 $0x1300;
	s22 =	simm.s32 $0x2F80  }
0x73: {  	[tilespmem:s22], [sflag:$0x4] =	stream.indirect.gather [spmem:s1], $0x1, s20, s13, $0xb8;
	[tilespmem:$0x12F28] =	vst v63  }
0x74: {  	s20 =	simm.s32 $0x1380;
	s22 =	simm.s32 $0x3000  }
0x75: {  	[tilespmem:s22], [sflag:$0x4] =	stream.indirect.gather [spmem:s1], $0x1, s20, s13, $0xb8;
	[tilespmem:$0x12F28] =	vst v63  }
0x76: {  	s20 =	simm.s32 $0x1400;
	s22 =	simm.s32 $0x3080  }
0x77: {  	[tilespmem:s22], [sflag:$0x4] =	stream.indirect.gather [spmem:s1], $0x1, s20, s13, $0xb8;
	[tilespmem:$0x12F28] =	vst v63  }
0x78: {  	s20 =	simm.s32 $0x1480;
	s22 =	simm.s32 $0x3100  }
0x79: {  	[tilespmem:s22], [sflag:$0x4] =	stream.indirect.gather [spmem:s1], $0x1, s20, s13, $0xb8;
	[tilespmem:$0x12F28] =	vst v63  }
0x7a: {  	s20 =	simm.s32 $0x1500;
	s22 =	simm.s32 $0x3180  }
0x7b: {  	[tilespmem:s22], [sflag:$0x4] =	stream.indirect.gather [spmem:s1], $0x1, s20, s13, $0xb8;
	[tilespmem:$0x12F28] =	vst v63  }
0x7c: {  	s20 =	simm.s32 $0x1580;
	s22 =	simm.s32 $0x3200  }
0x7d: {  	[tilespmem:s22], [sflag:$0x4] =	stream.indirect.gather [spmem:s1], $0x1, s20, s13, $0xb8;
	[tilespmem:$0x12F28] =	vst v63  }
0x7e: {  	s20 =	simm.s32 $0x1600;
	s22 =	simm.s32 $0x3280  }
0x7f: {  	[tilespmem:s22], [sflag:$0x4] =	stream.indirect.gather [spmem:s1], $0x1, s20, s13, $0xb8;
	[tilespmem:$0x12F28] =	vst v63  }
0x80: {  	s20 =	simm.s32 $0x1680;
	s22 =	simm.s32 $0x3300  }
0x81: {  	[tilespmem:s22], [sflag:$0x4] =	stream.indirect.gather [spmem:s1], $0x1, s20, s13, $0xb8;
	[tilespmem:$0x12F28] =	vst v63  }
0x82: {  	s20 =	simm.s32 $0x1700;
	s22 =	simm.s32 $0x3380  }
0x83: {  	[tilespmem:s22], [sflag:$0x4] =	stream.indirect.gather [spmem:s1], $0x1, s20, s13, $0xb8;
	[tilespmem:$0x12F28] =	vst v63  }
0x84: {  	s20 =	simm.s32 $0x1780;
	s22 =	simm.s32 $0x3400  }
0x85: {  	[tilespmem:s22], [sflag:$0x4] =	stream.indirect.gather [spmem:s1], $0x1, s20, s13, $0xb8;
	[tilespmem:$0x12F28] =	vst v63  }
0x86: {  	s22 =	simm.s32 $0x1800  }
0x87: {  	[tilespmem:s23], [sflag:$0x4] =	stream.indirect.gather [spmem:s1], $0x1, s22, s13, $0xb8;
	[tilespmem:$0x12F28] =	vst v63  }
0x88: {  	_ = 	snop  }
0x89: {  	[tilespmem:s25], [sflag:$0x4] =	stream.indirect.gather [spmem:s1], $0x1, s24, s13, $0xb8;
	[tilespmem:$0x12F28] =	vst v63  }
0x8a: {  	_ = 	snop  }
0x8b: {  	[tilespmem:s28], [sflag:$0x4] =	stream.indirect.gather [spmem:s1], $0x1, s26, s13, $0xb8;
	[tilespmem:$0x12F28] =	vst v63  }
0x8c: {  	_ = 	snop  }
0x8d: {  	[tilespmem:s30], [sflag:$0x4] =	stream.indirect.gather [spmem:s1], $0x1, s29, s13, $0xb8;
	[tilespmem:$0x12F28] =	vst v63  }
0x8e: {  	_ = 	snop  }
0x8f: {  	[tilespmem:s0], [sflag:$0x4] =	stream.indirect.gather [spmem:s1], $0x1, s31, s13, $0xb8;
	[tilespmem:$0x12F28] =	vst v63  }
0x90: {  	_ = 	snop  }
0x91: {  	[tilespmem:s5], [sflag:$0x4] =	stream.indirect.gather [spmem:s1], $0x1, s3, s13, $0xb8;
	[tilespmem:$0x12F28] =	vst v63  }
0x92: {  	_ = 	snop  }
0x93: {  	[tilespmem:s7], [sflag:$0x4] =	stream.indirect.gather [spmem:s1], $0x1, s6, s13, $0xb8;
	[tilespmem:$0x12F28] =	vst v63  }
0x94: {  	_ = 	snop  }
0x95: {  	[tilespmem:s4], [sflag:$0x4] =	stream.indirect.gather [spmem:s1], $0x1, s10, s13, $0xb8;
	[tilespmem:$0x12F28] =	vst v63  }
0x96: {  	_ = 	snop  }
0x97: {  	[tilespmem:s15], [sflag:$0x4] =	stream.indirect.gather [spmem:s1], $0x1, s9, s13, $0xb8;
	[tilespmem:$0x12F28] =	vst v63  }
0x98: {  	_ =	swait.ge [sflag:s16], $0xC80  }
0x99: {  	[sflag:s16] =	ssyncset.done $0x0  }
0x9a: {  	[sflag:s16] =	ssyncadd.s32 $0xFFFFF380  }
0x9b: {  	v1 =	vld [tilespmem:$0x2000];
	_ =	sdelay $0x1  }
0x9c: {  	v2 =	vld [tilespmem:$0x2010];
	_ =	sdelay $0x1  }
0x9d: {  	v3 =	vld [tilespmem:$0x2020]  }
0x9e: {  	v1 =	vadd.f32 $0.0e+00, v1  }
0x9f: {  	v4 =	vld [tilespmem:$0x2030]  }
0xa0: {  	v1 =	vadd.f32 v2, v1  }
0xa1: {  	v2 =	vld [tilespmem:$0x2040]  }
0xa2: {  	v1 =	vadd.f32 v3, v1  }
0xa3: {  	v3 =	vld [tilespmem:$0x2050]  }
0xa4: {  	v1 =	vadd.f32 v4, v1  }
0xa5: {  	v55 =	vld [tilespmem:$0x2060]  }
0xa6: {  	v1 =	vadd.f32 v2, v1  }
0xa7: {  	v2 =	vld [tilespmem:$0x2070]  }
0xa8: {  	v1 =	vadd.f32 v3, v1  }
0xa9: {  	v3 =	vld [tilespmem:$0x2080]  }
0xaa: {  	v1 =	vadd.f32 v55, v1  }
0xab: {  	v56 =	vld [tilespmem:$0x2090]  }
0xac: {  	v1 =	vadd.f32 v2, v1  }
0xad: {  	v2 =	vld [tilespmem:$0x20A0]  }
0xae: {  	v1 =	vadd.f32 v3, v1  }
0xaf: {  	v3 =	vld [tilespmem:$0x20B0]  }
0xb0: {  	v1 =	vadd.f32 v56, v1  }
0xb1: {  	v57 =	vld [tilespmem:$0x20C0]  }
0xb2: {  	v1 =	vadd.f32 v2, v1  }
0xb3: {  	v2 =	vld [tilespmem:$0x20D0]  }
0xb4: {  	v1 =	vadd.f32 v3, v1  }
0xb5: {  	v3 =	vld [tilespmem:$0x20E0]  }
0xb6: {  	v1 =	vadd.f32 v57, v1  }
0xb7: {  	v58 =	vld [tilespmem:$0x20F0]  }
0xb8: {  	v1 =	vadd.f32 v2, v1  }
0xb9: {  	v2 =	vld [tilespmem:$0x2100]  }
0xba: {  	v1 =	vadd.f32 v3, v1  }
0xbb: {  	v3 =	vld [tilespmem:$0x2110]  }
0xbc: {  	v1 =	vadd.f32 v58, v1  }
0xbd: {  	v59 =	vld [tilespmem:$0x2120]  }
0xbe: {  	v1 =	vadd.f32 v2, v1  }
0xbf: {  	v2 =	vld [tilespmem:$0x2130]  }
0xc0: {  	v1 =	vadd.f32 v3, v1  }
0xc1: {  	v3 =	vld [tilespmem:$0x2140]  }
0xc2: {  	v1 =	vadd.f32 v59, v1  }
0xc3: {  	v60 =	vld [tilespmem:$0x2150]  }
0xc4: {  	v1 =	vadd.f32 v2, v1  }
0xc5: {  	v2 =	vld [tilespmem:$0x2160]  }
0xc6: {  	v1 =	vadd.f32 v3, v1  }
0xc7: {  	v3 =	vld [tilespmem:$0x2170]  }
0xc8: {  	v1 =	vadd.f32 v60, v1  }
0xc9: {  	v61 =	vld [tilespmem:$0x2180]  }
0xca: {  	v1 =	vadd.f32 v2, v1  }
0xcb: {  	v2 =	vld [tilespmem:$0x2190]  }
0xcc: {  	v1 =	vadd.f32 v3, v1  }
0xcd: {  	v3 =	vld [tilespmem:$0x21A0]  }
0xce: {  	v1 =	vadd.f32 v61, v1  }
0xcf: {  	v62 =	vld [tilespmem:$0x21B0]  }
0xd0: {  	v1 =	vadd.f32 v2, v1  }
0xd1: {  	v2 =	vld [tilespmem:$0x21C0]  }
0xd2: {  	v1 =	vadd.f32 v3, v1  }
0xd3: {  	v3 =	vld [tilespmem:$0x21D0]  }
0xd4: {  	v1 =	vadd.f32 v62, v1  }
0xd5: {  	v63 =	vld [tilespmem:$0x21E0]  }
0xd6: {  	v1 =	vadd.f32 v2, v1  }
0xd7: {  	v2 =	vld [tilespmem:$0x21F0]  }
0xd8: {  	v1 =	vadd.f32 v3, v1  }
0xd9: {  	v3 =	vld [tilespmem:$0x2200]  }
0xda: {  	v1 =	vadd.f32 v63, v1  }
0xdb: {  	v8 =	vld [tilespmem:$0x2210]  }
0xdc: {  	v1 =	vadd.f32 v2, v1  }
0xdd: {  	v2 =	vld [tilespmem:$0x2220]  }
0xde: {  	v1 =	vadd.f32 v3, v1  }
0xdf: {  	v3 =	vld [tilespmem:$0x2230]  }
0xe0: {  	v1 =	vadd.f32 v8, v1  }
0xe1: {  	v9 =	vld [tilespmem:$0x2240]  }
0xe2: {  	v1 =	vadd.f32 v2, v1  }
0xe3: {  	v2 =	vld [tilespmem:$0x2250]  }
0xe4: {  	v1 =	vadd.f32 v3, v1  }
0xe5: {  	v3 =	vld [tilespmem:$0x2260]  }
0xe6: {  	v1 =	vadd.f32 v9, v1  }
0xe7: {  	v10 =	vld [tilespmem:$0x2270]  }
0xe8: {  	v1 =	vadd.f32 v2, v1  }
0xe9: {  	v2 =	vld [tilespmem:$0x2280]  }
0xea: {  	v1 =	vadd.f32 v3, v1  }
0xeb: {  	v3 =	vld [tilespmem:$0x2290]  }
0xec: {  	v1 =	vadd.f32 v10, v1  }
0xed: {  	v11 =	vld [tilespmem:$0x22A0]  }
0xee: {  	v1 =	vadd.f32 v2, v1  }
0xef: {  	v2 =	vld [tilespmem:$0x22B0]  }
0xf0: {  	v1 =	vadd.f32 v3, v1  }
0xf1: {  	v3 =	vld [tilespmem:$0x22C0]  }
0xf2: {  	v1 =	vadd.f32 v11, v1  }
0xf3: {  	v12 =	vld [tilespmem:$0x22D0]  }
0xf4: {  	v1 =	vadd.f32 v2, v1  }
0xf5: {  	v2 =	vld [tilespmem:$0x22E0]  }
0xf6: {  	v1 =	vadd.f32 v3, v1  }
0xf7: {  	v3 =	vld [tilespmem:$0x22F0]  }
0xf8: {  	v1 =	vadd.f32 v12, v1  }
0xf9: {  	v13 =	vld [tilespmem:$0x2300]  }
0xfa: {  	v1 =	vadd.f32 v2, v1  }
0xfb: {  	v2 =	vld [tilespmem:$0x2310]  }
0xfc: {  	v1 =	vadd.f32 v3, v1  }
0xfd: {  	v3 =	vld [tilespmem:$0x2320]  }
0xfe: {  	v1 =	vadd.f32 v13, v1  }
0xff: {  	v14 =	vld [tilespmem:$0x2330]  }
0x100: {  	v1 =	vadd.f32 v2, v1  }
0x101: {  	v2 =	vld [tilespmem:$0x2340]  }
0x102: {  	v1 =	vadd.f32 v3, v1  }
0x103: {  	v3 =	vld [tilespmem:$0x2350]  }
0x104: {  	v1 =	vadd.f32 v14, v1  }
0x105: {  	v15 =	vld [tilespmem:$0x2360]  }
0x106: {  	v1 =	vadd.f32 v2, v1  }
0x107: {  	v2 =	vld [tilespmem:$0x2370]  }
0x108: {  	v1 =	vadd.f32 v3, v1  }
0x109: {  	v3 =	vld [tilespmem:$0x2380]  }
0x10a: {  	v1 =	vadd.f32 v15, v1  }
0x10b: {  	v16 =	vld [tilespmem:$0x2390]  }
0x10c: {  	v1 =	vadd.f32 v2, v1  }
0x10d: {  	v2 =	vld [tilespmem:$0x23A0]  }
0x10e: {  	v1 =	vadd.f32 v3, v1  }
0x10f: {  	v3 =	vld [tilespmem:$0x23B0]  }
0x110: {  	v1 =	vadd.f32 v16, v1  }
0x111: {  	v17 =	vld [tilespmem:$0x23C0]  }
0x112: {  	v1 =	vadd.f32 v2, v1  }
0x113: {  	v2 =	vld [tilespmem:$0x23D0]  }
0x114: {  	v1 =	vadd.f32 v3, v1  }
0x115: {  	v3 =	vld [tilespmem:$0x23E0]  }
0x116: {  	v1 =	vadd.f32 v17, v1  }
0x117: {  	v18 =	vld [tilespmem:$0x23F0]  }
0x118: {  	v1 =	vadd.f32 v2, v1  }
0x119: {  	v2 =	vld [tilespmem:$0x2400]  }
0x11a: {  	v1 =	vadd.f32 v3, v1  }
0x11b: {  	v3 =	vld [tilespmem:$0x2410]  }
0x11c: {  	v1 =	vadd.f32 v18, v1  }
0x11d: {  	v19 =	vld [tilespmem:$0x2420]  }
0x11e: {  	v1 =	vadd.f32 v2, v1  }
0x11f: {  	v2 =	vld [tilespmem:$0x2430]  }
0x120: {  	v1 =	vadd.f32 v3, v1  }
0x121: {  	v3 =	vld [tilespmem:$0x2440]  }
0x122: {  	v1 =	vadd.f32 v19, v1  }
0x123: {  	v20 =	vld [tilespmem:$0x2450]  }
0x124: {  	v1 =	vadd.f32 v2, v1  }
0x125: {  	v2 =	vld [tilespmem:$0x2460]  }
0x126: {  	v1 =	vadd.f32 v3, v1  }
0x127: {  	v3 =	vld [tilespmem:$0x2470]  }
0x128: {  	v1 =	vadd.f32 v20, v1  }
0x129: {  	v21 =	vld [tilespmem:$0x2480]  }
0x12a: {  	v1 =	vadd.f32 v2, v1  }
0x12b: {  	v2 =	vld [tilespmem:$0x2490]  }
0x12c: {  	v1 =	vadd.f32 v3, v1  }
0x12d: {  	v3 =	vld [tilespmem:$0x24A0]  }
0x12e: {  	v1 =	vadd.f32 v21, v1  }
0x12f: {  	v22 =	vld [tilespmem:$0x24B0]  }
0x130: {  	v1 =	vadd.f32 v2, v1  }
0x131: {  	v2 =	vld [tilespmem:$0x24C0]  }
0x132: {  	v1 =	vadd.f32 v3, v1  }
0x133: {  	v3 =	vld [tilespmem:$0x24D0]  }
0x134: {  	v1 =	vadd.f32 v22, v1  }
0x135: {  	v23 =	vld [tilespmem:$0x24E0]  }
0x136: {  	v1 =	vadd.f32 v2, v1  }
0x137: {  	v2 =	vld [tilespmem:$0x24F0]  }
0x138: {  	v1 =	vadd.f32 v3, v1  }
0x139: {  	v3 =	vld [tilespmem:$0x2500]  }
0x13a: {  	v1 =	vadd.f32 v23, v1  }
0x13b: {  	v24 =	vld [tilespmem:$0x2510]  }
0x13c: {  	v1 =	vadd.f32 v2, v1  }
0x13d: {  	v2 =	vld [tilespmem:$0x2520]  }
0x13e: {  	v1 =	vadd.f32 v3, v1  }
0x13f: {  	v3 =	vld [tilespmem:$0x2530]  }
0x140: {  	v1 =	vadd.f32 v24, v1  }
0x141: {  	v25 =	vld [tilespmem:$0x2540]  }
0x142: {  	v1 =	vadd.f32 v2, v1  }
0x143: {  	v2 =	vld [tilespmem:$0x2550]  }
0x144: {  	v1 =	vadd.f32 v3, v1  }
0x145: {  	v3 =	vld [tilespmem:$0x2560]  }
0x146: {  	v1 =	vadd.f32 v25, v1  }
0x147: {  	v26 =	vld [tilespmem:$0x2570]  }
0x148: {  	v1 =	vadd.f32 v2, v1  }
0x149: {  	v2 =	vld [tilespmem:$0x2580]  }
0x14a: {  	v1 =	vadd.f32 v3, v1  }
0x14b: {  	v3 =	vld [tilespmem:$0x2590]  }
0x14c: {  	v1 =	vadd.f32 v26, v1  }
0x14d: {  	v27 =	vld [tilespmem:$0x25A0]  }
0x14e: {  	v1 =	vadd.f32 v2, v1  }
0x14f: {  	v2 =	vld [tilespmem:$0x25B0]  }
0x150: {  	v1 =	vadd.f32 v3, v1  }
0x151: {  	v3 =	vld [tilespmem:$0x25C0]  }
0x152: {  	v1 =	vadd.f32 v27, v1  }
0x153: {  	v28 =	vld [tilespmem:$0x25D0]  }
0x154: {  	v1 =	vadd.f32 v2, v1  }
0x155: {  	v2 =	vld [tilespmem:$0x25E0]  }
0x156: {  	v1 =	vadd.f32 v3, v1  }
0x157: {  	v3 =	vld [tilespmem:$0x25F0]  }
0x158: {  	v1 =	vadd.f32 v28, v1  }
0x159: {  	v29 =	vld [tilespmem:$0x2600]  }
0x15a: {  	v1 =	vadd.f32 v2, v1  }
0x15b: {  	v2 =	vld [tilespmem:$0x2610]  }
0x15c: {  	v1 =	vadd.f32 v3, v1  }
0x15d: {  	v3 =	vld [tilespmem:$0x2620]  }
0x15e: {  	v1 =	vadd.f32 v29, v1  }
0x15f: {  	v30 =	vld [tilespmem:$0x2630]  }
0x160: {  	v1 =	vadd.f32 v2, v1  }
0x161: {  	v2 =	vld [tilespmem:$0x2640]  }
0x162: {  	v1 =	vadd.f32 v3, v1  }
0x163: {  	v3 =	vld [tilespmem:$0x2650]  }
0x164: {  	v1 =	vadd.f32 v30, v1  }
0x165: {  	v31 =	vld [tilespmem:$0x2660]  }
0x166: {  	v1 =	vadd.f32 v2, v1  }
0x167: {  	v2 =	vld [tilespmem:$0x2670]  }
0x168: {  	v1 =	vadd.f32 v3, v1  }
0x169: {  	v3 =	vld [tilespmem:$0x2680]  }
0x16a: {  	v1 =	vadd.f32 v31, v1  }
0x16b: {  	v32 =	vld [tilespmem:$0x2690]  }
0x16c: {  	v1 =	vadd.f32 v2, v1  }
0x16d: {  	v2 =	vld [tilespmem:$0x26A0]  }
0x16e: {  	v1 =	vadd.f32 v3, v1  }
0x16f: {  	v3 =	vld [tilespmem:$0x26B0]  }
0x170: {  	v1 =	vadd.f32 v32, v1  }
0x171: {  	v33 =	vld [tilespmem:$0x26C0]  }
0x172: {  	v1 =	vadd.f32 v2, v1  }
0x173: {  	v2 =	vld [tilespmem:$0x26D0]  }
0x174: {  	v1 =	vadd.f32 v3, v1  }
0x175: {  	v3 =	vld [tilespmem:$0x26E0]  }
0x176: {  	v1 =	vadd.f32 v33, v1  }
0x177: {  	v34 =	vld [tilespmem:$0x26F0]  }
0x178: {  	v1 =	vadd.f32 v2, v1  }
0x179: {  	v2 =	vld [tilespmem:$0x2700]  }
0x17a: {  	v1 =	vadd.f32 v3, v1  }
0x17b: {  	v3 =	vld [tilespmem:$0x2710]  }
0x17c: {  	v1 =	vadd.f32 v34, v1  }
0x17d: {  	v35 =	vld [tilespmem:$0x2720]  }
0x17e: {  	v1 =	vadd.f32 v2, v1  }
0x17f: {  	v2 =	vld [tilespmem:$0x2730]  }
0x180: {  	v1 =	vadd.f32 v3, v1  }
0x181: {  	v3 =	vld [tilespmem:$0x2740]  }
0x182: {  	v1 =	vadd.f32 v35, v1  }
0x183: {  	v36 =	vld [tilespmem:$0x2750]  }
0x184: {  	v1 =	vadd.f32 v2, v1  }
0x185: {  	v2 =	vld [tilespmem:$0x2760]  }
0x186: {  	v1 =	vadd.f32 v3, v1  }
0x187: {  	v3 =	vld [tilespmem:$0x2770]  }
0x188: {  	v1 =	vadd.f32 v36, v1  }
0x189: {  	v37 =	vld [tilespmem:$0x2780]  }
0x18a: {  	v1 =	vadd.f32 v2, v1  }
0x18b: {  	v2 =	vld [tilespmem:$0x2790]  }
0x18c: {  	v1 =	vadd.f32 v3, v1  }
0x18d: {  	v3 =	vld [tilespmem:$0x27A0]  }
0x18e: {  	v1 =	vadd.f32 v37, v1  }
0x18f: {  	v38 =	vld [tilespmem:$0x27B0]  }
0x190: {  	v1 =	vadd.f32 v2, v1  }
0x191: {  	v2 =	vld [tilespmem:$0x27C0]  }
0x192: {  	v1 =	vadd.f32 v3, v1  }
0x193: {  	v3 =	vld [tilespmem:$0x27D0]  }
0x194: {  	v1 =	vadd.f32 v38, v1  }
0x195: {  	v39 =	vld [tilespmem:$0x27E0]  }
0x196: {  	v1 =	vadd.f32 v2, v1  }
0x197: {  	v2 =	vld [tilespmem:$0x27F0]  }
0x198: {  	v1 =	vadd.f32 v3, v1  }
0x199: {  	v3 =	vld [tilespmem:$0x2800]  }
0x19a: {  	v1 =	vadd.f32 v39, v1  }
0x19b: {  	v40 =	vld [tilespmem:$0x2810]  }
0x19c: {  	v1 =	vadd.f32 v2, v1  }
0x19d: {  	v2 =	vld [tilespmem:$0x2820]  }
0x19e: {  	v1 =	vadd.f32 v3, v1  }
0x19f: {  	v3 =	vld [tilespmem:$0x2830]  }
0x1a0: {  	v1 =	vadd.f32 v40, v1  }
0x1a1: {  	v41 =	vld [tilespmem:$0x2840]  }
0x1a2: {  	v1 =	vadd.f32 v2, v1  }
0x1a3: {  	v2 =	vld [tilespmem:$0x2850]  }
0x1a4: {  	v1 =	vadd.f32 v3, v1  }
0x1a5: {  	v3 =	vld [tilespmem:$0x2860]  }
0x1a6: {  	v1 =	vadd.f32 v41, v1  }
0x1a7: {  	v42 =	vld [tilespmem:$0x2870]  }
0x1a8: {  	v1 =	vadd.f32 v2, v1  }
0x1a9: {  	v2 =	vld [tilespmem:$0x2880]  }
0x1aa: {  	v1 =	vadd.f32 v3, v1  }
0x1ab: {  	v3 =	vld [tilespmem:$0x2890]  }
0x1ac: {  	v1 =	vadd.f32 v42, v1  }
0x1ad: {  	v43 =	vld [tilespmem:$0x28A0]  }
0x1ae: {  	v1 =	vadd.f32 v2, v1  }
0x1af: {  	v2 =	vld [tilespmem:$0x28B0]  }
0x1b0: {  	v1 =	vadd.f32 v3, v1  }
0x1b1: {  	v3 =	vld [tilespmem:$0x28C0]  }
0x1b2: {  	v1 =	vadd.f32 v43, v1  }
0x1b3: {  	v44 =	vld [tilespmem:$0x28D0]  }
0x1b4: {  	v1 =	vadd.f32 v2, v1  }
0x1b5: {  	v2 =	vld [tilespmem:$0x28E0]  }
0x1b6: {  	v1 =	vadd.f32 v3, v1  }
0x1b7: {  	v3 =	vld [tilespmem:$0x28F0]  }
0x1b8: {  	v1 =	vadd.f32 v44, v1  }
0x1b9: {  	v45 =	vld [tilespmem:$0x2900]  }
0x1ba: {  	v1 =	vadd.f32 v2, v1  }
0x1bb: {  	v2 =	vld [tilespmem:$0x2910]  }
0x1bc: {  	v1 =	vadd.f32 v3, v1  }
0x1bd: {  	v3 =	vld [tilespmem:$0x2920]  }
0x1be: {  	v1 =	vadd.f32 v45, v1  }
0x1bf: {  	v46 =	vld [tilespmem:$0x2930]  }
0x1c0: {  	v1 =	vadd.f32 v2, v1  }
0x1c1: {  	v2 =	vld [tilespmem:$0x2940]  }
0x1c2: {  	v1 =	vadd.f32 v3, v1  }
0x1c3: {  	v3 =	vld [tilespmem:$0x2950]  }
0x1c4: {  	v1 =	vadd.f32 v46, v1  }
0x1c5: {  	v47 =	vld [tilespmem:$0x2960]  }
0x1c6: {  	v1 =	vadd.f32 v2, v1  }
0x1c7: {  	v2 =	vld [tilespmem:$0x2970]  }
0x1c8: {  	v1 =	vadd.f32 v3, v1  }
0x1c9: {  	v3 =	vld [tilespmem:$0x2980]  }
0x1ca: {  	v1 =	vadd.f32 v47, v1  }
0x1cb: {  	v48 =	vld [tilespmem:$0x2990]  }
0x1cc: {  	v1 =	vadd.f32 v2, v1  }
0x1cd: {  	v2 =	vld [tilespmem:$0x29A0]  }
0x1ce: {  	v1 =	vadd.f32 v3, v1  }
0x1cf: {  	v3 =	vld [tilespmem:$0x29B0]  }
0x1d0: {  	v1 =	vadd.f32 v48, v1  }
0x1d1: {  	v49 =	vld [tilespmem:$0x29C0]  }
0x1d2: {  	v1 =	vadd.f32 v2, v1  }
0x1d3: {  	v2 =	vld [tilespmem:$0x29D0]  }
0x1d4: {  	v1 =	vadd.f32 v3, v1  }
0x1d5: {  	v3 =	vld [tilespmem:$0x29E0]  }
0x1d6: {  	v1 =	vadd.f32 v49, v1  }
0x1d7: {  	v50 =	vld [tilespmem:$0x29F0]  }
0x1d8: {  	v1 =	vadd.f32 v2, v1  }
0x1d9: {  	v2 =	vld [tilespmem:$0x2A00]  }
0x1da: {  	v1 =	vadd.f32 v3, v1  }
0x1db: {  	v3 =	vld [tilespmem:$0x2A10]  }
0x1dc: {  	v1 =	vadd.f32 v50, v1  }
0x1dd: {  	v51 =	vld [tilespmem:$0x2A20]  }
0x1de: {  	v1 =	vadd.f32 v2, v1  }
0x1df: {  	v2 =	vld [tilespmem:$0x2A30]  }
0x1e0: {  	v1 =	vadd.f32 v3, v1  }
0x1e1: {  	v3 =	vld [tilespmem:$0x2A40]  }
0x1e2: {  	v1 =	vadd.f32 v51, v1  }
0x1e3: {  	v52 =	vld [tilespmem:$0x2A50]  }
0x1e4: {  	v1 =	vadd.f32 v2, v1  }
0x1e5: {  	v2 =	vld [tilespmem:$0x2A60]  }
0x1e6: {  	v1 =	vadd.f32 v3, v1  }
0x1e7: {  	v3 =	vld [tilespmem:$0x2A70]  }
0x1e8: {  	v1 =	vadd.f32 v52, v1  }
0x1e9: {  	v53 =	vld [tilespmem:$0x2A80]  }
0x1ea: {  	v1 =	vadd.f32 v2, v1  }
0x1eb: {  	v2 =	vld [tilespmem:$0x2A90]  }
0x1ec: {  	v1 =	vadd.f32 v3, v1  }
0x1ed: {  	v3 =	vld [tilespmem:$0x2AA0]  }
0x1ee: {  	v1 =	vadd.f32 v53, v1  }
0x1ef: {  	v54 =	vld [tilespmem:$0x2AB0]  }
0x1f0: {  	v1 =	vadd.f32 v2, v1  }
0x1f1: {  	v2 =	vld [tilespmem:$0x2AC0]  }
0x1f2: {  	v1 =	vadd.f32 v3, v1  }
0x1f3: {  	v3 =	vld [tilespmem:$0x2AD0]  }
0x1f4: {  	v1 =	vadd.f32 v54, v1  }
0x1f5: {  	v55 =	vld [tilespmem:$0x2AE0]  }
0x1f6: {  	v1 =	vadd.f32 v2, v1  }
0x1f7: {  	v2 =	vld [tilespmem:$0x2AF0]  }
0x1f8: {  	v1 =	vadd.f32 v3, v1  }
0x1f9: {  	v3 =	vld [tilespmem:$0x2B00]  }
0x1fa: {  	v1 =	vadd.f32 v55, v1  }
0x1fb: {  	v56 =	vld [tilespmem:$0x2B10]  }
0x1fc: {  	v1 =	vadd.f32 v2, v1  }
0x1fd: {  	v2 =	vld [tilespmem:$0x2B20]  }
0x1fe: {  	v1 =	vadd.f32 v3, v1  }
0x1ff: {  	v3 =	vld [tilespmem:$0x2B30]  }
0x200: {  	v1 =	vadd.f32 v56, v1  }
0x201: {  	v57 =	vld [tilespmem:$0x2B40]  }
0x202: {  	v1 =	vadd.f32 v2, v1  }
0x203: {  	v2 =	vld [tilespmem:$0x2B50]  }
0x204: {  	v1 =	vadd.f32 v3, v1  }
0x205: {  	v3 =	vld [tilespmem:$0x2B60]  }
0x206: {  	v1 =	vadd.f32 v57, v1  }
0x207: {  	v58 =	vld [tilespmem:$0x2B70]  }
0x208: {  	v1 =	vadd.f32 v2, v1  }
0x209: {  	v2 =	vld [tilespmem:$0x2B80]  }
0x20a: {  	v1 =	vadd.f32 v3, v1  }
0x20b: {  	v3 =	vld [tilespmem:$0x2B90]  }
0x20c: {  	v1 =	vadd.f32 v58, v1  }
0x20d: {  	v59 =	vld [tilespmem:$0x2BA0]  }
0x20e: {  	v1 =	vadd.f32 v2, v1  }
0x20f: {  	v2 =	vld [tilespmem:$0x2BB0]  }
0x210: {  	v1 =	vadd.f32 v3, v1  }
0x211: {  	v3 =	vld [tilespmem:$0x2BC0]  }
0x212: {  	v1 =	vadd.f32 v59, v1  }
0x213: {  	v60 =	vld [tilespmem:$0x2BD0]  }
0x214: {  	v1 =	vadd.f32 v2, v1  }
0x215: {  	v2 =	vld [tilespmem:$0x2BE0]  }
0x216: {  	v1 =	vadd.f32 v3, v1  }
0x217: {  	v3 =	vld [tilespmem:$0x2BF0]  }
0x218: {  	v1 =	vadd.f32 v60, v1  }
0x219: {  	v61 =	vld [tilespmem:$0x2C00]  }
0x21a: {  	v1 =	vadd.f32 v2, v1  }
0x21b: {  	v2 =	vld [tilespmem:$0x2C10]  }
0x21c: {  	v1 =	vadd.f32 v3, v1  }
0x21d: {  	v3 =	vld [tilespmem:$0x2C20]  }
0x21e: {  	v1 =	vadd.f32 v61, v1  }
0x21f: {  	v62 =	vld [tilespmem:$0x2C30]  }
0x220: {  	v1 =	vadd.f32 v2, v1  }
0x221: {  	v2 =	vld [tilespmem:$0x2C40]  }
0x222: {  	v1 =	vadd.f32 v3, v1  }
0x223: {  	v3 =	vld [tilespmem:$0x2C50]  }
0x224: {  	v1 =	vadd.f32 v62, v1  }
0x225: {  	v63 =	vld [tilespmem:$0x2C60]  }
0x226: {  	v1 =	vadd.f32 v2, v1  }
0x227: {  	v2 =	vld [tilespmem:$0x2C70]  }
0x228: {  	v1 =	vadd.f32 v3, v1;
	_ =	sdelay $0x1  }
0x229: {  	v1 =	vadd.f32 v63, v1;
	_ =	sdelay $0x1  }
0x22a: {  	v1 =	vadd.f32 v2, v1;
	_ =	sdelay $0x1  }
0x22b: {  	v1 =	vmul.f32 $-4.999999890e-03, v1;
	_ =	sdelay $0x1  }
0x22c: {  	v1 =	vadd.f32 $0.0e+00, v1;
	_ =	sdelay $0x1  }
0x22d: {  	v1 =	vmul.f32 $1.442695020e+00, v1;
	_ =	sdelay $0x1  }
0x22e: {  	(erf) = vpow2.f32 v1;
	_ =	sdelay $0x8  }
0x22f: {  	v1 =	vpop (erf)  }
0x230: {  	v1 =	vadd.f32 $1.000000000e+00, v1;
	_ =	sdelay $0x1  }
0x231: {  	(erf) = vrcp.f32 v1;
	_ =	sdelay $0x8  }
0x232: {  	v1 =	vpop (erf)  }
0x233: {  	v1 =	vmul.f32 $1.000000000e+02, v1;
	_ =	sdelay $0x1  }
0x234: {  	v1 =	vadd.f32 $5.000000000e-01, v1;
	_ =	sdelay $0x1  }
0x235: {  	v1 =	vtrunc.f32 v1  }
0x236: {  	v1 =	vcvt.f32.s32 v1  }
0x237: {  	p1 =	seq.s32 s19, $0x3C00  }
.Ltmp2:
0x238: {  	v1 =	vcvt.s32.f32 v1;
	(pc) =	sbr.rel @p1 .LBB2_4-.Ltmp2, $3  }
0x239: {  	_ = 	snop  }
0x23a: {  	v1 =	vmul.f32 v1, v0;
	_ =	sdelay $0x1  }
0x23b: {  	[tilespmem:s18+$0xFFFFFFF0] =	vst v1  }
0x23c: {  	s20 =	rddreg [dreg:$0x9]  }
0x23d: {  	s20 =	sadd.s32 s19, s20  }
0x23e: {  	[tilespmem:s2], [sflag:$0x1] =	stream.linear.gather [hbm4b:s20+s2], $0xC80, $0x38;
	[tilespmem:$0x12F28] =	vst v63  }
0x23f: {  	_ =	swait.ge [sflag:s12], $0xC80  }
0x240: {  	[sflag:s12] =	ssyncset.done $0x0  }
0x241: {  	s22 =	simm.s32 $0x2000;
	[sflag:s12] =	ssyncadd.s32 $0xFFFFF380  }
0x242: {  	[tilespmem:s22], [sflag:$0x3] =	stream.indirect.gather [spmem:s1], $0x1, s2, s13, $0xb8;
	[tilespmem:$0x12F28] =	vst v63  }
0x243: {  	s21 =	simm.s32 $0x2080  }
0x244: {  	[tilespmem:s21], [sflag:$0x3] =	stream.indirect.gather [spmem:s1], $0x1, s13, s13, $0xb8;
	[tilespmem:$0x12F28] =	vst v63  }
0x245: {  	s22 =	simm.s32 $0x100;
	s21 =	simm.s32 $0x2100  }
0x246: {  	[tilespmem:s21], [sflag:$0x3] =	stream.indirect.gather [spmem:s1], $0x1, s22, s13, $0xb8;
	[tilespmem:$0x12F28] =	vst v63  }
0x247: {  	s21 =	simm.s32 $0x180;
	s22 =	simm.s32 $0x2180  }
0x248: {  	[tilespmem:s22], [sflag:$0x3] =	stream.indirect.gather [spmem:s1], $0x1, s21, s13, $0xb8;
	[tilespmem:$0x12F28] =	vst v63  }
0x249: {  	s21 =	simm.s32 $0x200;
	s22 =	simm.s32 $0x2200  }
0x24a: {  	[tilespmem:s22], [sflag:$0x3] =	stream.indirect.gather [spmem:s1], $0x1, s21, s13, $0xb8;
	[tilespmem:$0x12F28] =	vst v63  }
0x24b: {  	s21 =	simm.s32 $0x280;
	s22 =	simm.s32 $0x2280  }
0x24c: {  	[tilespmem:s22], [sflag:$0x3] =	stream.indirect.gather [spmem:s1], $0x1, s21, s13, $0xb8;
	[tilespmem:$0x12F28] =	vst v63  }
0x24d: {  	s21 =	simm.s32 $0x300;
	s22 =	simm.s32 $0x2300  }
0x24e: {  	[tilespmem:s22], [sflag:$0x3] =	stream.indirect.gather [spmem:s1], $0x1, s21, s13, $0xb8;
	[tilespmem:$0x12F28] =	vst v63  }
0x24f: {  	s21 =	simm.s32 $0x380;
	s22 =	simm.s32 $0x2380  }
0x250: {  	[tilespmem:s22], [sflag:$0x3] =	stream.indirect.gather [spmem:s1], $0x1, s21, s13, $0xb8;
	[tilespmem:$0x12F28] =	vst v63  }
0x251: {  	s21 =	simm.s32 $0x400;
	s22 =	simm.s32 $0x2400  }
0x252: {  	[tilespmem:s22], [sflag:$0x3] =	stream.indirect.gather [spmem:s1], $0x1, s21, s13, $0xb8;
	[tilespmem:$0x12F28] =	vst v63  }
0x253: {  	s21 =	simm.s32 $0x480;
	s22 =	simm.s32 $0x2480  }
0x254: {  	[tilespmem:s22], [sflag:$0x3] =	stream.indirect.gather [spmem:s1], $0x1, s21, s13, $0xb8;
	[tilespmem:$0x12F28] =	vst v63  }
0x255: {  	s21 =	simm.s32 $0x500;
	s22 =	simm.s32 $0x2500  }
0x256: {  	[tilespmem:s22], [sflag:$0x3] =	stream.indirect.gather [spmem:s1], $0x1, s21, s13, $0xb8;
	[tilespmem:$0x12F28] =	vst v63  }
0x257: {  	s21 =	simm.s32 $0x580;
	s22 =	simm.s32 $0x2580  }
0x258: {  	[tilespmem:s22], [sflag:$0x3] =	stream.indirect.gather [spmem:s1], $0x1, s21, s13, $0xb8;
	[tilespmem:$0x12F28] =	vst v63  }
0x259: {  	s21 =	simm.s32 $0x600;
	s22 =	simm.s32 $0x2600  }
0x25a: {  	[tilespmem:s22], [sflag:$0x3] =	stream.indirect.gather [spmem:s1], $0x1, s21, s13, $0xb8;
	[tilespmem:$0x12F28] =	vst v63  }
0x25b: {  	s21 =	simm.s32 $0x680;
	s22 =	simm.s32 $0x2680  }
0x25c: {  	[tilespmem:s22], [sflag:$0x3] =	stream.indirect.gather [spmem:s1], $0x1, s21, s13, $0xb8;
	[tilespmem:$0x12F28] =	vst v63  }
0x25d: {  	s21 =	simm.s32 $0x700;
	s22 =	simm.s32 $0x2700  }
0x25e: {  	[tilespmem:s22], [sflag:$0x3] =	stream.indirect.gather [spmem:s1], $0x1, s21, s13, $0xb8;
	[tilespmem:$0x12F28] =	vst v63  }
0x25f: {  	s21 =	simm.s32 $0x780;
	s22 =	simm.s32 $0x2780  }
0x260: {  	[tilespmem:s22], [sflag:$0x3] =	stream.indirect.gather [spmem:s1], $0x1, s21, s13, $0xb8;
	[tilespmem:$0x12F28] =	vst v63  }
0x261: {  	s21 =	simm.s32 $0x800;
	s22 =	simm.s32 $0x2800  }
0x262: {  	[tilespmem:s22], [sflag:$0x3] =	stream.indirect.gather [spmem:s1], $0x1, s21, s13, $0xb8;
	[tilespmem:$0x12F28] =	vst v63  }
0x263: {  	s21 =	simm.s32 $0x880;
	s22 =	simm.s32 $0x2880  }
0x264: {  	[tilespmem:s22], [sflag:$0x3] =	stream.indirect.gather [spmem:s1], $0x1, s21, s13, $0xb8;
	[tilespmem:$0x12F28] =	vst v63  }
0x265: {  	s21 =	simm.s32 $0x900;
	s22 =	simm.s32 $0x2900  }
0x266: {  	[tilespmem:s22], [sflag:$0x3] =	stream.indirect.gather [spmem:s1], $0x1, s21, s13, $0xb8;
	[tilespmem:$0x12F28] =	vst v63  }
0x267: {  	s21 =	simm.s32 $0x980;
	s22 =	simm.s32 $0x2980  }
0x268: {  	[tilespmem:s22], [sflag:$0x3] =	stream.indirect.gather [spmem:s1], $0x1, s21, s13, $0xb8;
	[tilespmem:$0x12F28] =	vst v63  }
0x269: {  	s21 =	simm.s32 $0xA00;
	s22 =	simm.s32 $0x2A00  }
0x26a: {  	[tilespmem:s22], [sflag:$0x3] =	stream.indirect.gather [spmem:s1], $0x1, s21, s13, $0xb8;
	[tilespmem:$0x12F28] =	vst v63  }
0x26b: {  	s21 =	simm.s32 $0xA80;
	s22 =	simm.s32 $0x2A80  }
0x26c: {  	[tilespmem:s22], [sflag:$0x3] =	stream.indirect.gather [spmem:s1], $0x1, s21, s13, $0xb8;
	[tilespmem:$0x12F28] =	vst v63  }
0x26d: {  	s21 =	simm.s32 $0xB00;
	s22 =	simm.s32 $0x2B00  }
0x26e: {  	[tilespmem:s22], [sflag:$0x3] =	stream.indirect.gather [spmem:s1], $0x1, s21, s13, $0xb8;
	[tilespmem:$0x12F28] =	vst v63  }
0x26f: {  	s21 =	simm.s32 $0xB80;
	s22 =	simm.s32 $0x2B80  }
0x270: {  	[tilespmem:s22], [sflag:$0x3] =	stream.indirect.gather [spmem:s1], $0x1, s21, s13, $0xb8;
	[tilespmem:$0x12F28] =	vst v63  }
0x271: {  	s21 =	simm.s32 $0xC00;
	s22 =	simm.s32 $0x2C00  }
0x272: {  	[tilespmem:s22], [sflag:$0x3] =	stream.indirect.gather [spmem:s1], $0x1, s21, s13, $0xb8;
	[tilespmem:$0x12F28] =	vst v63  }
0x273: {  	s21 =	simm.s32 $0x2C80  }
.LBB2_4:
0x274: {  	_ =	swait.ge [sflag:s17], $0xC80  }
0x275: {  	[sflag:s17] =	ssyncset.done $0x0  }
0x276: {  	[sflag:s17] =	ssyncadd.s32 $0xFFFFF380  }
0x277: {  	v1 =	vld [tilespmem:$0x2C80];
	_ =	sdelay $0x1  }
0x278: {  	v2 =	vld [tilespmem:$0x2C90];
	_ =	sdelay $0x1  }
0x279: {  	v3 =	vld [tilespmem:$0x2CA0]  }
0x27a: {  	v1 =	vadd.f32 $0.0e+00, v1  }
0x27b: {  	v4 =	vld [tilespmem:$0x2CB0]  }
0x27c: {  	v1 =	vadd.f32 v2, v1  }
0x27d: {  	v2 =	vld [tilespmem:$0x2CC0]  }
0x27e: {  	v1 =	vadd.f32 v3, v1  }
0x27f: {  	v3 =	vld [tilespmem:$0x2CD0]  }
0x280: {  	v1 =	vadd.f32 v4, v1  }
0x281: {  	v55 =	vld [tilespmem:$0x2CE0]  }
0x282: {  	v1 =	vadd.f32 v2, v1  }
0x283: {  	v2 =	vld [tilespmem:$0x2CF0]  }
0x284: {  	v1 =	vadd.f32 v3, v1  }
0x285: {  	v3 =	vld [tilespmem:$0x2D00]  }
0x286: {  	v1 =	vadd.f32 v55, v1  }
0x287: {  	v56 =	vld [tilespmem:$0x2D10]  }
0x288: {  	v1 =	vadd.f32 v2, v1  }
0x289: {  	v2 =	vld [tilespmem:$0x2D20]  }
0x28a: {  	v1 =	vadd.f32 v3, v1  }
0x28b: {  	v3 =	vld [tilespmem:$0x2D30]  }
0x28c: {  	v1 =	vadd.f32 v56, v1  }
0x28d: {  	v57 =	vld [tilespmem:$0x2D40]  }
0x28e: {  	v1 =	vadd.f32 v2, v1  }
0x28f: {  	v2 =	vld [tilespmem:$0x2D50]  }
0x290: {  	v1 =	vadd.f32 v3, v1  }
0x291: {  	v3 =	vld [tilespmem:$0x2D60]  }
0x292: {  	v1 =	vadd.f32 v57, v1  }
0x293: {  	v58 =	vld [tilespmem:$0x2D70]  }
0x294: {  	v1 =	vadd.f32 v2, v1  }
0x295: {  	v2 =	vld [tilespmem:$0x2D80]  }
0x296: {  	v1 =	vadd.f32 v3, v1  }
0x297: {  	v3 =	vld [tilespmem:$0x2D90]  }
0x298: {  	v1 =	vadd.f32 v58, v1  }
0x299: {  	v59 =	vld [tilespmem:$0x2DA0]  }
0x29a: {  	v1 =	vadd.f32 v2, v1  }
0x29b: {  	v2 =	vld [tilespmem:$0x2DB0]  }
0x29c: {  	v1 =	vadd.f32 v3, v1  }
0x29d: {  	v3 =	vld [tilespmem:$0x2DC0]  }
0x29e: {  	v1 =	vadd.f32 v59, v1  }
0x29f: {  	v60 =	vld [tilespmem:$0x2DD0]  }
0x2a0: {  	v1 =	vadd.f32 v2, v1  }
0x2a1: {  	v2 =	vld [tilespmem:$0x2DE0]  }
0x2a2: {  	v1 =	vadd.f32 v3, v1  }
0x2a3: {  	v3 =	vld [tilespmem:$0x2DF0]  }
0x2a4: {  	v1 =	vadd.f32 v60, v1  }
0x2a5: {  	v61 =	vld [tilespmem:$0x2E00]  }
0x2a6: {  	v1 =	vadd.f32 v2, v1  }
0x2a7: {  	v2 =	vld [tilespmem:$0x2E10]  }
0x2a8: {  	v1 =	vadd.f32 v3, v1  }
0x2a9: {  	v3 =	vld [tilespmem:$0x2E20]  }
0x2aa: {  	v1 =	vadd.f32 v61, v1  }
0x2ab: {  	v62 =	vld [tilespmem:$0x2E30]  }
0x2ac: {  	v1 =	vadd.f32 v2, v1  }
0x2ad: {  	v2 =	vld [tilespmem:$0x2E40]  }
0x2ae: {  	v1 =	vadd.f32 v3, v1  }
0x2af: {  	v3 =	vld [tilespmem:$0x2E50]  }
0x2b0: {  	v1 =	vadd.f32 v62, v1  }
0x2b1: {  	v63 =	vld [tilespmem:$0x2E60]  }
0x2b2: {  	v1 =	vadd.f32 v2, v1  }
0x2b3: {  	v2 =	vld [tilespmem:$0x2E70]  }
0x2b4: {  	v1 =	vadd.f32 v3, v1  }
0x2b5: {  	v3 =	vld [tilespmem:$0x2E80]  }
0x2b6: {  	v1 =	vadd.f32 v63, v1  }
0x2b7: {  	v8 =	vld [tilespmem:$0x2E90]  }
0x2b8: {  	v1 =	vadd.f32 v2, v1  }
0x2b9: {  	v2 =	vld [tilespmem:$0x2EA0]  }
0x2ba: {  	v1 =	vadd.f32 v3, v1  }
0x2bb: {  	v3 =	vld [tilespmem:$0x2EB0]  }
0x2bc: {  	v1 =	vadd.f32 v8, v1  }
0x2bd: {  	v9 =	vld [tilespmem:$0x2EC0]  }
0x2be: {  	v1 =	vadd.f32 v2, v1  }
0x2bf: {  	v2 =	vld [tilespmem:$0x2ED0]  }
0x2c0: {  	v1 =	vadd.f32 v3, v1  }
0x2c1: {  	v3 =	vld [tilespmem:$0x2EE0]  }
0x2c2: {  	v1 =	vadd.f32 v9, v1  }
0x2c3: {  	v10 =	vld [tilespmem:$0x2EF0]  }
0x2c4: {  	v1 =	vadd.f32 v2, v1  }
0x2c5: {  	v2 =	vld [tilespmem:$0x2F00]  }
0x2c6: {  	v1 =	vadd.f32 v3, v1  }
0x2c7: {  	v3 =	vld [tilespmem:$0x2F10]  }
0x2c8: {  	v1 =	vadd.f32 v10, v1  }
0x2c9: {  	v11 =	vld [tilespmem:$0x2F20]  }
0x2ca: {  	v1 =	vadd.f32 v2, v1  }
0x2cb: {  	v2 =	vld [tilespmem:$0x2F30]  }
0x2cc: {  	v1 =	vadd.f32 v3, v1  }
0x2cd: {  	v3 =	vld [tilespmem:$0x2F40]  }
0x2ce: {  	v1 =	vadd.f32 v11, v1  }
0x2cf: {  	v12 =	vld [tilespmem:$0x2F50]  }
0x2d0: {  	v1 =	vadd.f32 v2, v1  }
0x2d1: {  	v2 =	vld [tilespmem:$0x2F60]  }
0x2d2: {  	v1 =	vadd.f32 v3, v1  }
0x2d3: {  	v3 =	vld [tilespmem:$0x2F70]  }
0x2d4: {  	v1 =	vadd.f32 v12, v1  }
0x2d5: {  	v13 =	vld [tilespmem:$0x2F80]  }
0x2d6: {  	v1 =	vadd.f32 v2, v1  }
0x2d7: {  	v2 =	vld [tilespmem:$0x2F90]  }
0x2d8: {  	v1 =	vadd.f32 v3, v1  }
0x2d9: {  	v3 =	vld [tilespmem:$0x2FA0]  }
0x2da: {  	v1 =	vadd.f32 v13, v1  }
0x2db: {  	v14 =	vld [tilespmem:$0x2FB0]  }
0x2dc: {  	v1 =	vadd.f32 v2, v1  }
0x2dd: {  	v2 =	vld [tilespmem:$0x2FC0]  }
0x2de: {  	v1 =	vadd.f32 v3, v1  }
0x2df: {  	v3 =	vld [tilespmem:$0x2FD0]  }
0x2e0: {  	v1 =	vadd.f32 v14, v1  }
0x2e1: {  	v15 =	vld [tilespmem:$0x2FE0]  }
0x2e2: {  	v1 =	vadd.f32 v2, v1  }
0x2e3: {  	v2 =	vld [tilespmem:$0x2FF0]  }
0x2e4: {  	v1 =	vadd.f32 v3, v1  }
0x2e5: {  	v3 =	vld [tilespmem:$0x3000]  }
0x2e6: {  	v1 =	vadd.f32 v15, v1  }
0x2e7: {  	v16 =	vld [tilespmem:$0x3010]  }
0x2e8: {  	v1 =	vadd.f32 v2, v1  }
0x2e9: {  	v2 =	vld [tilespmem:$0x3020]  }
0x2ea: {  	v1 =	vadd.f32 v3, v1  }
0x2eb: {  	v3 =	vld [tilespmem:$0x3030]  }
0x2ec: {  	v1 =	vadd.f32 v16, v1  }
0x2ed: {  	v17 =	vld [tilespmem:$0x3040]  }
0x2ee: {  	v1 =	vadd.f32 v2, v1  }
0x2ef: {  	v2 =	vld [tilespmem:$0x3050]  }
0x2f0: {  	v1 =	vadd.f32 v3, v1  }
0x2f1: {  	v3 =	vld [tilespmem:$0x3060]  }
0x2f2: {  	v1 =	vadd.f32 v17, v1  }
0x2f3: {  	v18 =	vld [tilespmem:$0x3070]  }
0x2f4: {  	v1 =	vadd.f32 v2, v1  }
0x2f5: {  	v2 =	vld [tilespmem:$0x3080]  }
0x2f6: {  	v1 =	vadd.f32 v3, v1  }
0x2f7: {  	v3 =	vld [tilespmem:$0x3090]  }
0x2f8: {  	v1 =	vadd.f32 v18, v1  }
0x2f9: {  	v19 =	vld [tilespmem:$0x30A0]  }
0x2fa: {  	v1 =	vadd.f32 v2, v1  }
0x2fb: {  	v2 =	vld [tilespmem:$0x30B0]  }
0x2fc: {  	v1 =	vadd.f32 v3, v1  }
0x2fd: {  	v3 =	vld [tilespmem:$0x30C0]  }
0x2fe: {  	v1 =	vadd.f32 v19, v1  }
0x2ff: {  	v20 =	vld [tilespmem:$0x30D0]  }
0x300: {  	v1 =	vadd.f32 v2, v1  }
0x301: {  	v2 =	vld [tilespmem:$0x30E0]  }
0x302: {  	v1 =	vadd.f32 v3, v1  }
0x303: {  	v3 =	vld [tilespmem:$0x30F0]  }
0x304: {  	v1 =	vadd.f32 v20, v1  }
0x305: {  	v21 =	vld [tilespmem:$0x3100]  }
0x306: {  	v1 =	vadd.f32 v2, v1  }
0x307: {  	v2 =	vld [tilespmem:$0x3110]  }
0x308: {  	v1 =	vadd.f32 v3, v1  }
0x309: {  	v3 =	vld [tilespmem:$0x3120]  }
0x30a: {  	v1 =	vadd.f32 v21, v1  }
0x30b: {  	v22 =	vld [tilespmem:$0x3130]  }
0x30c: {  	v1 =	vadd.f32 v2, v1  }
0x30d: {  	v2 =	vld [tilespmem:$0x3140]  }
0x30e: {  	v1 =	vadd.f32 v3, v1  }
0x30f: {  	v3 =	vld [tilespmem:$0x3150]  }
0x310: {  	v1 =	vadd.f32 v22, v1  }
0x311: {  	v23 =	vld [tilespmem:$0x3160]  }
0x312: {  	v1 =	vadd.f32 v2, v1  }
0x313: {  	v2 =	vld [tilespmem:$0x3170]  }
0x314: {  	v1 =	vadd.f32 v3, v1  }
0x315: {  	v3 =	vld [tilespmem:$0x3180]  }
0x316: {  	v1 =	vadd.f32 v23, v1  }
0x317: {  	v24 =	vld [tilespmem:$0x3190]  }
0x318: {  	v1 =	vadd.f32 v2, v1  }
0x319: {  	v2 =	vld [tilespmem:$0x31A0]  }
0x31a: {  	v1 =	vadd.f32 v3, v1  }
0x31b: {  	v3 =	vld [tilespmem:$0x31B0]  }
0x31c: {  	v1 =	vadd.f32 v24, v1  }
0x31d: {  	v25 =	vld [tilespmem:$0x31C0]  }
0x31e: {  	v1 =	vadd.f32 v2, v1  }
0x31f: {  	v2 =	vld [tilespmem:$0x31D0]  }
0x320: {  	v1 =	vadd.f32 v3, v1  }
0x321: {  	v3 =	vld [tilespmem:$0x31E0]  }
0x322: {  	v1 =	vadd.f32 v25, v1  }
0x323: {  	v26 =	vld [tilespmem:$0x31F0]  }
0x324: {  	v1 =	vadd.f32 v2, v1  }
0x325: {  	v2 =	vld [tilespmem:$0x3200]  }
0x326: {  	v1 =	vadd.f32 v3, v1  }
0x327: {  	v3 =	vld [tilespmem:$0x3210]  }
0x328: {  	v1 =	vadd.f32 v26, v1  }
0x329: {  	v27 =	vld [tilespmem:$0x3220]  }
0x32a: {  	v1 =	vadd.f32 v2, v1  }
0x32b: {  	v2 =	vld [tilespmem:$0x3230]  }
0x32c: {  	v1 =	vadd.f32 v3, v1  }
0x32d: {  	v3 =	vld [tilespmem:$0x3240]  }
0x32e: {  	v1 =	vadd.f32 v27, v1  }
0x32f: {  	v28 =	vld [tilespmem:$0x3250]  }
0x330: {  	v1 =	vadd.f32 v2, v1  }
0x331: {  	v2 =	vld [tilespmem:$0x3260]  }
0x332: {  	v1 =	vadd.f32 v3, v1  }
0x333: {  	v3 =	vld [tilespmem:$0x3270]  }
0x334: {  	v1 =	vadd.f32 v28, v1  }
0x335: {  	v29 =	vld [tilespmem:$0x3280]  }
0x336: {  	v1 =	vadd.f32 v2, v1  }
0x337: {  	v2 =	vld [tilespmem:$0x3290]  }
0x338: {  	v1 =	vadd.f32 v3, v1  }
0x339: {  	v3 =	vld [tilespmem:$0x32A0]  }
0x33a: {  	v1 =	vadd.f32 v29, v1  }
0x33b: {  	v30 =	vld [tilespmem:$0x32B0]  }
0x33c: {  	v1 =	vadd.f32 v2, v1  }
0x33d: {  	v2 =	vld [tilespmem:$0x32C0]  }
0x33e: {  	v1 =	vadd.f32 v3, v1  }
0x33f: {  	v3 =	vld [tilespmem:$0x32D0]  }
0x340: {  	v1 =	vadd.f32 v30, v1  }
0x341: {  	v31 =	vld [tilespmem:$0x32E0]  }
0x342: {  	v1 =	vadd.f32 v2, v1  }
0x343: {  	v2 =	vld [tilespmem:$0x32F0]  }
0x344: {  	v1 =	vadd.f32 v3, v1  }
0x345: {  	v3 =	vld [tilespmem:$0x3300]  }
0x346: {  	v1 =	vadd.f32 v31, v1  }
0x347: {  	v32 =	vld [tilespmem:$0x3310]  }
0x348: {  	v1 =	vadd.f32 v2, v1  }
0x349: {  	v2 =	vld [tilespmem:$0x3320]  }
0x34a: {  	v1 =	vadd.f32 v3, v1  }
0x34b: {  	v3 =	vld [tilespmem:$0x3330]  }
0x34c: {  	v1 =	vadd.f32 v32, v1  }
0x34d: {  	v33 =	vld [tilespmem:$0x3340]  }
0x34e: {  	v1 =	vadd.f32 v2, v1  }
0x34f: {  	v2 =	vld [tilespmem:$0x3350]  }
0x350: {  	v1 =	vadd.f32 v3, v1  }
0x351: {  	v3 =	vld [tilespmem:$0x3360]  }
0x352: {  	v1 =	vadd.f32 v33, v1  }
0x353: {  	v34 =	vld [tilespmem:$0x3370]  }
0x354: {  	v1 =	vadd.f32 v2, v1  }
0x355: {  	v2 =	vld [tilespmem:$0x3380]  }
0x356: {  	v1 =	vadd.f32 v3, v1  }
0x357: {  	v3 =	vld [tilespmem:$0x3390]  }
0x358: {  	v1 =	vadd.f32 v34, v1  }
0x359: {  	v35 =	vld [tilespmem:$0x33A0]  }
0x35a: {  	v1 =	vadd.f32 v2, v1  }
0x35b: {  	v2 =	vld [tilespmem:$0x33B0]  }
0x35c: {  	v1 =	vadd.f32 v3, v1  }
0x35d: {  	v3 =	vld [tilespmem:$0x33C0]  }
0x35e: {  	v1 =	vadd.f32 v35, v1  }
0x35f: {  	v36 =	vld [tilespmem:$0x33D0]  }
0x360: {  	v1 =	vadd.f32 v2, v1  }
0x361: {  	v2 =	vld [tilespmem:$0x33E0]  }
0x362: {  	v1 =	vadd.f32 v3, v1  }
0x363: {  	v3 =	vld [tilespmem:$0x33F0]  }
0x364: {  	v1 =	vadd.f32 v36, v1  }
0x365: {  	v37 =	vld [tilespmem:$0x3400]  }
0x366: {  	v1 =	vadd.f32 v2, v1  }
0x367: {  	v2 =	vld [tilespmem:$0x3410]  }
0x368: {  	v1 =	vadd.f32 v3, v1  }
0x369: {  	v3 =	vld [tilespmem:$0x3420]  }
0x36a: {  	v1 =	vadd.f32 v37, v1  }
0x36b: {  	v38 =	vld [tilespmem:$0x3430]  }
0x36c: {  	v1 =	vadd.f32 v2, v1  }
0x36d: {  	v2 =	vld [tilespmem:$0x3440]  }
0x36e: {  	v1 =	vadd.f32 v3, v1  }
0x36f: {  	v3 =	vld [tilespmem:$0x3450]  }
0x370: {  	v1 =	vadd.f32 v38, v1  }
0x371: {  	v39 =	vld [tilespmem:$0x3460]  }
0x372: {  	v1 =	vadd.f32 v2, v1  }
0x373: {  	v2 =	vld [tilespmem:$0x3470]  }
0x374: {  	v1 =	vadd.f32 v3, v1  }
0x375: {  	v3 =	vld [tilespmem:$0x3480]  }
0x376: {  	v1 =	vadd.f32 v39, v1  }
0x377: {  	v40 =	vld [tilespmem:$0x3490]  }
0x378: {  	v1 =	vadd.f32 v2, v1  }
0x379: {  	v2 =	vld [tilespmem:$0x34A0]  }
0x37a: {  	v1 =	vadd.f32 v3, v1  }
0x37b: {  	v3 =	vld [tilespmem:$0x34B0]  }
0x37c: {  	v1 =	vadd.f32 v40, v1  }
0x37d: {  	v41 =	vld [tilespmem:$0x34C0]  }
0x37e: {  	v1 =	vadd.f32 v2, v1  }
0x37f: {  	v2 =	vld [tilespmem:$0x34D0]  }
0x380: {  	v1 =	vadd.f32 v3, v1  }
0x381: {  	v3 =	vld [tilespmem:$0x34E0]  }
0x382: {  	v1 =	vadd.f32 v41, v1  }
0x383: {  	v42 =	vld [tilespmem:$0x34F0]  }
0x384: {  	v1 =	vadd.f32 v2, v1  }
0x385: {  	v2 =	vld [tilespmem:$0x3500]  }
0x386: {  	v1 =	vadd.f32 v3, v1  }
0x387: {  	v3 =	vld [tilespmem:$0x3510]  }
0x388: {  	v1 =	vadd.f32 v42, v1  }
0x389: {  	v43 =	vld [tilespmem:$0x3520]  }
0x38a: {  	v1 =	vadd.f32 v2, v1  }
0x38b: {  	v2 =	vld [tilespmem:$0x3530]  }
0x38c: {  	v1 =	vadd.f32 v3, v1  }
0x38d: {  	v3 =	vld [tilespmem:$0x3540]  }
0x38e: {  	v1 =	vadd.f32 v43, v1  }
0x38f: {  	v44 =	vld [tilespmem:$0x3550]  }
0x390: {  	v1 =	vadd.f32 v2, v1  }
0x391: {  	v2 =	vld [tilespmem:$0x3560]  }
0x392: {  	v1 =	vadd.f32 v3, v1  }
0x393: {  	v3 =	vld [tilespmem:$0x3570]  }
0x394: {  	v1 =	vadd.f32 v44, v1  }
0x395: {  	v45 =	vld [tilespmem:$0x3580]  }
0x396: {  	v1 =	vadd.f32 v2, v1  }
0x397: {  	v2 =	vld [tilespmem:$0x3590]  }
0x398: {  	v1 =	vadd.f32 v3, v1  }
0x399: {  	v3 =	vld [tilespmem:$0x35A0]  }
0x39a: {  	v1 =	vadd.f32 v45, v1  }
0x39b: {  	v46 =	vld [tilespmem:$0x35B0]  }
0x39c: {  	v1 =	vadd.f32 v2, v1  }
0x39d: {  	v2 =	vld [tilespmem:$0x35C0]  }
0x39e: {  	v1 =	vadd.f32 v3, v1  }
0x39f: {  	v3 =	vld [tilespmem:$0x35D0]  }
0x3a0: {  	v1 =	vadd.f32 v46, v1  }
0x3a1: {  	v47 =	vld [tilespmem:$0x35E0]  }
0x3a2: {  	v1 =	vadd.f32 v2, v1  }
0x3a3: {  	v2 =	vld [tilespmem:$0x35F0]  }
0x3a4: {  	v1 =	vadd.f32 v3, v1  }
0x3a5: {  	v3 =	vld [tilespmem:$0x3600]  }
0x3a6: {  	v1 =	vadd.f32 v47, v1  }
0x3a7: {  	v48 =	vld [tilespmem:$0x3610]  }
0x3a8: {  	v1 =	vadd.f32 v2, v1  }
0x3a9: {  	v2 =	vld [tilespmem:$0x3620]  }
0x3aa: {  	v1 =	vadd.f32 v3, v1  }
0x3ab: {  	v3 =	vld [tilespmem:$0x3630]  }
0x3ac: {  	v1 =	vadd.f32 v48, v1  }
0x3ad: {  	v49 =	vld [tilespmem:$0x3640]  }
0x3ae: {  	v1 =	vadd.f32 v2, v1  }
0x3af: {  	v2 =	vld [tilespmem:$0x3650]  }
0x3b0: {  	v1 =	vadd.f32 v3, v1  }
0x3b1: {  	v3 =	vld [tilespmem:$0x3660]  }
0x3b2: {  	v1 =	vadd.f32 v49, v1  }
0x3b3: {  	v50 =	vld [tilespmem:$0x3670]  }
0x3b4: {  	v1 =	vadd.f32 v2, v1  }
0x3b5: {  	v2 =	vld [tilespmem:$0x3680]  }
0x3b6: {  	v1 =	vadd.f32 v3, v1  }
0x3b7: {  	v3 =	vld [tilespmem:$0x3690]  }
0x3b8: {  	v1 =	vadd.f32 v50, v1  }
0x3b9: {  	v51 =	vld [tilespmem:$0x36A0]  }
0x3ba: {  	v1 =	vadd.f32 v2, v1  }
0x3bb: {  	v2 =	vld [tilespmem:$0x36B0]  }
0x3bc: {  	v1 =	vadd.f32 v3, v1  }
0x3bd: {  	v3 =	vld [tilespmem:$0x36C0]  }
0x3be: {  	v1 =	vadd.f32 v51, v1  }
0x3bf: {  	v52 =	vld [tilespmem:$0x36D0]  }
0x3c0: {  	v1 =	vadd.f32 v2, v1  }
0x3c1: {  	v2 =	vld [tilespmem:$0x36E0]  }
0x3c2: {  	v1 =	vadd.f32 v3, v1  }
0x3c3: {  	v3 =	vld [tilespmem:$0x36F0]  }
0x3c4: {  	v1 =	vadd.f32 v52, v1  }
0x3c5: {  	v53 =	vld [tilespmem:$0x3700]  }
0x3c6: {  	v1 =	vadd.f32 v2, v1  }
0x3c7: {  	v2 =	vld [tilespmem:$0x3710]  }
0x3c8: {  	v1 =	vadd.f32 v3, v1  }
0x3c9: {  	v3 =	vld [tilespmem:$0x3720]  }
0x3ca: {  	v1 =	vadd.f32 v53, v1  }
0x3cb: {  	v54 =	vld [tilespmem:$0x3730]  }
0x3cc: {  	v1 =	vadd.f32 v2, v1  }
0x3cd: {  	v2 =	vld [tilespmem:$0x3740]  }
0x3ce: {  	v1 =	vadd.f32 v3, v1  }
0x3cf: {  	v3 =	vld [tilespmem:$0x3750]  }
0x3d0: {  	v1 =	vadd.f32 v54, v1  }
0x3d1: {  	v55 =	vld [tilespmem:$0x3760]  }
0x3d2: {  	v1 =	vadd.f32 v2, v1  }
0x3d3: {  	v2 =	vld [tilespmem:$0x3770]  }
0x3d4: {  	v1 =	vadd.f32 v3, v1  }
0x3d5: {  	v3 =	vld [tilespmem:$0x3780]  }
0x3d6: {  	v1 =	vadd.f32 v55, v1  }
0x3d7: {  	v56 =	vld [tilespmem:$0x3790]  }
0x3d8: {  	v1 =	vadd.f32 v2, v1  }
0x3d9: {  	v2 =	vld [tilespmem:$0x37A0]  }
0x3da: {  	v1 =	vadd.f32 v3, v1  }
0x3db: {  	v3 =	vld [tilespmem:$0x37B0]  }
0x3dc: {  	v1 =	vadd.f32 v56, v1  }
0x3dd: {  	v57 =	vld [tilespmem:$0x37C0]  }
0x3de: {  	v1 =	vadd.f32 v2, v1  }
0x3df: {  	v2 =	vld [tilespmem:$0x37D0]  }
0x3e0: {  	v1 =	vadd.f32 v3, v1  }
0x3e1: {  	v3 =	vld [tilespmem:$0x37E0]  }
0x3e2: {  	v1 =	vadd.f32 v57, v1  }
0x3e3: {  	v58 =	vld [tilespmem:$0x37F0]  }
0x3e4: {  	v1 =	vadd.f32 v2, v1  }
0x3e5: {  	v2 =	vld [tilespmem:$0x3800]  }
0x3e6: {  	v1 =	vadd.f32 v3, v1  }
0x3e7: {  	v3 =	vld [tilespmem:$0x3810]  }
0x3e8: {  	v1 =	vadd.f32 v58, v1  }
0x3e9: {  	v59 =	vld [tilespmem:$0x3820]  }
0x3ea: {  	v1 =	vadd.f32 v2, v1  }
0x3eb: {  	v2 =	vld [tilespmem:$0x3830]  }
0x3ec: {  	v1 =	vadd.f32 v3, v1  }
0x3ed: {  	v3 =	vld [tilespmem:$0x3840]  }
0x3ee: {  	v1 =	vadd.f32 v59, v1  }
0x3ef: {  	v60 =	vld [tilespmem:$0x3850]  }
0x3f0: {  	v1 =	vadd.f32 v2, v1  }
0x3f1: {  	v2 =	vld [tilespmem:$0x3860]  }
0x3f2: {  	v1 =	vadd.f32 v3, v1  }
0x3f3: {  	v3 =	vld [tilespmem:$0x3870]  }
0x3f4: {  	v1 =	vadd.f32 v60, v1  }
0x3f5: {  	v61 =	vld [tilespmem:$0x3880]  }
0x3f6: {  	v1 =	vadd.f32 v2, v1  }
0x3f7: {  	v2 =	vld [tilespmem:$0x3890]  }
0x3f8: {  	v1 =	vadd.f32 v3, v1  }
0x3f9: {  	v3 =	vld [tilespmem:$0x38A0]  }
0x3fa: {  	v1 =	vadd.f32 v61, v1  }
0x3fb: {  	v62 =	vld [tilespmem:$0x38B0]  }
0x3fc: {  	v1 =	vadd.f32 v2, v1  }
0x3fd: {  	v2 =	vld [tilespmem:$0x38C0]  }
0x3fe: {  	v1 =	vadd.f32 v3, v1  }
0x3ff: {  	v3 =	vld [tilespmem:$0x38D0]  }
0x400: {  	v1 =	vadd.f32 v62, v1  }
0x401: {  	v63 =	vld [tilespmem:$0x38E0]  }
0x402: {  	v1 =	vadd.f32 v2, v1  }
0x403: {  	v2 =	vld [tilespmem:$0x38F0]  }
0x404: {  	v1 =	vadd.f32 v3, v1;
	_ =	sdelay $0x1  }
0x405: {  	v1 =	vadd.f32 v63, v1;
	_ =	sdelay $0x1  }
0x406: {  	v1 =	vadd.f32 v2, v1;
	_ =	sdelay $0x1  }
0x407: {  	v1 =	vmul.f32 $-4.999999890e-03, v1;
	_ =	sdelay $0x1  }
0x408: {  	v1 =	vadd.f32 $0.0e+00, v1;
	_ =	sdelay $0x1  }
0x409: {  	v1 =	vmul.f32 $1.442695020e+00, v1;
	_ =	sdelay $0x1  }
0x40a: {  	(erf) = vpow2.f32 v1;
	_ =	sdelay $0x8  }
0x40b: {  	v1 =	vpop (erf)  }
0x40c: {  	v1 =	vadd.f32 $1.000000000e+00, v1;
	_ =	sdelay $0x1  }
0x40d: {  	(erf) = vrcp.f32 v1;
	_ =	sdelay $0x8  }
0x40e: {  	v1 =	vpop (erf)  }
0x40f: {  	v1 =	vmul.f32 $1.000000000e+02, v1;
	_ =	sdelay $0x1  }
0x410: {  	v1 =	vadd.f32 $5.000000000e-01, v1;
	_ =	sdelay $0x1  }
0x411: {  	v1 =	vtrunc.f32 v1  }
0x412: {  	v1 =	vcvt.f32.s32 v1;
	_ =	sdelay $0x1  }
.Ltmp3:
0x413: {  	v1 =	vcvt.s32.f32 v1;
	(pc) =	sbr.rel @p1 .LBB2_6-.Ltmp3, $3  }
0x414: {  	_ = 	snop  }
0x415: {  	v1 =	vmul.f32 v1, v0;
	_ =	sdelay $0x1  }
0x416: {  	[tilespmem:s18+$0x0] =	vst v1  }
.Ltmp4:
0x417: {  	(pc) =	sbr.rel .LBB2_2-.Ltmp4, $3  }
0x418: {  	_ =	sdelay $0x1  }
0x419: {  	s20 =	sadd.s32 s19, s8;
	s18 =	sadd.s32 $0x20, s18;
	s19 =	sadd.s32 $0x400, s19  }
0x41a: {  	[tilespmem:s11], [sflag:$0x2] =	stream.linear.gather [hbm4b:s20+s2], $0xC80, $0x38;
	[tilespmem:$0x12F28] =	vst v63  }
.LBB2_7:
0x41b: {  	_ =	sfence.sel $0x180000  }
0x41c: {  	[bflag:$0x0] =	sbarrier.arrive $0xFFFF  }
0x41d: {  	_ =	strace $0x90000047  }
0x41e: {  	[bflag:$0x2] =	sbarrier.arrive $0xFFFF  }
0x41f: {  	s0 =	rddreg [dreg:$0x3]  }
0x420: {  	s0 =	sadd.s32 @!p0 $0x100000, s0  }
0x421: {  	[sflag:s0] =	ssyncadd.tile.s32 @!p0 $0x1;
	_ =	shalt  }
.Lfunc_end2:
_tile_overlayer_lowered:
.L_overlay_start_2:
0x422: {  	(tag) =	ssettag $0x2  }
0x423: {  	s0 =	rddreg [dreg:$0x0];
	s2 =	stileid.u32  }
0x424: {  	s1 =	rddreg [dreg:$0x1];
	p0 =	sne.s32 s2, $0x0  }
0x425: {  	s3 =	rddreg [dreg:$0x2];
	[bflag:$0x3] =	sbarrier.arrive $0xFFFF;
	s2 =	simm.s32 @!p0 $0x1C05  }
0x426: {  	[timem:s3], [sflag:s2] =	dma.local @!p0 [hbm:s0], s1  }
0x427: {  	s0 =	simm.s32 @!p0 $0x5  }
0x428: {  	_ =	swait.ge @!p0 [sflag:s0], s1  }
0x429: {  	s1 =	ssub.s32 @!p0 $0x0, s1;
	[sflag:s0] =	ssyncset.done @!p0 $0x0  }
0x42a: {  	[sflag:s0] =	ssyncadd.s32 @!p0 s1  }
0x42b: {  	[bflag:$0x3] =	sbarrier.arrive $0xFFFF  }
0x42c: {  	_ =	shalt  }

</sc_bundles>
